<compile_context>
chip_gen: v7x
topology: tpu7x:2x2x1
jax: 0.10.2.dev20260603
libtpu: 0.0.44.dev20260713+nightly
codegen_flags: <defaults>
</compile_context>

<pallas_src>
import functools

import numpy as np
import jax
import jax.numpy as jnp
from jax import lax
from jax.experimental import pallas as pl
from jax.experimental.pallas import tpu as pltpu
from jax.experimental.pallas import tpu_sc as plsc

_DIM = 768
_SEQ = 64
_NC = 2
_NS = 16
_NW = _NC * _NS
_CH = 16
_NSLOT = 4
_NG = _DIM // 16


def _pos_table() -> np.ndarray:
    pos = np.arange(_SEQ, dtype=np.float32)[:, None]
    i = np.arange(_DIM // 2, dtype=np.float32)[None, :]
    angle = pos / np.power(10000.0, 2.0 * i / _DIM)
    return np.concatenate([np.sin(angle), np.cos(angle)], axis=-1)


def _build(total_tokens: int):
    t_per_w = total_tokens // _NW
    n_ch = t_per_w // _CH
    mesh = plsc.VectorSubcoreMesh(
        core_axis_name="c", subcore_axis_name="s",
        num_cores=_NC, num_subcores=_NS,
    )

    @functools.partial(
        pl.kernel,
        mesh=mesh,
        out_type=jax.ShapeDtypeStruct((total_tokens, _DIM), jnp.float32),
        scratch_types=[
            pltpu.VMEM((t_per_w,), jnp.int32),
            pltpu.VMEM((_SEQ, _DIM), jnp.float32),
            [pltpu.VMEM((_CH, _DIM), jnp.float32) for _ in range(_NSLOT)],
            [pltpu.SemaphoreType.DMA for _ in range(_NSLOT)],
        ],
    )
    def run(idx_hbm, wte_hbm, pos_hbm, out_hbm, idx_v, pos_v, rows, sems):
        wid = lax.axis_index("s") * _NC + lax.axis_index("c")
        base = wid * t_per_w

        pltpu.sync_copy(idx_hbm.at[pl.ds(base, t_per_w)], idx_v)
        pltpu.sync_copy(pos_hbm, pos_v)

        def gather_desc(g, s):
            return pltpu.make_async_copy(
                wte_hbm.at[idx_v.at[pl.ds(g * _CH, _CH)]], rows[s], sems[s])

        def scatter_desc(g, s):
            return pltpu.make_async_copy(
                rows[s], out_hbm.at[pl.ds(base + g * _CH, _CH)], sems[s])

        def body(it, carry):
            for j in range(_NSLOT):
                g = it * _NSLOT + j
                gj = g - 2
                jj = (j - 2) % _NSLOT

                @pl.when(jnp.logical_and(g >= _NSLOT, g - _NSLOT < n_ch))
                def _():
                    with jax.named_scope("wait_scatter"):
                        scatter_desc(g - _NSLOT, j).wait()

                @pl.when(g < n_ch)
                def _():
                    gather_desc(g, j).start()

                @pl.when(jnp.logical_and(gj >= 0, gj < n_ch))
                def _():
                    with jax.named_scope("wait_gather"):
                        gather_desc(gj, jj).wait()

                    with jax.named_scope("vadd"):
                        @plsc.parallel_loop(0, _NG, unroll=8)
                        def _(cg):
                            sl = pl.ds(cg * 16, 16)
                            for r in range(_CH):
                                plsc.addupdate(rows[jj].at[r, sl],
                                               pos_v[jj * _CH + r, sl])
                    scatter_desc(gj, jj).start()
            return carry

        lax.fori_loop(0, n_ch // _NSLOT + 1, body, 0)

    return run


def kernel(x, wte):
    b, s = x.shape
    total = b * s
    idx_flat = x.reshape(total).astype(jnp.int32)
    pos = jnp.asarray(_pos_table())
    out = _build(total)(idx_flat, wte, pos)
    return out.reshape(b, s, _DIM)

# --- scband reference (transcript-rebuilt; emitter-appended) ---
"""Pipeline reference for scband-text-embed-7782480740522 (READ-ONLY COPY).

The authoritative reference and input builder live on the scoring server;
editing this copy changes nothing except your own understanding.
"""

import jax, jax.numpy as jnp
import numpy as np

VOCAB = 30522
DIM = 768
MAX_LEN = 64
BATCH = 4096
SEQ = 64


def fixed_sincos1d_embeddings(length, dim):
    pos = np.arange(length, dtype=np.float32)[:, None]
    i = np.arange(dim // 2, dtype=np.float32)[None, :]
    angle = pos / np.power(10000.0, 2.0 * i / dim)
    emb = np.concatenate([np.sin(angle), np.cos(angle)], axis=-1)
    return jnp.asarray(emb, dtype=jnp.float32)


def setup_inputs(seed: int = 0) -> dict:
    key = jax.random.key(seed)
    k1, k2 = jax.random.split(key)
    x = jax.random.randint(k1, (BATCH, SEQ), 0, VOCAB, dtype=jnp.int64 if jax.config.jax_enable_x64 else jnp.int32)
    # embedding table: truncated normal with stddev 0.02
    wte = jax.random.truncated_normal(k2, -2.0, 2.0, (VOCAB, DIM), dtype=jnp.float32) * 0.02
    return {"x": x, "wte": wte}


def reference(x, wte):
    pos_emb = fixed_sincos1d_embeddings(MAX_LEN, DIM)
    # truncation_len == max_len, so no slicing needed; keep faithful slice anyway
    pos_emb = pos_emb[:MAX_LEN, :]
    tok = jnp.take(wte, x, axis=0)  # [B, S, D]
    return tok + pos_emb

if __name__ == "__main__":
    import jax
    _d = setup_inputs()
    print(jax.jit(kernel)(*tuple(_d.values())))

</pallas_src>

<mosaic_0001>
#map = affine_map<(d0, d1) -> (0)>
#map1 = affine_map<(d0, d1) -> (0, 0)>
module attributes {stable_mosaic.version = 14 : i64} {
  func.func @run(%arg0: i32, %arg1: i32, %arg2: memref<262144xi32, #tpu.memory_space<hbm>>, %arg3: memref<30522x768xf32, #tpu.memory_space<hbm>>, %arg4: memref<64x768xf32, #tpu.memory_space<hbm>>, %arg5: memref<262144x768xf32, #tpu.memory_space<hbm>>, %arg6: memref<8192xi32, #tpu.memory_space<vmem>>, %arg7: memref<64x768xf32, #tpu.memory_space<vmem>>, %arg8: memref<16x768xf32, #tpu.memory_space<vmem>>, %arg9: memref<16x768xf32, #tpu.memory_space<vmem>>, %arg10: memref<16x768xf32, #tpu.memory_space<vmem>>, %arg11: memref<16x768xf32, #tpu.memory_space<vmem>>, %arg12: memref<!tpu.dma_semaphore, #tpu.memory_space<semaphore_mem>>, %arg13: memref<!tpu.dma_semaphore, #tpu.memory_space<semaphore_mem>>, %arg14: memref<!tpu.dma_semaphore, #tpu.memory_space<semaphore_mem>>, %arg15: memref<!tpu.dma_semaphore, #tpu.memory_space<semaphore_mem>>) attributes {dimension_semantics = [#tpu.dimension_semantics<core_parallel>, #tpu.dimension_semantics<subcore_parallel>], iteration_bounds = array<i64: 2, 16>, scalar_prefetch = 0 : i64, scratch_operands = 10 : i64, tpu.core_type = #tpu.core_type<sc_vector_subcore>, window_params = [{transform_indices = #map}, {transform_indices = #map1}, {transform_indices = #map1}, {transform_indices = #map1}]} {
    %mul3A = arith.constant 2 : i32
    %mul3A_0 = arith.muli %arg1, %mul3A : i32
    %add3A = arith.addi %mul3A_0, %arg0 : i32
    %mul3A_1 = arith.constant 8192 : i32
    %mul3A_2 = arith.muli %add3A, %mul3A_1 : i32
    "tpu.region"() ({
      %run_scoped3A = tpu.sem_alloc : memref<!tpu.dma_semaphore, #tpu.memory_space<semaphore_mem>>
      %dma_start3A = tpu.memref_slice %arg2[%mul3A_2] : memref<262144xi32, #tpu.memory_space<hbm>> -> memref<8192xi32, #tpu.memory_space<hbm>>
      %dma_start3A_8 = tpu.memref_slice %arg2[%mul3A_2] : memref<262144xi32, #tpu.memory_space<hbm>> -> memref<8192xi32, #tpu.memory_space<hbm>>
      tpu.enqueue_dma source(%dma_start3A_8 : memref<8192xi32, #tpu.memory_space<hbm>>) target(%arg6 : memref<8192xi32, #tpu.memory_space<vmem>>) target_semaphore(%run_scoped3A : memref<!tpu.dma_semaphore, #tpu.memory_space<semaphore_mem>>)
      %dma_wait3A = tpu.memref_slice %arg2[%mul3A_2] : memref<262144xi32, #tpu.memory_space<hbm>> -> memref<8192xi32, #tpu.memory_space<hbm>>
      %dma_wait3A_9 = tpu.memref_slice %arg2[%mul3A_2] : memref<262144xi32, #tpu.memory_space<hbm>> -> memref<8192xi32, #tpu.memory_space<hbm>>
      tpu.wait_dma2 semaphore(%run_scoped3A : memref<!tpu.dma_semaphore, #tpu.memory_space<semaphore_mem>>) src(%dma_wait3A_9 : memref<8192xi32, #tpu.memory_space<hbm>>) dst(%arg6 : memref<8192xi32, #tpu.memory_space<vmem>>)
      tpu.yield
    }) : () -> ()
    "tpu.region"() ({
      %run_scoped3A = tpu.sem_alloc : memref<!tpu.dma_semaphore, #tpu.memory_space<semaphore_mem>>
      tpu.enqueue_dma source(%arg4 : memref<64x768xf32, #tpu.memory_space<hbm>>) target(%arg7 : memref<64x768xf32, #tpu.memory_space<vmem>>) target_semaphore(%run_scoped3A : memref<!tpu.dma_semaphore, #tpu.memory_space<semaphore_mem>>)
      tpu.wait_dma2 semaphore(%run_scoped3A : memref<!tpu.dma_semaphore, #tpu.memory_space<semaphore_mem>>) src(%arg4 : memref<64x768xf32, #tpu.memory_space<hbm>>) dst(%arg7 : memref<64x768xf32, #tpu.memory_space<vmem>>)
      tpu.yield
    }) : () -> ()
    %scan3A = arith.constant 0 : i32
    %scan3A_3 = arith.constant 0 : i32
    %scan3A_4 = arith.constant 129 : i32
    %scan3A_5 = arith.addi %scan3A_3, %scan3A_4 : i32
    %scan3A_6 = arith.constant 1 : i32
    scf.for %scan3A_8 = %scan3A_3 to %scan3A_5 step %scan3A_6  : i32 {
      %mul3A_9 = arith.constant 4 : i32
      %mul3A_10 = arith.muli %scan3A_8, %mul3A_9 : i32
      %add3A_11 = arith.constant 0 : i32
      %add3A_12 = arith.addi %mul3A_10, %add3A_11 : i32
      %sub3A = arith.constant 2 : i32
      %sub3A_13 = arith.subi %add3A_12, %sub3A : i32
      %ge3A = arith.constant 4 : i32
      %ge3A_14 = arith.cmpi sge, %add3A_12, %ge3A : i32
      %sub3A_15 = arith.constant 4 : i32
      %sub3A_16 = arith.subi %add3A_12, %sub3A_15 : i32
      %lt3A = arith.constant 512 : i32
      %lt3A_17 = arith.cmpi slt, %sub3A_16, %lt3A : i32
      %and3A = arith.andi %ge3A_14, %lt3A_17 : i1
      %convert_element_type3A = arith.extui %and3A : i1 to i32
      %cond3A = arith.constant 0 : i32
      %cond3A_18 = arith.cmpi ne, %convert_element_type3A, %cond3A : i32
      scf.if %cond3A_18 {
        "tpu.trace_start"() <{level = 10 : i32, message = "wait_scatter"}> : () -> ()
        %sub3A_119 = arith.constant 4 : i32
        %sub3A_120 = arith.subi %add3A_12, %sub3A_119 : i32
        %mul3A_121 = arith.constant 16 : i32
        %mul3A_122 = arith.muli %sub3A_120, %mul3A_121 : i32
        %add3A_123 = arith.addi %mul3A_2, %mul3A_122 : i32
        %dma_wait3A = arith.constant 0 : i32
        %dma_wait3A_124 = tpu.memref_slice %arg5[%add3A_123, %dma_wait3A] : memref<262144x768xf32, #tpu.memory_space<hbm>> -> memref<16x768xf32, #tpu.memory_space<hbm>>
        %dma_wait3A_125 = arith.constant 0 : i32
        %dma_wait3A_126 = tpu.memref_slice %arg5[%add3A_123, %dma_wait3A_125] : memref<262144x768xf32, #tpu.memory_space<hbm>> -> memref<16x768xf32, #tpu.memory_space<hbm>>
        tpu.wait_dma2 semaphore(%arg12 : memref<!tpu.dma_semaphore, #tpu.memory_space<semaphore_mem>>) src(%arg8 : memref<16x768xf32, #tpu.memory_space<vmem>>) dst(%dma_wait3A_126 : memref<16x768xf32, #tpu.memory_space<hbm>>)
        "tpu.trace_stop"() : () -> ()
      } else {
      }
      %lt3A_19 = arith.constant 512 : i32
      %lt3A_20 = arith.cmpi slt, %add3A_12, %lt3A_19 : i32
      %convert_element_type3A_21 = arith.extui %lt3A_20 : i1 to i32
      %cond3A_22 = arith.constant 0 : i32
      %cond3A_23 = arith.cmpi ne, %convert_element_type3A_21, %cond3A_22 : i32
      scf.if %cond3A_23 {
        %mul3A_119 = arith.constant 16 : i32
        %mul3A_120 = arith.muli %add3A_12, %mul3A_119 : i32
        %dma_start3A = tpu.memref_slice %arg6[%mul3A_120] : memref<8192xi32, #tpu.memory_space<vmem>> -> memref<16xi32, #tpu.memory_space<vmem>>
        %dma_start3A_121 = arith.constant 0 : i32
        %dma_start3A_122 = arith.constant 0 : i32
        %dma_start3A_123 = tpu.memref_slice %arg3[%dma_start3A_121, %dma_start3A_122] : memref<30522x768xf32, #tpu.memory_space<hbm>> -> memref<30522x768xf32, #tpu.memory_space<hbm>>
        tpu.enqueue_indirect_dma source(%dma_start3A_123 : memref<30522x768xf32, #tpu.memory_space<hbm>>) target(%arg8 : memref<16x768xf32, #tpu.memory_space<vmem>>) offsets(%dma_start3A : memref<16xi32, #tpu.memory_space<vmem>>) semaphore(%arg12 : memref<!tpu.dma_semaphore, #tpu.memory_space<semaphore_mem>>)
      } else {
      }
      %ge3A_24 = arith.constant 0 : i32
      %ge3A_25 = arith.cmpi sge, %sub3A_13, %ge3A_24 : i32
      %lt3A_26 = arith.constant 512 : i32
      %lt3A_27 = arith.cmpi slt, %sub3A_13, %lt3A_26 : i32
      %and3A_28 = arith.andi %ge3A_25, %lt3A_27 : i1
      %convert_element_type3A_29 = arith.extui %and3A_28 : i1 to i32
      %cond3A_30 = arith.constant 0 : i32
      %cond3A_31 = arith.cmpi ne, %convert_element_type3A_29, %cond3A_30 : i32
      scf.if %cond3A_31 {
        "tpu.trace_start"() <{level = 10 : i32, message = "wait_gather"}> : () -> ()
        %mul3A_119 = arith.constant 16 : i32
        %mul3A_120 = arith.muli %sub3A_13, %mul3A_119 : i32
        %dma_wait3A = tpu.memref_slice %arg6[%mul3A_120] : memref<8192xi32, #tpu.memory_space<vmem>> -> memref<16xi32, #tpu.memory_space<vmem>>
        %dma_wait3A_121 = arith.constant 0 : i32
        %dma_wait3A_122 = arith.constant 0 : i32
        %dma_wait3A_123 = tpu.memref_slice %arg3[%dma_wait3A_121, %dma_wait3A_122] : memref<30522x768xf32, #tpu.memory_space<hbm>> -> memref<30522x768xf32, #tpu.memory_space<hbm>>
        tpu.wait_indirect_dma semaphore(%arg14 : memref<!tpu.dma_semaphore, #tpu.memory_space<semaphore_mem>>) src(%dma_wait3A_123 : memref<30522x768xf32, #tpu.memory_space<hbm>>) dst(%arg10 : memref<16x768xf32, #tpu.memory_space<vmem>>)
        %parallel_loop3A = arith.constant 0 : i32
        %parallel_loop3A_124 = arith.constant 48 : i32
        %parallel_loop3A_125 = arith.constant 1 : i32
        "tpu.trace_stop"() : () -> ()
        "tpu.trace_start"() <{level = 10 : i32, message = "vadd"}> : () -> ()
        scf.for %parallel_loop3A_132 = %parallel_loop3A to %parallel_loop3A_124 step %parallel_loop3A_125  : i32 {
          %parallel_loop3A_133 = arith.constant 16 : i32
          %parallel_loop3A_134 = arith.muli %parallel_loop3A_132, %parallel_loop3A_133 : i32
          %parallel_loop3A_135 = arith.constant 32 : i32
          %parallel_loop3A_136 = arith.index_cast %parallel_loop3A_135 : i32 to index
          %parallel_loop3A_137 = arith.index_cast %parallel_loop3A_134 : i32 to index
          %parallel_loop3A_138 = tpu.vector_load %arg7[%parallel_loop3A_136, %parallel_loop3A_137] {strides = array<i32>} : memref<64x768xf32, #tpu.memory_space<vmem>>, vector<1x16xf32>,
          %parallel_loop3A_139 = vector.shape_cast %parallel_loop3A_138 : vector<1x16xf32> to vector<16xf32>
          %parallel_loop3A_140 = arith.constant 0 : i32
          %parallel_loop3A_141 = arith.index_cast %parallel_loop3A_140 : i32 to index
          %parallel_loop3A_142 = arith.index_cast %parallel_loop3A_134 : i32 to index
          %parallel_loop3A_143 = tpu.vector_load %arg10[%parallel_loop3A_141, %parallel_loop3A_142] {strides = array<i32>} : memref<16x768xf32, #tpu.memory_space<vmem>>, vector<1x16xf32>,
          %parallel_loop3A_144 = vector.shape_cast %parallel_loop3A_143 : vector<1x16xf32> to vector<16xf32>
          %parallel_loop3A_145 = vector.shape_cast %parallel_loop3A_139 : vector<16xf32> to vector<1x16xf32>
          tpu.vector_store %arg10[%parallel_loop3A_141, %parallel_loop3A_142], %parallel_loop3A_145 {add = true, strides = array<i32>} : memref<16x768xf32, #tpu.memory_space<vmem>>, vector<1x16xf32>,
          %parallel_loop3A_146 = arith.constant 33 : i32
          %parallel_loop3A_147 = arith.index_cast %parallel_loop3A_146 : i32 to index
          %parallel_loop3A_148 = arith.index_cast %parallel_loop3A_134 : i32 to index
          %parallel_loop3A_149 = tpu.vector_load %arg7[%parallel_loop3A_147, %parallel_loop3A_148] {strides = array<i32>} : memref<64x768xf32, #tpu.memory_space<vmem>>, vector<1x16xf32>,
          %parallel_loop3A_150 = vector.shape_cast %parallel_loop3A_149 : vector<1x16xf32> to vector<16xf32>
          %parallel_loop3A_151 = arith.constant 1 : i32
          %parallel_loop3A_152 = arith.index_cast %parallel_loop3A_151 : i32 to index
          %parallel_loop3A_153 = arith.index_cast %parallel_loop3A_134 : i32 to index
          %parallel_loop3A_154 = tpu.vector_load %arg10[%parallel_loop3A_152, %parallel_loop3A_153] {strides = array<i32>} : memref<16x768xf32, #tpu.memory_space<vmem>>, vector<1x16xf32>,
          %parallel_loop3A_155 = vector.shape_cast %parallel_loop3A_154 : vector<1x16xf32> to vector<16xf32>
          %parallel_loop3A_156 = vector.shape_cast %parallel_loop3A_150 : vector<16xf32> to vector<1x16xf32>
          tpu.vector_store %arg10[%parallel_loop3A_152, %parallel_loop3A_153], %parallel_loop3A_156 {add = true, strides = array<i32>} : memref<16x768xf32, #tpu.memory_space<vmem>>, vector<1x16xf32>,
          %parallel_loop3A_157 = arith.constant 34 : i32
          %parallel_loop3A_158 = arith.index_cast %parallel_loop3A_157 : i32 to index
          %parallel_loop3A_159 = arith.index_cast %parallel_loop3A_134 : i32 to index
          %parallel_loop3A_160 = tpu.vector_load %arg7[%parallel_loop3A_158, %parallel_loop3A_159] {strides = array<i32>} : memref<64x768xf32, #tpu.memory_space<vmem>>, vector<1x16xf32>,
          %parallel_loop3A_161 = vector.shape_cast %parallel_loop3A_160 : vector<1x16xf32> to vector<16xf32>
          %parallel_loop3A_162 = arith.constant 2 : i32
          %parallel_loop3A_163 = arith.index_cast %parallel_loop3A_162 : i32 to index
          %parallel_loop3A_164 = arith.index_cast %parallel_loop3A_134 : i32 to index
          %parallel_loop3A_165 = tpu.vector_load %arg10[%parallel_loop3A_163, %parallel_loop3A_164] {strides = array<i32>} : memref<16x768xf32, #tpu.memory_space<vmem>>, vector<1x16xf32>,
          %parallel_loop3A_166 = vector.shape_cast %parallel_loop3A_165 : vector<1x16xf32> to vector<16xf32>
          %parallel_loop3A_167 = vector.shape_cast %parallel_loop3A_161 : vector<16xf32> to vector<1x16xf32>
          tpu.vector_store %arg10[%parallel_loop3A_163, %parallel_loop3A_164], %parallel_loop3A_167 {add = true, strides = array<i32>} : memref<16x768xf32, #tpu.memory_space<vmem>>, vector<1x16xf32>,
          %parallel_loop3A_168 = arith.constant 35 : i32
          %parallel_loop3A_169 = arith.index_cast %parallel_loop3A_168 : i32 to index
          %parallel_loop3A_170 = arith.index_cast %parallel_loop3A_134 : i32 to index
          %parallel_loop3A_171 = tpu.vector_load %arg7[%parallel_loop3A_169, %parallel_loop3A_170] {strides = array<i32>} : memref<64x768xf32, #tpu.memory_space<vmem>>, vector<1x16xf32>,
          %parallel_loop3A_172 = vector.shape_cast %parallel_loop3A_171 : vector<1x16xf32> to vector<16xf32>
          %parallel_loop3A_173 = arith.constant 3 : i32
          %parallel_loop3A_174 = arith.index_cast %parallel_loop3A_173 : i32 to index
          %parallel_loop3A_175 = arith.index_cast %parallel_loop3A_134 : i32 to index
          %parallel_loop3A_176 = tpu.vector_load %arg10[%parallel_loop3A_174, %parallel_loop3A_175] {strides = array<i32>} : memref<16x768xf32, #tpu.memory_space<vmem>>, vector<1x16xf32>,
          %parallel_loop3A_177 = vector.shape_cast %parallel_loop3A_176 : vector<1x16xf32> to vector<16xf32>
          %parallel_loop3A_178 = vector.shape_cast %parallel_loop3A_172 : vector<16xf32> to vector<1x16xf32>
          tpu.vector_store %arg10[%parallel_loop3A_174, %parallel_loop3A_175], %parallel_loop3A_178 {add = true, strides = array<i32>} : memref<16x768xf32, #tpu.memory_space<vmem>>, vector<1x16xf32>,
          %parallel_loop3A_179 = arith.constant 36 : i32
          %parallel_loop3A_180 = arith.index_cast %parallel_loop3A_179 : i32 to index
          %parallel_loop3A_181 = arith.index_cast %parallel_loop3A_134 : i32 to index
          %parallel_loop3A_182 = tpu.vector_load %arg7[%parallel_loop3A_180, %parallel_loop3A_181] {strides = array<i32>} : memref<64x768xf32, #tpu.memory_space<vmem>>, vector<1x16xf32>,
          %parallel_loop3A_183 = vector.shape_cast %parallel_loop3A_182 : vector<1x16xf32> to vector<16xf32>
          %parallel_loop3A_184 = arith.constant 4 : i32
          %parallel_loop3A_185 = arith.index_cast %parallel_loop3A_184 : i32 to index
          %parallel_loop3A_186 = arith.index_cast %parallel_loop3A_134 : i32 to index
          %parallel_loop3A_187 = tpu.vector_load %arg10[%parallel_loop3A_185, %parallel_loop3A_186] {strides = array<i32>} : memref<16x768xf32, #tpu.memory_space<vmem>>, vector<1x16xf32>,
          %parallel_loop3A_188 = vector.shape_cast %parallel_loop3A_187 : vector<1x16xf32> to vector<16xf32>
          %parallel_loop3A_189 = vector.shape_cast %parallel_loop3A_183 : vector<16xf32> to vector<1x16xf32>
          tpu.vector_store %arg10[%parallel_loop3A_185, %parallel_loop3A_186], %parallel_loop3A_189 {add = true, strides = array<i32>} : memref<16x768xf32, #tpu.memory_space<vmem>>, vector<1x16xf32>,
          %parallel_loop3A_190 = arith.constant 37 : i32
          %parallel_loop3A_191 = arith.index_cast %parallel_loop3A_190 : i32 to index
          %parallel_loop3A_192 = arith.index_cast %parallel_loop3A_134 : i32 to index
          %parallel_loop3A_193 = tpu.vector_load %arg7[%parallel_loop3A_191, %parallel_loop3A_192] {strides = array<i32>} : memref<64x768xf32, #tpu.memory_space<vmem>>, vector<1x16xf32>,
          %parallel_loop3A_194 = vector.shape_cast %parallel_loop3A_193 : vector<1x16xf32> to vector<16xf32>
          %parallel_loop3A_195 = arith.constant 5 : i32
          %parallel_loop3A_196 = arith.index_cast %parallel_loop3A_195 : i32 to index
          %parallel_loop3A_197 = arith.index_cast %parallel_loop3A_134 : i32 to index
          %parallel_loop3A_198 = tpu.vector_load %arg10[%parallel_loop3A_196, %parallel_loop3A_197] {strides = array<i32>} : memref<16x768xf32, #tpu.memory_space<vmem>>, vector<1x16xf32>,
          %parallel_loop3A_199 = vector.shape_cast %parallel_loop3A_198 : vector<1x16xf32> to vector<16xf32>
          %parallel_loop3A_200 = vector.shape_cast %parallel_loop3A_194 : vector<16xf32> to vector<1x16xf32>
          tpu.vector_store %arg10[%parallel_loop3A_196, %parallel_loop3A_197], %parallel_loop3A_200 {add = true, strides = array<i32>} : memref<16x768xf32, #tpu.memory_space<vmem>>, vector<1x16xf32>,
          %parallel_loop3A_201 = arith.constant 38 : i32
          %parallel_loop3A_202 = arith.index_cast %parallel_loop3A_201 : i32 to index
          %parallel_loop3A_203 = arith.index_cast %parallel_loop3A_134 : i32 to index
          %parallel_loop3A_204 = tpu.vector_load %arg7[%parallel_loop3A_202, %parallel_loop3A_203] {strides = array<i32>} : memref<64x768xf32, #tpu.memory_space<vmem>>, vector<1x16xf32>,
          %parallel_loop3A_205 = vector.shape_cast %parallel_loop3A_204 : vector<1x16xf32> to vector<16xf32>
          %parallel_loop3A_206 = arith.constant 6 : i32
          %parallel_loop3A_207 = arith.index_cast %parallel_loop3A_206 : i32 to index
          %parallel_loop3A_208 = arith.index_cast %parallel_loop3A_134 : i32 to index
          %parallel_loop3A_209 = tpu.vector_load %arg10[%parallel_loop3A_207, %parallel_loop3A_208] {strides = array<i32>} : memref<16x768xf32, #tpu.memory_space<vmem>>, vector<1x16xf32>,
          %parallel_loop3A_210 = vector.shape_cast %parallel_loop3A_209 : vector<1x16xf32> to vector<16xf32>
          %parallel_loop3A_211 = vector.shape_cast %parallel_loop3A_205 : vector<16xf32> to vector<1x16xf32>
          tpu.vector_store %arg10[%parallel_loop3A_207, %parallel_loop3A_208], %parallel_loop3A_211 {add = true, strides = array<i32>} : memref<16x768xf32, #tpu.memory_space<vmem>>, vector<1x16xf32>,
          %parallel_loop3A_212 = arith.constant 39 : i32
          %parallel_loop3A_213 = arith.index_cast %parallel_loop3A_212 : i32 to index
          %parallel_loop3A_214 = arith.index_cast %parallel_loop3A_134 : i32 to index
          %parallel_loop3A_215 = tpu.vector_load %arg7[%parallel_loop3A_213, %parallel_loop3A_214] {strides = array<i32>} : memref<64x768xf32, #tpu.memory_space<vmem>>, vector<1x16xf32>,
          %parallel_loop3A_216 = vector.shape_cast %parallel_loop3A_215 : vector<1x16xf32> to vector<16xf32>
          %parallel_loop3A_217 = arith.constant 7 : i32
          %parallel_loop3A_218 = arith.index_cast %parallel_loop3A_217 : i32 to index
          %parallel_loop3A_219 = arith.index_cast %parallel_loop3A_134 : i32 to index
          %parallel_loop3A_220 = tpu.vector_load %arg10[%parallel_loop3A_218, %parallel_loop3A_219] {strides = array<i32>} : memref<16x768xf32, #tpu.memory_space<vmem>>, vector<1x16xf32>,
          %parallel_loop3A_221 = vector.shape_cast %parallel_loop3A_220 : vector<1x16xf32> to vector<16xf32>
          %parallel_loop3A_222 = vector.shape_cast %parallel_loop3A_216 : vector<16xf32> to vector<1x16xf32>
          tpu.vector_store %arg10[%parallel_loop3A_218, %parallel_loop3A_219], %parallel_loop3A_222 {add = true, strides = array<i32>} : memref<16x768xf32, #tpu.memory_space<vmem>>, vector<1x16xf32>,
          %parallel_loop3A_223 = arith.constant 40 : i32
          %parallel_loop3A_224 = arith.index_cast %parallel_loop3A_223 : i32 to index
          %parallel_loop3A_225 = arith.index_cast %parallel_loop3A_134 : i32 to index
          %parallel_loop3A_226 = tpu.vector_load %arg7[%parallel_loop3A_224, %parallel_loop3A_225] {strides = array<i32>} : memref<64x768xf32, #tpu.memory_space<vmem>>, vector<1x16xf32>,
          %parallel_loop3A_227 = vector.shape_cast %parallel_loop3A_226 : vector<1x16xf32> to vector<16xf32>
          %parallel_loop3A_228 = arith.constant 8 : i32
          %parallel_loop3A_229 = arith.index_cast %parallel_loop3A_228 : i32 to index
          %parallel_loop3A_230 = arith.index_cast %parallel_loop3A_134 : i32 to index
          %parallel_loop3A_231 = tpu.vector_load %arg10[%parallel_loop3A_229, %parallel_loop3A_230] {strides = array<i32>} : memref<16x768xf32, #tpu.memory_space<vmem>>, vector<1x16xf32>,
          %parallel_loop3A_232 = vector.shape_cast %parallel_loop3A_231 : vector<1x16xf32> to vector<16xf32>
          %parallel_loop3A_233 = vector.shape_cast %parallel_loop3A_227 : vector<16xf32> to vector<1x16xf32>
          tpu.vector_store %arg10[%parallel_loop3A_229, %parallel_loop3A_230], %parallel_loop3A_233 {add = true, strides = array<i32>} : memref<16x768xf32, #tpu.memory_space<vmem>>, vector<1x16xf32>,
          %parallel_loop3A_234 = arith.constant 41 : i32
          %parallel_loop3A_235 = arith.index_cast %parallel_loop3A_234 : i32 to index
          %parallel_loop3A_236 = arith.index_cast %parallel_loop3A_134 : i32 to index
          %parallel_loop3A_237 = tpu.vector_load %arg7[%parallel_loop3A_235, %parallel_loop3A_236] {strides = array<i32>} : memref<64x768xf32, #tpu.memory_space<vmem>>, vector<1x16xf32>,
          %parallel_loop3A_238 = vector.shape_cast %parallel_loop3A_237 : vector<1x16xf32> to vector<16xf32>
          %parallel_loop3A_239 = arith.constant 9 : i32
          %parallel_loop3A_240 = arith.index_cast %parallel_loop3A_239 : i32 to index
          %parallel_loop3A_241 = arith.index_cast %parallel_loop3A_134 : i32 to index
          %parallel_loop3A_242 = tpu.vector_load %arg10[%parallel_loop3A_240, %parallel_loop3A_241] {strides = array<i32>} : memref<16x768xf32, #tpu.memory_space<vmem>>, vector<1x16xf32>,
          %parallel_loop3A_243 = vector.shape_cast %parallel_loop3A_242 : vector<1x16xf32> to vector<16xf32>
          %parallel_loop3A_244 = vector.shape_cast %parallel_loop3A_238 : vector<16xf32> to vector<1x16xf32>
          tpu.vector_store %arg10[%parallel_loop3A_240, %parallel_loop3A_241], %parallel_loop3A_244 {add = true, strides = array<i32>} : memref<16x768xf32, #tpu.memory_space<vmem>>, vector<1x16xf32>,
          %parallel_loop3A_245 = arith.constant 42 : i32
          %parallel_loop3A_246 = arith.index_cast %parallel_loop3A_245 : i32 to index
          %parallel_loop3A_247 = arith.index_cast %parallel_loop3A_134 : i32 to index
          %parallel_loop3A_248 = tpu.vector_load %arg7[%parallel_loop3A_246, %parallel_loop3A_247] {strides = array<i32>} : memref<64x768xf32, #tpu.memory_space<vmem>>, vector<1x16xf32>,
          %parallel_loop3A_249 = vector.shape_cast %parallel_loop3A_248 : vector<1x16xf32> to vector<16xf32>
          %parallel_loop3A_250 = arith.constant 10 : i32
          %parallel_loop3A_251 = arith.index_cast %parallel_loop3A_250 : i32 to index
          %parallel_loop3A_252 = arith.index_cast %parallel_loop3A_134 : i32 to index
          %parallel_loop3A_253 = tpu.vector_load %arg10[%parallel_loop3A_251, %parallel_loop3A_252] {strides = array<i32>} : memref<16x768xf32, #tpu.memory_space<vmem>>, vector<1x16xf32>,
          %parallel_loop3A_254 = vector.shape_cast %parallel_loop3A_253 : vector<1x16xf32> to vector<16xf32>
          %parallel_loop3A_255 = vector.shape_cast %parallel_loop3A_249 : vector<16xf32> to vector<1x16xf32>
          tpu.vector_store %arg10[%parallel_loop3A_251, %parallel_loop3A_252], %parallel_loop3A_255 {add = true, strides = array<i32>} : memref<16x768xf32, #tpu.memory_space<vmem>>, vector<1x16xf32>,
          %parallel_loop3A_256 = arith.constant 43 : i32
          %parallel_loop3A_257 = arith.index_cast %parallel_loop3A_256 : i32 to index
          %parallel_loop3A_258 = arith.index_cast %parallel_loop3A_134 : i32 to index
          %parallel_loop3A_259 = tpu.vector_load %arg7[%parallel_loop3A_257, %parallel_loop3A_258] {strides = array<i32>} : memref<64x768xf32, #tpu.memory_space<vmem>>, vector<1x16xf32>,
          %parallel_loop3A_260 = vector.shape_cast %parallel_loop3A_259 : vector<1x16xf32> to vector<16xf32>
          %parallel_loop3A_261 = arith.constant 11 : i32
          %parallel_loop3A_262 = arith.index_cast %parallel_loop3A_261 : i32 to index
          %parallel_loop3A_263 = arith.index_cast %parallel_loop3A_134 : i32 to index
          %parallel_loop3A_264 = tpu.vector_load %arg10[%parallel_loop3A_262, %parallel_loop3A_263] {strides = array<i32>} : memref<16x768xf32, #tpu.memory_space<vmem>>, vector<1x16xf32>,
          %parallel_loop3A_265 = vector.shape_cast %parallel_loop3A_264 : vector<1x16xf32> to vector<16xf32>
          %parallel_loop3A_266 = vector.shape_cast %parallel_loop3A_260 : vector<16xf32> to vector<1x16xf32>
          tpu.vector_store %arg10[%parallel_loop3A_262, %parallel_loop3A_263], %parallel_loop3A_266 {add = true, strides = array<i32>} : memref<16x768xf32, #tpu.memory_space<vmem>>, vector<1x16xf32>,
          %parallel_loop3A_267 = arith.constant 44 : i32
          %parallel_loop3A_268 = arith.index_cast %parallel_loop3A_267 : i32 to index
          %parallel_loop3A_269 = arith.index_cast %parallel_loop3A_134 : i32 to index
          %parallel_loop3A_270 = tpu.vector_load %arg7[%parallel_loop3A_268, %parallel_loop3A_269] {strides = array<i32>} : memref<64x768xf32, #tpu.memory_space<vmem>>, vector<1x16xf32>,
          %parallel_loop3A_271 = vector.shape_cast %parallel_loop3A_270 : vector<1x16xf32> to vector<16xf32>
          %parallel_loop3A_272 = arith.constant 12 : i32
          %parallel_loop3A_273 = arith.index_cast %parallel_loop3A_272 : i32 to index
          %parallel_loop3A_274 = arith.index_cast %parallel_loop3A_134 : i32 to index
          %parallel_loop3A_275 = tpu.vector_load %arg10[%parallel_loop3A_273, %parallel_loop3A_274] {strides = array<i32>} : memref<16x768xf32, #tpu.memory_space<vmem>>, vector<1x16xf32>,
          %parallel_loop3A_276 = vector.shape_cast %parallel_loop3A_275 : vector<1x16xf32> to vector<16xf32>
          %parallel_loop3A_277 = vector.shape_cast %parallel_loop3A_271 : vector<16xf32> to vector<1x16xf32>
          tpu.vector_store %arg10[%parallel_loop3A_273, %parallel_loop3A_274], %parallel_loop3A_277 {add = true, strides = array<i32>} : memref<16x768xf32, #tpu.memory_space<vmem>>, vector<1x16xf32>,
          %parallel_loop3A_278 = arith.constant 45 : i32
          %parallel_loop3A_279 = arith.index_cast %parallel_loop3A_278 : i32 to index
          %parallel_loop3A_280 = arith.index_cast %parallel_loop3A_134 : i32 to index
          %parallel_loop3A_281 = tpu.vector_load %arg7[%parallel_loop3A_279, %parallel_loop3A_280] {strides = array<i32>} : memref<64x768xf32, #tpu.memory_space<vmem>>, vector<1x16xf32>,
          %parallel_loop3A_282 = vector.shape_cast %parallel_loop3A_281 : vector<1x16xf32> to vector<16xf32>
          %parallel_loop3A_283 = arith.constant 13 : i32
          %parallel_loop3A_284 = arith.index_cast %parallel_loop3A_283 : i32 to index
          %parallel_loop3A_285 = arith.index_cast %parallel_loop3A_134 : i32 to index
          %parallel_loop3A_286 = tpu.vector_load %arg10[%parallel_loop3A_284, %parallel_loop3A_285] {strides = array<i32>} : memref<16x768xf32, #tpu.memory_space<vmem>>, vector<1x16xf32>,
          %parallel_loop3A_287 = vector.shape_cast %parallel_loop3A_286 : vector<1x16xf32> to vector<16xf32>
          %parallel_loop3A_288 = vector.shape_cast %parallel_loop3A_282 : vector<16xf32> to vector<1x16xf32>
          tpu.vector_store %arg10[%parallel_loop3A_284, %parallel_loop3A_285], %parallel_loop3A_288 {add = true, strides = array<i32>} : memref<16x768xf32, #tpu.memory_space<vmem>>, vector<1x16xf32>,
          %parallel_loop3A_289 = arith.constant 46 : i32
          %parallel_loop3A_290 = arith.index_cast %parallel_loop3A_289 : i32 to index
          %parallel_loop3A_291 = arith.index_cast %parallel_loop3A_134 : i32 to index
          %parallel_loop3A_292 = tpu.vector_load %arg7[%parallel_loop3A_290, %parallel_loop3A_291] {strides = array<i32>} : memref<64x768xf32, #tpu.memory_space<vmem>>, vector<1x16xf32>,
          %parallel_loop3A_293 = vector.shape_cast %parallel_loop3A_292 : vector<1x16xf32> to vector<16xf32>
          %parallel_loop3A_294 = arith.constant 14 : i32
          %parallel_loop3A_295 = arith.index_cast %parallel_loop3A_294 : i32 to index
          %parallel_loop3A_296 = arith.index_cast %parallel_loop3A_134 : i32 to index
          %parallel_loop3A_297 = tpu.vector_load %arg10[%parallel_loop3A_295, %parallel_loop3A_296] {strides = array<i32>} : memref<16x768xf32, #tpu.memory_space<vmem>>, vector<1x16xf32>,
          %parallel_loop3A_298 = vector.shape_cast %parallel_loop3A_297 : vector<1x16xf32> to vector<16xf32>
          %parallel_loop3A_299 = vector.shape_cast %parallel_loop3A_293 : vector<16xf32> to vector<1x16xf32>
          tpu.vector_store %arg10[%parallel_loop3A_295, %parallel_loop3A_296], %parallel_loop3A_299 {add = true, strides = array<i32>} : memref<16x768xf32, #tpu.memory_space<vmem>>, vector<1x16xf32>,
          %parallel_loop3A_300 = arith.constant 47 : i32
          %parallel_loop3A_301 = arith.index_cast %parallel_loop3A_300 : i32 to index
          %parallel_loop3A_302 = arith.index_cast %parallel_loop3A_134 : i32 to index
          %parallel_loop3A_303 = tpu.vector_load %arg7[%parallel_loop3A_301, %parallel_loop3A_302] {strides = array<i32>} : memref<64x768xf32, #tpu.memory_space<vmem>>, vector<1x16xf32>,
          %parallel_loop3A_304 = vector.shape_cast %parallel_loop3A_303 : vector<1x16xf32> to vector<16xf32>
          %parallel_loop3A_305 = arith.constant 15 : i32
          %parallel_loop3A_306 = arith.index_cast %parallel_loop3A_305 : i32 to index
          %parallel_loop3A_307 = arith.index_cast %parallel_loop3A_134 : i32 to index
          %parallel_loop3A_308 = tpu.vector_load %arg10[%parallel_loop3A_306, %parallel_loop3A_307] {strides = array<i32>} : memref<16x768xf32, #tpu.memory_space<vmem>>, vector<1x16xf32>,
          %parallel_loop3A_309 = vector.shape_cast %parallel_loop3A_308 : vector<1x16xf32> to vector<16xf32>
          %parallel_loop3A_310 = vector.shape_cast %parallel_loop3A_304 : vector<16xf32> to vector<1x16xf32>
          tpu.vector_store %arg10[%parallel_loop3A_306, %parallel_loop3A_307], %parallel_loop3A_310 {add = true, strides = array<i32>} : memref<16x768xf32, #tpu.memory_space<vmem>>, vector<1x16xf32>,
        } {sc.loop_unroll_factor = 8 : i64, sc.parallel_access}
        "tpu.trace_stop"() : () -> ()
        %mul3A_126 = arith.constant 16 : i32
        %mul3A_127 = arith.muli %sub3A_13, %mul3A_126 : i32
        %add3A_128 = arith.addi %mul3A_2, %mul3A_127 : i32
        %dma_start3A = arith.constant 0 : i32
        %dma_start3A_129 = tpu.memref_slice %arg5[%add3A_128, %dma_start3A] : memref<262144x768xf32, #tpu.memory_space<hbm>> -> memref<16x768xf32, #tpu.memory_space<hbm>>
        %dma_start3A_130 = arith.constant 0 : i32
        %dma_start3A_131 = tpu.memref_slice %arg5[%add3A_128, %dma_start3A_130] : memref<262144x768xf32, #tpu.memory_space<hbm>> -> memref<16x768xf32, #tpu.memory_space<hbm>>
        tpu.enqueue_dma source(%arg10 : memref<16x768xf32, #tpu.memory_space<vmem>>) target(%dma_start3A_131 : memref<16x768xf32, #tpu.memory_space<hbm>>) target_semaphore(%arg14 : memref<!tpu.dma_semaphore, #tpu.memory_space<semaphore_mem>>)
      } else {
      }
      %mul3A_32 = arith.constant 4 : i32
      %mul3A_33 = arith.muli %scan3A_8, %mul3A_32 : i32
      %add3A_34 = arith.constant 1 : i32
      %add3A_35 = arith.addi %mul3A_33, %add3A_34 : i32
      %sub3A_36 = arith.constant 2 : i32
      %sub3A_37 = arith.subi %add3A_35, %sub3A_36 : i32
      %ge3A_38 = arith.constant 4 : i32
      %ge3A_39 = arith.cmpi sge, %add3A_35, %ge3A_38 : i32
      %sub3A_40 = arith.constant 4 : i32
      %sub3A_41 = arith.subi %add3A_35, %sub3A_40 : i32
      %lt3A_42 = arith.constant 512 : i32
      %lt3A_43 = arith.cmpi slt, %sub3A_41, %lt3A_42 : i32
      %and3A_44 = arith.andi %ge3A_39, %lt3A_43 : i1
      %convert_element_type3A_45 = arith.extui %and3A_44 : i1 to i32
      %cond3A_46 = arith.constant 0 : i32
      %cond3A_47 = arith.cmpi ne, %convert_element_type3A_45, %cond3A_46 : i32
      scf.if %cond3A_47 {
        "tpu.trace_start"() <{level = 10 : i32, message = "wait_scatter"}> : () -> ()
        %sub3A_119 = arith.constant 4 : i32
        %sub3A_120 = arith.subi %add3A_35, %sub3A_119 : i32
        %mul3A_121 = arith.constant 16 : i32
        %mul3A_122 = arith.muli %sub3A_120, %mul3A_121 : i32
        %add3A_123 = arith.addi %mul3A_2, %mul3A_122 : i32
        %dma_wait3A = arith.constant 0 : i32
        %dma_wait3A_124 = tpu.memref_slice %arg5[%add3A_123, %dma_wait3A] : memref<262144x768xf32, #tpu.memory_space<hbm>> -> memref<16x768xf32, #tpu.memory_space<hbm>>
        %dma_wait3A_125 = arith.constant 0 : i32
        %dma_wait3A_126 = tpu.memref_slice %arg5[%add3A_123, %dma_wait3A_125] : memref<262144x768xf32, #tpu.memory_space<hbm>> -> memref<16x768xf32, #tpu.memory_space<hbm>>
        tpu.wait_dma2 semaphore(%arg13 : memref<!tpu.dma_semaphore, #tpu.memory_space<semaphore_mem>>) src(%arg9 : memref<16x768xf32, #tpu.memory_space<vmem>>) dst(%dma_wait3A_126 : memref<16x768xf32, #tpu.memory_space<hbm>>)
        "tpu.trace_stop"() : () -> ()
      } else {
      }
      %lt3A_48 = arith.constant 512 : i32
      %lt3A_49 = arith.cmpi slt, %add3A_35, %lt3A_48 : i32
      %convert_element_type3A_50 = arith.extui %lt3A_49 : i1 to i32
      %cond3A_51 = arith.constant 0 : i32
      %cond3A_52 = arith.cmpi ne, %convert_element_type3A_50, %cond3A_51 : i32
      scf.if %cond3A_52 {
        %mul3A_119 = arith.constant 16 : i32
        %mul3A_120 = arith.muli %add3A_35, %mul3A_119 : i32
        %dma_start3A = tpu.memref_slice %arg6[%mul3A_120] : memref<8192xi32, #tpu.memory_space<vmem>> -> memref<16xi32, #tpu.memory_space<vmem>>
        %dma_start3A_121 = arith.constant 0 : i32
        %dma_start3A_122 = arith.constant 0 : i32
        %dma_start3A_123 = tpu.memref_slice %arg3[%dma_start3A_121, %dma_start3A_122] : memref<30522x768xf32, #tpu.memory_space<hbm>> -> memref<30522x768xf32, #tpu.memory_space<hbm>>
        tpu.enqueue_indirect_dma source(%dma_start3A_123 : memref<30522x768xf32, #tpu.memory_space<hbm>>) target(%arg9 : memref<16x768xf32, #tpu.memory_space<vmem>>) offsets(%dma_start3A : memref<16xi32, #tpu.memory_space<vmem>>) semaphore(%arg13 : memref<!tpu.dma_semaphore, #tpu.memory_space<semaphore_mem>>)
      } else {
      }
      %ge3A_53 = arith.constant 0 : i32
      %ge3A_54 = arith.cmpi sge, %sub3A_37, %ge3A_53 : i32
      %lt3A_55 = arith.constant 512 : i32
      %lt3A_56 = arith.cmpi slt, %sub3A_37, %lt3A_55 : i32
      %and3A_57 = arith.andi %ge3A_54, %lt3A_56 : i1
      %convert_element_type3A_58 = arith.extui %and3A_57 : i1 to i32
      %cond3A_59 = arith.constant 0 : i32
      %cond3A_60 = arith.cmpi ne, %convert_element_type3A_58, %cond3A_59 : i32
      scf.if %cond3A_60 {
        "tpu.trace_start"() <{level = 10 : i32, message = "wait_gather"}> : () -> ()
        %mul3A_119 = arith.constant 16 : i32
        %mul3A_120 = arith.muli %sub3A_37, %mul3A_119 : i32
        %dma_wait3A = tpu.memref_slice %arg6[%mul3A_120] : memref<8192xi32, #tpu.memory_space<vmem>> -> memref<16xi32, #tpu.memory_space<vmem>>
        %dma_wait3A_121 = arith.constant 0 : i32
        %dma_wait3A_122 = arith.constant 0 : i32
        %dma_wait3A_123 = tpu.memref_slice %arg3[%dma_wait3A_121, %dma_wait3A_122] : memref<30522x768xf32, #tpu.memory_space<hbm>> -> memref<30522x768xf32, #tpu.memory_space<hbm>>
        tpu.wait_indirect_dma semaphore(%arg15 : memref<!tpu.dma_semaphore, #tpu.memory_space<semaphore_mem>>) src(%dma_wait3A_123 : memref<30522x768xf32, #tpu.memory_space<hbm>>) dst(%arg11 : memref<16x768xf32, #tpu.memory_space<vmem>>)
        %parallel_loop3A = arith.constant 0 : i32
        %parallel_loop3A_124 = arith.constant 48 : i32
        %parallel_loop3A_125 = arith.constant 1 : i32
        "tpu.trace_stop"() : () -> ()
        "tpu.trace_start"() <{level = 10 : i32, message = "vadd"}> : () -> ()
        scf.for %parallel_loop3A_132 = %parallel_loop3A to %parallel_loop3A_124 step %parallel_loop3A_125  : i32 {
          %parallel_loop3A_133 = arith.constant 16 : i32
          %parallel_loop3A_134 = arith.muli %parallel_loop3A_132, %parallel_loop3A_133 : i32
          %parallel_loop3A_135 = arith.constant 48 : i32
          %parallel_loop3A_136 = arith.index_cast %parallel_loop3A_135 : i32 to index
          %parallel_loop3A_137 = arith.index_cast %parallel_loop3A_134 : i32 to index
          %parallel_loop3A_138 = tpu.vector_load %arg7[%parallel_loop3A_136, %parallel_loop3A_137] {strides = array<i32>} : memref<64x768xf32, #tpu.memory_space<vmem>>, vector<1x16xf32>,
          %parallel_loop3A_139 = vector.shape_cast %parallel_loop3A_138 : vector<1x16xf32> to vector<16xf32>
          %parallel_loop3A_140 = arith.constant 0 : i32
          %parallel_loop3A_141 = arith.index_cast %parallel_loop3A_140 : i32 to index
          %parallel_loop3A_142 = arith.index_cast %parallel_loop3A_134 : i32 to index
          %parallel_loop3A_143 = tpu.vector_load %arg11[%parallel_loop3A_141, %parallel_loop3A_142] {strides = array<i32>} : memref<16x768xf32, #tpu.memory_space<vmem>>, vector<1x16xf32>,
          %parallel_loop3A_144 = vector.shape_cast %parallel_loop3A_143 : vector<1x16xf32> to vector<16xf32>
          %parallel_loop3A_145 = vector.shape_cast %parallel_loop3A_139 : vector<16xf32> to vector<1x16xf32>
          tpu.vector_store %arg11[%parallel_loop3A_141, %parallel_loop3A_142], %parallel_loop3A_145 {add = true, strides = array<i32>} : memref<16x768xf32, #tpu.memory_space<vmem>>, vector<1x16xf32>,
          %parallel_loop3A_146 = arith.constant 49 : i32
          %parallel_loop3A_147 = arith.index_cast %parallel_loop3A_146 : i32 to index
          %parallel_loop3A_148 = arith.index_cast %parallel_loop3A_134 : i32 to index
          %parallel_loop3A_149 = tpu.vector_load %arg7[%parallel_loop3A_147, %parallel_loop3A_148] {strides = array<i32>} : memref<64x768xf32, #tpu.memory_space<vmem>>, vector<1x16xf32>,
          %parallel_loop3A_150 = vector.shape_cast %parallel_loop3A_149 : vector<1x16xf32> to vector<16xf32>
          %parallel_loop3A_151 = arith.constant 1 : i32
          %parallel_loop3A_152 = arith.index_cast %parallel_loop3A_151 : i32 to index
          %parallel_loop3A_153 = arith.index_cast %parallel_loop3A_134 : i32 to index
          %parallel_loop3A_154 = tpu.vector_load %arg11[%parallel_loop3A_152, %parallel_loop3A_153] {strides = array<i32>} : memref<16x768xf32, #tpu.memory_space<vmem>>, vector<1x16xf32>,
          %parallel_loop3A_155 = vector.shape_cast %parallel_loop3A_154 : vector<1x16xf32> to vector<16xf32>
          %parallel_loop3A_156 = vector.shape_cast %parallel_loop3A_150 : vector<16xf32> to vector<1x16xf32>
          tpu.vector_store %arg11[%parallel_loop3A_152, %parallel_loop3A_153], %parallel_loop3A_156 {add = true, strides = array<i32>} : memref<16x768xf32, #tpu.memory_space<vmem>>, vector<1x16xf32>,
          %parallel_loop3A_157 = arith.constant 50 : i32
          %parallel_loop3A_158 = arith.index_cast %parallel_loop3A_157 : i32 to index
          %parallel_loop3A_159 = arith.index_cast %parallel_loop3A_134 : i32 to index
          %parallel_loop3A_160 = tpu.vector_load %arg7[%parallel_loop3A_158, %parallel_loop3A_159] {strides = array<i32>} : memref<64x768xf32, #tpu.memory_space<vmem>>, vector<1x16xf32>,
          %parallel_loop3A_161 = vector.shape_cast %parallel_loop3A_160 : vector<1x16xf32> to vector<16xf32>
          %parallel_loop3A_162 = arith.constant 2 : i32
          %parallel_loop3A_163 = arith.index_cast %parallel_loop3A_162 : i32 to index
          %parallel_loop3A_164 = arith.index_cast %parallel_loop3A_134 : i32 to index
          %parallel_loop3A_165 = tpu.vector_load %arg11[%parallel_loop3A_163, %parallel_loop3A_164] {strides = array<i32>} : memref<16x768xf32, #tpu.memory_space<vmem>>, vector<1x16xf32>,
          %parallel_loop3A_166 = vector.shape_cast %parallel_loop3A_165 : vector<1x16xf32> to vector<16xf32>
          %parallel_loop3A_167 = vector.shape_cast %parallel_loop3A_161 : vector<16xf32> to vector<1x16xf32>
          tpu.vector_store %arg11[%parallel_loop3A_163, %parallel_loop3A_164], %parallel_loop3A_167 {add = true, strides = array<i32>} : memref<16x768xf32, #tpu.memory_space<vmem>>, vector<1x16xf32>,
          %parallel_loop3A_168 = arith.constant 51 : i32
          %parallel_loop3A_169 = arith.index_cast %parallel_loop3A_168 : i32 to index
          %parallel_loop3A_170 = arith.index_cast %parallel_loop3A_134 : i32 to index
          %parallel_loop3A_171 = tpu.vector_load %arg7[%parallel_loop3A_169, %parallel_loop3A_170] {strides = array<i32>} : memref<64x768xf32, #tpu.memory_space<vmem>>, vector<1x16xf32>,
          %parallel_loop3A_172 = vector.shape_cast %parallel_loop3A_171 : vector<1x16xf32> to vector<16xf32>
          %parallel_loop3A_173 = arith.constant 3 : i32
          %parallel_loop3A_174 = arith.index_cast %parallel_loop3A_173 : i32 to index
          %parallel_loop3A_175 = arith.index_cast %parallel_loop3A_134 : i32 to index
          %parallel_loop3A_176 = tpu.vector_load %arg11[%parallel_loop3A_174, %parallel_loop3A_175] {strides = array<i32>} : memref<16x768xf32, #tpu.memory_space<vmem>>, vector<1x16xf32>,
          %parallel_loop3A_177 = vector.shape_cast %parallel_loop3A_176 : vector<1x16xf32> to vector<16xf32>
          %parallel_loop3A_178 = vector.shape_cast %parallel_loop3A_172 : vector<16xf32> to vector<1x16xf32>
          tpu.vector_store %arg11[%parallel_loop3A_174, %parallel_loop3A_175], %parallel_loop3A_178 {add = true, strides = array<i32>} : memref<16x768xf32, #tpu.memory_space<vmem>>, vector<1x16xf32>,
          %parallel_loop3A_179 = arith.constant 52 : i32
          %parallel_loop3A_180 = arith.index_cast %parallel_loop3A_179 : i32 to index
          %parallel_loop3A_181 = arith.index_cast %parallel_loop3A_134 : i32 to index
          %parallel_loop3A_182 = tpu.vector_load %arg7[%parallel_loop3A_180, %parallel_loop3A_181] {strides = array<i32>} : memref<64x768xf32, #tpu.memory_space<vmem>>, vector<1x16xf32>,
          %parallel_loop3A_183 = vector.shape_cast %parallel_loop3A_182 : vector<1x16xf32> to vector<16xf32>
          %parallel_loop3A_184 = arith.constant 4 : i32
          %parallel_loop3A_185 = arith.index_cast %parallel_loop3A_184 : i32 to index
          %parallel_loop3A_186 = arith.index_cast %parallel_loop3A_134 : i32 to index
          %parallel_loop3A_187 = tpu.vector_load %arg11[%parallel_loop3A_185, %parallel_loop3A_186] {strides = array<i32>} : memref<16x768xf32, #tpu.memory_space<vmem>>, vector<1x16xf32>,
          %parallel_loop3A_188 = vector.shape_cast %parallel_loop3A_187 : vector<1x16xf32> to vector<16xf32>
          %parallel_loop3A_189 = vector.shape_cast %parallel_loop3A_183 : vector<16xf32> to vector<1x16xf32>
          tpu.vector_store %arg11[%parallel_loop3A_185, %parallel_loop3A_186], %parallel_loop3A_189 {add = true, strides = array<i32>} : memref<16x768xf32, #tpu.memory_space<vmem>>, vector<1x16xf32>,
          %parallel_loop3A_190 = arith.constant 53 : i32
          %parallel_loop3A_191 = arith.index_cast %parallel_loop3A_190 : i32 to index
          %parallel_loop3A_192 = arith.index_cast %parallel_loop3A_134 : i32 to index
          %parallel_loop3A_193 = tpu.vector_load %arg7[%parallel_loop3A_191, %parallel_loop3A_192] {strides = array<i32>} : memref<64x768xf32, #tpu.memory_space<vmem>>, vector<1x16xf32>,
          %parallel_loop3A_194 = vector.shape_cast %parallel_loop3A_193 : vector<1x16xf32> to vector<16xf32>
          %parallel_loop3A_195 = arith.constant 5 : i32
          %parallel_loop3A_196 = arith.index_cast %parallel_loop3A_195 : i32 to index
          %parallel_loop3A_197 = arith.index_cast %parallel_loop3A_134 : i32 to index
          %parallel_loop3A_198 = tpu.vector_load %arg11[%parallel_loop3A_196, %parallel_loop3A_197] {strides = array<i32>} : memref<16x768xf32, #tpu.memory_space<vmem>>, vector<1x16xf32>,
          %parallel_loop3A_199 = vector.shape_cast %parallel_loop3A_198 : vector<1x16xf32> to vector<16xf32>
          %parallel_loop3A_200 = vector.shape_cast %parallel_loop3A_194 : vector<16xf32> to vector<1x16xf32>
          tpu.vector_store %arg11[%parallel_loop3A_196, %parallel_loop3A_197], %parallel_loop3A_200 {add = true, strides = array<i32>} : memref<16x768xf32, #tpu.memory_space<vmem>>, vector<1x16xf32>,
          %parallel_loop3A_201 = arith.constant 54 : i32
          %parallel_loop3A_202 = arith.index_cast %parallel_loop3A_201 : i32 to index
          %parallel_loop3A_203 = arith.index_cast %parallel_loop3A_134 : i32 to index
          %parallel_loop3A_204 = tpu.vector_load %arg7[%parallel_loop3A_202, %parallel_loop3A_203] {strides = array<i32>} : memref<64x768xf32, #tpu.memory_space<vmem>>, vector<1x16xf32>,
          %parallel_loop3A_205 = vector.shape_cast %parallel_loop3A_204 : vector<1x16xf32> to vector<16xf32>
          %parallel_loop3A_206 = arith.constant 6 : i32
          %parallel_loop3A_207 = arith.index_cast %parallel_loop3A_206 : i32 to index
          %parallel_loop3A_208 = arith.index_cast %parallel_loop3A_134 : i32 to index
          %parallel_loop3A_209 = tpu.vector_load %arg11[%parallel_loop3A_207, %parallel_loop3A_208] {strides = array<i32>} : memref<16x768xf32, #tpu.memory_space<vmem>>, vector<1x16xf32>,
          %parallel_loop3A_210 = vector.shape_cast %parallel_loop3A_209 : vector<1x16xf32> to vector<16xf32>
          %parallel_loop3A_211 = vector.shape_cast %parallel_loop3A_205 : vector<16xf32> to vector<1x16xf32>
          tpu.vector_store %arg11[%parallel_loop3A_207, %parallel_loop3A_208], %parallel_loop3A_211 {add = true, strides = array<i32>} : memref<16x768xf32, #tpu.memory_space<vmem>>, vector<1x16xf32>,
          %parallel_loop3A_212 = arith.constant 55 : i32
          %parallel_loop3A_213 = arith.index_cast %parallel_loop3A_212 : i32 to index
          %parallel_loop3A_214 = arith.index_cast %parallel_loop3A_134 : i32 to index
          %parallel_loop3A_215 = tpu.vector_load %arg7[%parallel_loop3A_213, %parallel_loop3A_214] {strides = array<i32>} : memref<64x768xf32, #tpu.memory_space<vmem>>, vector<1x16xf32>,
          %parallel_loop3A_216 = vector.shape_cast %parallel_loop3A_215 : vector<1x16xf32> to vector<16xf32>
          %parallel_loop3A_217 = arith.constant 7 : i32
          %parallel_loop3A_218 = arith.index_cast %parallel_loop3A_217 : i32 to index
          %parallel_loop3A_219 = arith.index_cast %parallel_loop3A_134 : i32 to index
          %parallel_loop3A_220 = tpu.vector_load %arg11[%parallel_loop3A_218, %parallel_loop3A_219] {strides = array<i32>} : memref<16x768xf32, #tpu.memory_space<vmem>>, vector<1x16xf32>,
          %parallel_loop3A_221 = vector.shape_cast %parallel_loop3A_220 : vector<1x16xf32> to vector<16xf32>
          %parallel_loop3A_222 = vector.shape_cast %parallel_loop3A_216 : vector<16xf32> to vector<1x16xf32>
          tpu.vector_store %arg11[%parallel_loop3A_218, %parallel_loop3A_219], %parallel_loop3A_222 {add = true, strides = array<i32>} : memref<16x768xf32, #tpu.memory_space<vmem>>, vector<1x16xf32>,
          %parallel_loop3A_223 = arith.constant 56 : i32
          %parallel_loop3A_224 = arith.index_cast %parallel_loop3A_223 : i32 to index
          %parallel_loop3A_225 = arith.index_cast %parallel_loop3A_134 : i32 to index
          %parallel_loop3A_226 = tpu.vector_load %arg7[%parallel_loop3A_224, %parallel_loop3A_225] {strides = array<i32>} : memref<64x768xf32, #tpu.memory_space<vmem>>, vector<1x16xf32>,
          %parallel_loop3A_227 = vector.shape_cast %parallel_loop3A_226 : vector<1x16xf32> to vector<16xf32>
          %parallel_loop3A_228 = arith.constant 8 : i32
          %parallel_loop3A_229 = arith.index_cast %parallel_loop3A_228 : i32 to index
          %parallel_loop3A_230 = arith.index_cast %parallel_loop3A_134 : i32 to index
          %parallel_loop3A_231 = tpu.vector_load %arg11[%parallel_loop3A_229, %parallel_loop3A_230] {strides = array<i32>} : memref<16x768xf32, #tpu.memory_space<vmem>>, vector<1x16xf32>,
          %parallel_loop3A_232 = vector.shape_cast %parallel_loop3A_231 : vector<1x16xf32> to vector<16xf32>
          %parallel_loop3A_233 = vector.shape_cast %parallel_loop3A_227 : vector<16xf32> to vector<1x16xf32>
          tpu.vector_store %arg11[%parallel_loop3A_229, %parallel_loop3A_230], %parallel_loop3A_233 {add = true, strides = array<i32>} : memref<16x768xf32, #tpu.memory_space<vmem>>, vector<1x16xf32>,
          %parallel_loop3A_234 = arith.constant 57 : i32
          %parallel_loop3A_235 = arith.index_cast %parallel_loop3A_234 : i32 to index
          %parallel_loop3A_236 = arith.index_cast %parallel_loop3A_134 : i32 to index
          %parallel_loop3A_237 = tpu.vector_load %arg7[%parallel_loop3A_235, %parallel_loop3A_236] {strides = array<i32>} : memref<64x768xf32, #tpu.memory_space<vmem>>, vector<1x16xf32>,
          %parallel_loop3A_238 = vector.shape_cast %parallel_loop3A_237 : vector<1x16xf32> to vector<16xf32>
          %parallel_loop3A_239 = arith.constant 9 : i32
          %parallel_loop3A_240 = arith.index_cast %parallel_loop3A_239 : i32 to index
          %parallel_loop3A_241 = arith.index_cast %parallel_loop3A_134 : i32 to index
          %parallel_loop3A_242 = tpu.vector_load %arg11[%parallel_loop3A_240, %parallel_loop3A_241] {strides = array<i32>} : memref<16x768xf32, #tpu.memory_space<vmem>>, vector<1x16xf32>,
          %parallel_loop3A_243 = vector.shape_cast %parallel_loop3A_242 : vector<1x16xf32> to vector<16xf32>
          %parallel_loop3A_244 = vector.shape_cast %parallel_loop3A_238 : vector<16xf32> to vector<1x16xf32>
          tpu.vector_store %arg11[%parallel_loop3A_240, %parallel_loop3A_241], %parallel_loop3A_244 {add = true, strides = array<i32>} : memref<16x768xf32, #tpu.memory_space<vmem>>, vector<1x16xf32>,
          %parallel_loop3A_245 = arith.constant 58 : i32
          %parallel_loop3A_246 = arith.index_cast %parallel_loop3A_245 : i32 to index
          %parallel_loop3A_247 = arith.index_cast %parallel_loop3A_134 : i32 to index
          %parallel_loop3A_248 = tpu.vector_load %arg7[%parallel_loop3A_246, %parallel_loop3A_247] {strides = array<i32>} : memref<64x768xf32, #tpu.memory_space<vmem>>, vector<1x16xf32>,
          %parallel_loop3A_249 = vector.shape_cast %parallel_loop3A_248 : vector<1x16xf32> to vector<16xf32>
          %parallel_loop3A_250 = arith.constant 10 : i32
          %parallel_loop3A_251 = arith.index_cast %parallel_loop3A_250 : i32 to index
          %parallel_loop3A_252 = arith.index_cast %parallel_loop3A_134 : i32 to index
          %parallel_loop3A_253 = tpu.vector_load %arg11[%parallel_loop3A_251, %parallel_loop3A_252] {strides = array<i32>} : memref<16x768xf32, #tpu.memory_space<vmem>>, vector<1x16xf32>,
          %parallel_loop3A_254 = vector.shape_cast %parallel_loop3A_253 : vector<1x16xf32> to vector<16xf32>
          %parallel_loop3A_255 = vector.shape_cast %parallel_loop3A_249 : vector<16xf32> to vector<1x16xf32>
          tpu.vector_store %arg11[%parallel_loop3A_251, %parallel_loop3A_252], %parallel_loop3A_255 {add = true, strides = array<i32>} : memref<16x768xf32, #tpu.memory_space<vmem>>, vector<1x16xf32>,
          %parallel_loop3A_256 = arith.constant 59 : i32
          %parallel_loop3A_257 = arith.index_cast %parallel_loop3A_256 : i32 to index
          %parallel_loop3A_258 = arith.index_cast %parallel_loop3A_134 : i32 to index
          %parallel_loop3A_259 = tpu.vector_load %arg7[%parallel_loop3A_257, %parallel_loop3A_258] {strides = array<i32>} : memref<64x768xf32, #tpu.memory_space<vmem>>, vector<1x16xf32>,
          %parallel_loop3A_260 = vector.shape_cast %parallel_loop3A_259 : vector<1x16xf32> to vector<16xf32>
          %parallel_loop3A_261 = arith.constant 11 : i32
          %parallel_loop3A_262 = arith.index_cast %parallel_loop3A_261 : i32 to index
          %parallel_loop3A_263 = arith.index_cast %parallel_loop3A_134 : i32 to index
          %parallel_loop3A_264 = tpu.vector_load %arg11[%parallel_loop3A_262, %parallel_loop3A_263] {strides = array<i32>} : memref<16x768xf32, #tpu.memory_space<vmem>>, vector<1x16xf32>,
          %parallel_loop3A_265 = vector.shape_cast %parallel_loop3A_264 : vector<1x16xf32> to vector<16xf32>
          %parallel_loop3A_266 = vector.shape_cast %parallel_loop3A_260 : vector<16xf32> to vector<1x16xf32>
          tpu.vector_store %arg11[%parallel_loop3A_262, %parallel_loop3A_263], %parallel_loop3A_266 {add = true, strides = array<i32>} : memref<16x768xf32, #tpu.memory_space<vmem>>, vector<1x16xf32>,
          %parallel_loop3A_267 = arith.constant 60 : i32
          %parallel_loop3A_268 = arith.index_cast %parallel_loop3A_267 : i32 to index
          %parallel_loop3A_269 = arith.index_cast %parallel_loop3A_134 : i32 to index
          %parallel_loop3A_270 = tpu.vector_load %arg7[%parallel_loop3A_268, %parallel_loop3A_269] {strides = array<i32>} : memref<64x768xf32, #tpu.memory_space<vmem>>, vector<1x16xf32>,
          %parallel_loop3A_271 = vector.shape_cast %parallel_loop3A_270 : vector<1x16xf32> to vector<16xf32>
          %parallel_loop3A_272 = arith.constant 12 : i32
          %parallel_loop3A_273 = arith.index_cast %parallel_loop3A_272 : i32 to index
          %parallel_loop3A_274 = arith.index_cast %parallel_loop3A_134 : i32 to index
          %parallel_loop3A_275 = tpu.vector_load %arg11[%parallel_loop3A_273, %parallel_loop3A_274] {strides = array<i32>} : memref<16x768xf32, #tpu.memory_space<vmem>>, vector<1x16xf32>,
          %parallel_loop3A_276 = vector.shape_cast %parallel_loop3A_275 : vector<1x16xf32> to vector<16xf32>
          %parallel_loop3A_277 = vector.shape_cast %parallel_loop3A_271 : vector<16xf32> to vector<1x16xf32>
          tpu.vector_store %arg11[%parallel_loop3A_273, %parallel_loop3A_274], %parallel_loop3A_277 {add = true, strides = array<i32>} : memref<16x768xf32, #tpu.memory_space<vmem>>, vector<1x16xf32>,
          %parallel_loop3A_278 = arith.constant 61 : i32
          %parallel_loop3A_279 = arith.index_cast %parallel_loop3A_278 : i32 to index
          %parallel_loop3A_280 = arith.index_cast %parallel_loop3A_134 : i32 to index
          %parallel_loop3A_281 = tpu.vector_load %arg7[%parallel_loop3A_279, %parallel_loop3A_280] {strides = array<i32>} : memref<64x768xf32, #tpu.memory_space<vmem>>, vector<1x16xf32>,
          %parallel_loop3A_282 = vector.shape_cast %parallel_loop3A_281 : vector<1x16xf32> to vector<16xf32>
          %parallel_loop3A_283 = arith.constant 13 : i32
          %parallel_loop3A_284 = arith.index_cast %parallel_loop3A_283 : i32 to index
          %parallel_loop3A_285 = arith.index_cast %parallel_loop3A_134 : i32 to index
          %parallel_loop3A_286 = tpu.vector_load %arg11[%parallel_loop3A_284, %parallel_loop3A_285] {strides = array<i32>} : memref<16x768xf32, #tpu.memory_space<vmem>>, vector<1x16xf32>,
          %parallel_loop3A_287 = vector.shape_cast %parallel_loop3A_286 : vector<1x16xf32> to vector<16xf32>
          %parallel_loop3A_288 = vector.shape_cast %parallel_loop3A_282 : vector<16xf32> to vector<1x16xf32>
          tpu.vector_store %arg11[%parallel_loop3A_284, %parallel_loop3A_285], %parallel_loop3A_288 {add = true, strides = array<i32>} : memref<16x768xf32, #tpu.memory_space<vmem>>, vector<1x16xf32>,
          %parallel_loop3A_289 = arith.constant 62 : i32
          %parallel_loop3A_290 = arith.index_cast %parallel_loop3A_289 : i32 to index
          %parallel_loop3A_291 = arith.index_cast %parallel_loop3A_134 : i32 to index
          %parallel_loop3A_292 = tpu.vector_load %arg7[%parallel_loop3A_290, %parallel_loop3A_291] {strides = array<i32>} : memref<64x768xf32, #tpu.memory_space<vmem>>, vector<1x16xf32>,
          %parallel_loop3A_293 = vector.shape_cast %parallel_loop3A_292 : vector<1x16xf32> to vector<16xf32>
          %parallel_loop3A_294 = arith.constant 14 : i32
          %parallel_loop3A_295 = arith.index_cast %parallel_loop3A_294 : i32 to index
          %parallel_loop3A_296 = arith.index_cast %parallel_loop3A_134 : i32 to index
          %parallel_loop3A_297 = tpu.vector_load %arg11[%parallel_loop3A_295, %parallel_loop3A_296] {strides = array<i32>} : memref<16x768xf32, #tpu.memory_space<vmem>>, vector<1x16xf32>,
          %parallel_loop3A_298 = vector.shape_cast %parallel_loop3A_297 : vector<1x16xf32> to vector<16xf32>
          %parallel_loop3A_299 = vector.shape_cast %parallel_loop3A_293 : vector<16xf32> to vector<1x16xf32>
          tpu.vector_store %arg11[%parallel_loop3A_295, %parallel_loop3A_296], %parallel_loop3A_299 {add = true, strides = array<i32>} : memref<16x768xf32, #tpu.memory_space<vmem>>, vector<1x16xf32>,
          %parallel_loop3A_300 = arith.constant 63 : i32
          %parallel_loop3A_301 = arith.index_cast %parallel_loop3A_300 : i32 to index
          %parallel_loop3A_302 = arith.index_cast %parallel_loop3A_134 : i32 to index
          %parallel_loop3A_303 = tpu.vector_load %arg7[%parallel_loop3A_301, %parallel_loop3A_302] {strides = array<i32>} : memref<64x768xf32, #tpu.memory_space<vmem>>, vector<1x16xf32>,
          %parallel_loop3A_304 = vector.shape_cast %parallel_loop3A_303 : vector<1x16xf32> to vector<16xf32>
          %parallel_loop3A_305 = arith.constant 15 : i32
          %parallel_loop3A_306 = arith.index_cast %parallel_loop3A_305 : i32 to index
          %parallel_loop3A_307 = arith.index_cast %parallel_loop3A_134 : i32 to index
          %parallel_loop3A_308 = tpu.vector_load %arg11[%parallel_loop3A_306, %parallel_loop3A_307] {strides = array<i32>} : memref<16x768xf32, #tpu.memory_space<vmem>>, vector<1x16xf32>,
          %parallel_loop3A_309 = vector.shape_cast %parallel_loop3A_308 : vector<1x16xf32> to vector<16xf32>
          %parallel_loop3A_310 = vector.shape_cast %parallel_loop3A_304 : vector<16xf32> to vector<1x16xf32>
          tpu.vector_store %arg11[%parallel_loop3A_306, %parallel_loop3A_307], %parallel_loop3A_310 {add = true, strides = array<i32>} : memref<16x768xf32, #tpu.memory_space<vmem>>, vector<1x16xf32>,
        } {sc.loop_unroll_factor = 8 : i64, sc.parallel_access}
        "tpu.trace_stop"() : () -> ()
        %mul3A_126 = arith.constant 16 : i32
        %mul3A_127 = arith.muli %sub3A_37, %mul3A_126 : i32
        %add3A_128 = arith.addi %mul3A_2, %mul3A_127 : i32
        %dma_start3A = arith.constant 0 : i32
        %dma_start3A_129 = tpu.memref_slice %arg5[%add3A_128, %dma_start3A] : memref<262144x768xf32, #tpu.memory_space<hbm>> -> memref<16x768xf32, #tpu.memory_space<hbm>>
        %dma_start3A_130 = arith.constant 0 : i32
        %dma_start3A_131 = tpu.memref_slice %arg5[%add3A_128, %dma_start3A_130] : memref<262144x768xf32, #tpu.memory_space<hbm>> -> memref<16x768xf32, #tpu.memory_space<hbm>>
        tpu.enqueue_dma source(%arg11 : memref<16x768xf32, #tpu.memory_space<vmem>>) target(%dma_start3A_131 : memref<16x768xf32, #tpu.memory_space<hbm>>) target_semaphore(%arg15 : memref<!tpu.dma_semaphore, #tpu.memory_space<semaphore_mem>>)
      } else {
      }
      %mul3A_61 = arith.constant 4 : i32
      %mul3A_62 = arith.muli %scan3A_8, %mul3A_61 : i32
      %add3A_63 = arith.constant 2 : i32
      %add3A_64 = arith.addi %mul3A_62, %add3A_63 : i32
      %sub3A_65 = arith.constant 2 : i32
      %sub3A_66 = arith.subi %add3A_64, %sub3A_65 : i32
      %ge3A_67 = arith.constant 4 : i32
      %ge3A_68 = arith.cmpi sge, %add3A_64, %ge3A_67 : i32
      %sub3A_69 = arith.constant 4 : i32
      %sub3A_70 = arith.subi %add3A_64, %sub3A_69 : i32
      %lt3A_71 = arith.constant 512 : i32
      %lt3A_72 = arith.cmpi slt, %sub3A_70, %lt3A_71 : i32
      %and3A_73 = arith.andi %ge3A_68, %lt3A_72 : i1
      %convert_element_type3A_74 = arith.extui %and3A_73 : i1 to i32
      %cond3A_75 = arith.constant 0 : i32
      %cond3A_76 = arith.cmpi ne, %convert_element_type3A_74, %cond3A_75 : i32
      scf.if %cond3A_76 {
        "tpu.trace_start"() <{level = 10 : i32, message = "wait_scatter"}> : () -> ()
        %sub3A_119 = arith.constant 4 : i32
        %sub3A_120 = arith.subi %add3A_64, %sub3A_119 : i32
        %mul3A_121 = arith.constant 16 : i32
        %mul3A_122 = arith.muli %sub3A_120, %mul3A_121 : i32
        %add3A_123 = arith.addi %mul3A_2, %mul3A_122 : i32
        %dma_wait3A = arith.constant 0 : i32
        %dma_wait3A_124 = tpu.memref_slice %arg5[%add3A_123, %dma_wait3A] : memref<262144x768xf32, #tpu.memory_space<hbm>> -> memref<16x768xf32, #tpu.memory_space<hbm>>
        %dma_wait3A_125 = arith.constant 0 : i32
        %dma_wait3A_126 = tpu.memref_slice %arg5[%add3A_123, %dma_wait3A_125] : memref<262144x768xf32, #tpu.memory_space<hbm>> -> memref<16x768xf32, #tpu.memory_space<hbm>>
        tpu.wait_dma2 semaphore(%arg14 : memref<!tpu.dma_semaphore, #tpu.memory_space<semaphore_mem>>) src(%arg10 : memref<16x768xf32, #tpu.memory_space<vmem>>) dst(%dma_wait3A_126 : memref<16x768xf32, #tpu.memory_space<hbm>>)
        "tpu.trace_stop"() : () -> ()
      } else {
      }
      %lt3A_77 = arith.constant 512 : i32
      %lt3A_78 = arith.cmpi slt, %add3A_64, %lt3A_77 : i32
      %convert_element_type3A_79 = arith.extui %lt3A_78 : i1 to i32
      %cond3A_80 = arith.constant 0 : i32
      %cond3A_81 = arith.cmpi ne, %convert_element_type3A_79, %cond3A_80 : i32
      scf.if %cond3A_81 {
        %mul3A_119 = arith.constant 16 : i32
        %mul3A_120 = arith.muli %add3A_64, %mul3A_119 : i32
        %dma_start3A = tpu.memref_slice %arg6[%mul3A_120] : memref<8192xi32, #tpu.memory_space<vmem>> -> memref<16xi32, #tpu.memory_space<vmem>>
        %dma_start3A_121 = arith.constant 0 : i32
        %dma_start3A_122 = arith.constant 0 : i32
        %dma_start3A_123 = tpu.memref_slice %arg3[%dma_start3A_121, %dma_start3A_122] : memref<30522x768xf32, #tpu.memory_space<hbm>> -> memref<30522x768xf32, #tpu.memory_space<hbm>>
        tpu.enqueue_indirect_dma source(%dma_start3A_123 : memref<30522x768xf32, #tpu.memory_space<hbm>>) target(%arg10 : memref<16x768xf32, #tpu.memory_space<vmem>>) offsets(%dma_start3A : memref<16xi32, #tpu.memory_space<vmem>>) semaphore(%arg14 : memref<!tpu.dma_semaphore, #tpu.memory_space<semaphore_mem>>)
      } else {
      }
      %ge3A_82 = arith.constant 0 : i32
      %ge3A_83 = arith.cmpi sge, %sub3A_66, %ge3A_82 : i32
      %lt3A_84 = arith.constant 512 : i32
      %lt3A_85 = arith.cmpi slt, %sub3A_66, %lt3A_84 : i32
      %and3A_86 = arith.andi %ge3A_83, %lt3A_85 : i1
      %convert_element_type3A_87 = arith.extui %and3A_86 : i1 to i32
      %cond3A_88 = arith.constant 0 : i32
      %cond3A_89 = arith.cmpi ne, %convert_element_type3A_87, %cond3A_88 : i32
      scf.if %cond3A_89 {
        "tpu.trace_start"() <{level = 10 : i32, message = "wait_gather"}> : () -> ()
        %mul3A_119 = arith.constant 16 : i32
        %mul3A_120 = arith.muli %sub3A_66, %mul3A_119 : i32
        %dma_wait3A = tpu.memref_slice %arg6[%mul3A_120] : memref<8192xi32, #tpu.memory_space<vmem>> -> memref<16xi32, #tpu.memory_space<vmem>>
        %dma_wait3A_121 = arith.constant 0 : i32
        %dma_wait3A_122 = arith.constant 0 : i32
        %dma_wait3A_123 = tpu.memref_slice %arg3[%dma_wait3A_121, %dma_wait3A_122] : memref<30522x768xf32, #tpu.memory_space<hbm>> -> memref<30522x768xf32, #tpu.memory_space<hbm>>
        tpu.wait_indirect_dma semaphore(%arg12 : memref<!tpu.dma_semaphore, #tpu.memory_space<semaphore_mem>>) src(%dma_wait3A_123 : memref<30522x768xf32, #tpu.memory_space<hbm>>) dst(%arg8 : memref<16x768xf32, #tpu.memory_space<vmem>>)
        %parallel_loop3A = arith.constant 0 : i32
        %parallel_loop3A_124 = arith.constant 48 : i32
        %parallel_loop3A_125 = arith.constant 1 : i32
        "tpu.trace_stop"() : () -> ()
        "tpu.trace_start"() <{level = 10 : i32, message = "vadd"}> : () -> ()
        scf.for %parallel_loop3A_132 = %parallel_loop3A to %parallel_loop3A_124 step %parallel_loop3A_125  : i32 {
          %parallel_loop3A_133 = arith.constant 16 : i32
          %parallel_loop3A_134 = arith.muli %parallel_loop3A_132, %parallel_loop3A_133 : i32
          %parallel_loop3A_135 = arith.constant 0 : i32
          %parallel_loop3A_136 = arith.index_cast %parallel_loop3A_135 : i32 to index
          %parallel_loop3A_137 = arith.index_cast %parallel_loop3A_134 : i32 to index
          %parallel_loop3A_138 = tpu.vector_load %arg7[%parallel_loop3A_136, %parallel_loop3A_137] {strides = array<i32>} : memref<64x768xf32, #tpu.memory_space<vmem>>, vector<1x16xf32>,
          %parallel_loop3A_139 = vector.shape_cast %parallel_loop3A_138 : vector<1x16xf32> to vector<16xf32>
          %parallel_loop3A_140 = arith.constant 0 : i32
          %parallel_loop3A_141 = arith.index_cast %parallel_loop3A_140 : i32 to index
          %parallel_loop3A_142 = arith.index_cast %parallel_loop3A_134 : i32 to index
          %parallel_loop3A_143 = tpu.vector_load %arg8[%parallel_loop3A_141, %parallel_loop3A_142] {strides = array<i32>} : memref<16x768xf32, #tpu.memory_space<vmem>>, vector<1x16xf32>,
          %parallel_loop3A_144 = vector.shape_cast %parallel_loop3A_143 : vector<1x16xf32> to vector<16xf32>
          %parallel_loop3A_145 = vector.shape_cast %parallel_loop3A_139 : vector<16xf32> to vector<1x16xf32>
          tpu.vector_store %arg8[%parallel_loop3A_141, %parallel_loop3A_142], %parallel_loop3A_145 {add = true, strides = array<i32>} : memref<16x768xf32, #tpu.memory_space<vmem>>, vector<1x16xf32>,
          %parallel_loop3A_146 = arith.constant 1 : i32
          %parallel_loop3A_147 = arith.index_cast %parallel_loop3A_146 : i32 to index
          %parallel_loop3A_148 = arith.index_cast %parallel_loop3A_134 : i32 to index
          %parallel_loop3A_149 = tpu.vector_load %arg7[%parallel_loop3A_147, %parallel_loop3A_148] {strides = array<i32>} : memref<64x768xf32, #tpu.memory_space<vmem>>, vector<1x16xf32>,
          %parallel_loop3A_150 = vector.shape_cast %parallel_loop3A_149 : vector<1x16xf32> to vector<16xf32>
          %parallel_loop3A_151 = arith.constant 1 : i32
          %parallel_loop3A_152 = arith.index_cast %parallel_loop3A_151 : i32 to index
          %parallel_loop3A_153 = arith.index_cast %parallel_loop3A_134 : i32 to index
          %parallel_loop3A_154 = tpu.vector_load %arg8[%parallel_loop3A_152, %parallel_loop3A_153] {strides = array<i32>} : memref<16x768xf32, #tpu.memory_space<vmem>>, vector<1x16xf32>,
          %parallel_loop3A_155 = vector.shape_cast %parallel_loop3A_154 : vector<1x16xf32> to vector<16xf32>
          %parallel_loop3A_156 = vector.shape_cast %parallel_loop3A_150 : vector<16xf32> to vector<1x16xf32>
          tpu.vector_store %arg8[%parallel_loop3A_152, %parallel_loop3A_153], %parallel_loop3A_156 {add = true, strides = array<i32>} : memref<16x768xf32, #tpu.memory_space<vmem>>, vector<1x16xf32>,
          %parallel_loop3A_157 = arith.constant 2 : i32
          %parallel_loop3A_158 = arith.index_cast %parallel_loop3A_157 : i32 to index
          %parallel_loop3A_159 = arith.index_cast %parallel_loop3A_134 : i32 to index
          %parallel_loop3A_160 = tpu.vector_load %arg7[%parallel_loop3A_158, %parallel_loop3A_159] {strides = array<i32>} : memref<64x768xf32, #tpu.memory_space<vmem>>, vector<1x16xf32>,
          %parallel_loop3A_161 = vector.shape_cast %parallel_loop3A_160 : vector<1x16xf32> to vector<16xf32>
          %parallel_loop3A_162 = arith.constant 2 : i32
          %parallel_loop3A_163 = arith.index_cast %parallel_loop3A_162 : i32 to index
          %parallel_loop3A_164 = arith.index_cast %parallel_loop3A_134 : i32 to index
          %parallel_loop3A_165 = tpu.vector_load %arg8[%parallel_loop3A_163, %parallel_loop3A_164] {strides = array<i32>} : memref<16x768xf32, #tpu.memory_space<vmem>>, vector<1x16xf32>,
          %parallel_loop3A_166 = vector.shape_cast %parallel_loop3A_165 : vector<1x16xf32> to vector<16xf32>
          %parallel_loop3A_167 = vector.shape_cast %parallel_loop3A_161 : vector<16xf32> to vector<1x16xf32>
          tpu.vector_store %arg8[%parallel_loop3A_163, %parallel_loop3A_164], %parallel_loop3A_167 {add = true, strides = array<i32>} : memref<16x768xf32, #tpu.memory_space<vmem>>, vector<1x16xf32>,
          %parallel_loop3A_168 = arith.constant 3 : i32
          %parallel_loop3A_169 = arith.index_cast %parallel_loop3A_168 : i32 to index
          %parallel_loop3A_170 = arith.index_cast %parallel_loop3A_134 : i32 to index
          %parallel_loop3A_171 = tpu.vector_load %arg7[%parallel_loop3A_169, %parallel_loop3A_170] {strides = array<i32>} : memref<64x768xf32, #tpu.memory_space<vmem>>, vector<1x16xf32>,
          %parallel_loop3A_172 = vector.shape_cast %parallel_loop3A_171 : vector<1x16xf32> to vector<16xf32>
          %parallel_loop3A_173 = arith.constant 3 : i32
          %parallel_loop3A_174 = arith.index_cast %parallel_loop3A_173 : i32 to index
          %parallel_loop3A_175 = arith.index_cast %parallel_loop3A_134 : i32 to index
          %parallel_loop3A_176 = tpu.vector_load %arg8[%parallel_loop3A_174, %parallel_loop3A_175] {strides = array<i32>} : memref<16x768xf32, #tpu.memory_space<vmem>>, vector<1x16xf32>,
          %parallel_loop3A_177 = vector.shape_cast %parallel_loop3A_176 : vector<1x16xf32> to vector<16xf32>
          %parallel_loop3A_178 = vector.shape_cast %parallel_loop3A_172 : vector<16xf32> to vector<1x16xf32>
          tpu.vector_store %arg8[%parallel_loop3A_174, %parallel_loop3A_175], %parallel_loop3A_178 {add = true, strides = array<i32>} : memref<16x768xf32, #tpu.memory_space<vmem>>, vector<1x16xf32>,
          %parallel_loop3A_179 = arith.constant 4 : i32
          %parallel_loop3A_180 = arith.index_cast %parallel_loop3A_179 : i32 to index
          %parallel_loop3A_181 = arith.index_cast %parallel_loop3A_134 : i32 to index
          %parallel_loop3A_182 = tpu.vector_load %arg7[%parallel_loop3A_180, %parallel_loop3A_181] {strides = array<i32>} : memref<64x768xf32, #tpu.memory_space<vmem>>, vector<1x16xf32>,
          %parallel_loop3A_183 = vector.shape_cast %parallel_loop3A_182 : vector<1x16xf32> to vector<16xf32>
          %parallel_loop3A_184 = arith.constant 4 : i32
          %parallel_loop3A_185 = arith.index_cast %parallel_loop3A_184 : i32 to index
          %parallel_loop3A_186 = arith.index_cast %parallel_loop3A_134 : i32 to index
          %parallel_loop3A_187 = tpu.vector_load %arg8[%parallel_loop3A_185, %parallel_loop3A_186] {strides = array<i32>} : memref<16x768xf32, #tpu.memory_space<vmem>>, vector<1x16xf32>,
          %parallel_loop3A_188 = vector.shape_cast %parallel_loop3A_187 : vector<1x16xf32> to vector<16xf32>
          %parallel_loop3A_189 = vector.shape_cast %parallel_loop3A_183 : vector<16xf32> to vector<1x16xf32>
          tpu.vector_store %arg8[%parallel_loop3A_185, %parallel_loop3A_186], %parallel_loop3A_189 {add = true, strides = array<i32>} : memref<16x768xf32, #tpu.memory_space<vmem>>, vector<1x16xf32>,
          %parallel_loop3A_190 = arith.constant 5 : i32
          %parallel_loop3A_191 = arith.index_cast %parallel_loop3A_190 : i32 to index
          %parallel_loop3A_192 = arith.index_cast %parallel_loop3A_134 : i32 to index
          %parallel_loop3A_193 = tpu.vector_load %arg7[%parallel_loop3A_191, %parallel_loop3A_192] {strides = array<i32>} : memref<64x768xf32, #tpu.memory_space<vmem>>, vector<1x16xf32>,
          %parallel_loop3A_194 = vector.shape_cast %parallel_loop3A_193 : vector<1x16xf32> to vector<16xf32>
          %parallel_loop3A_195 = arith.constant 5 : i32
          %parallel_loop3A_196 = arith.index_cast %parallel_loop3A_195 : i32 to index
          %parallel_loop3A_197 = arith.index_cast %parallel_loop3A_134 : i32 to index
          %parallel_loop3A_198 = tpu.vector_load %arg8[%parallel_loop3A_196, %parallel_loop3A_197] {strides = array<i32>} : memref<16x768xf32, #tpu.memory_space<vmem>>, vector<1x16xf32>,
          %parallel_loop3A_199 = vector.shape_cast %parallel_loop3A_198 : vector<1x16xf32> to vector<16xf32>
          %parallel_loop3A_200 = vector.shape_cast %parallel_loop3A_194 : vector<16xf32> to vector<1x16xf32>
          tpu.vector_store %arg8[%parallel_loop3A_196, %parallel_loop3A_197], %parallel_loop3A_200 {add = true, strides = array<i32>} : memref<16x768xf32, #tpu.memory_space<vmem>>, vector<1x16xf32>,
          %parallel_loop3A_201 = arith.constant 6 : i32
          %parallel_loop3A_202 = arith.index_cast %parallel_loop3A_201 : i32 to index
          %parallel_loop3A_203 = arith.index_cast %parallel_loop3A_134 : i32 to index
          %parallel_loop3A_204 = tpu.vector_load %arg7[%parallel_loop3A_202, %parallel_loop3A_203] {strides = array<i32>} : memref<64x768xf32, #tpu.memory_space<vmem>>, vector<1x16xf32>,
          %parallel_loop3A_205 = vector.shape_cast %parallel_loop3A_204 : vector<1x16xf32> to vector<16xf32>
          %parallel_loop3A_206 = arith.constant 6 : i32
          %parallel_loop3A_207 = arith.index_cast %parallel_loop3A_206 : i32 to index
          %parallel_loop3A_208 = arith.index_cast %parallel_loop3A_134 : i32 to index
          %parallel_loop3A_209 = tpu.vector_load %arg8[%parallel_loop3A_207, %parallel_loop3A_208] {strides = array<i32>} : memref<16x768xf32, #tpu.memory_space<vmem>>, vector<1x16xf32>,
          %parallel_loop3A_210 = vector.shape_cast %parallel_loop3A_209 : vector<1x16xf32> to vector<16xf32>
          %parallel_loop3A_211 = vector.shape_cast %parallel_loop3A_205 : vector<16xf32> to vector<1x16xf32>
          tpu.vector_store %arg8[%parallel_loop3A_207, %parallel_loop3A_208], %parallel_loop3A_211 {add = true, strides = array<i32>} : memref<16x768xf32, #tpu.memory_space<vmem>>, vector<1x16xf32>,
          %parallel_loop3A_212 = arith.constant 7 : i32
          %parallel_loop3A_213 = arith.index_cast %parallel_loop3A_212 : i32 to index
          %parallel_loop3A_214 = arith.index_cast %parallel_loop3A_134 : i32 to index
          %parallel_loop3A_215 = tpu.vector_load %arg7[%parallel_loop3A_213, %parallel_loop3A_214] {strides = array<i32>} : memref<64x768xf32, #tpu.memory_space<vmem>>, vector<1x16xf32>,
          %parallel_loop3A_216 = vector.shape_cast %parallel_loop3A_215 : vector<1x16xf32> to vector<16xf32>
          %parallel_loop3A_217 = arith.constant 7 : i32
          %parallel_loop3A_218 = arith.index_cast %parallel_loop3A_217 : i32 to index
          %parallel_loop3A_219 = arith.index_cast %parallel_loop3A_134 : i32 to index
          %parallel_loop3A_220 = tpu.vector_load %arg8[%parallel_loop3A_218, %parallel_loop3A_219] {strides = array<i32>} : memref<16x768xf32, #tpu.memory_space<vmem>>, vector<1x16xf32>,
          %parallel_loop3A_221 = vector.shape_cast %parallel_loop3A_220 : vector<1x16xf32> to vector<16xf32>
          %parallel_loop3A_222 = vector.shape_cast %parallel_loop3A_216 : vector<16xf32> to vector<1x16xf32>
          tpu.vector_store %arg8[%parallel_loop3A_218, %parallel_loop3A_219], %parallel_loop3A_222 {add = true, strides = array<i32>} : memref<16x768xf32, #tpu.memory_space<vmem>>, vector<1x16xf32>,
          %parallel_loop3A_223 = arith.constant 8 : i32
          %parallel_loop3A_224 = arith.index_cast %parallel_loop3A_223 : i32 to index
          %parallel_loop3A_225 = arith.index_cast %parallel_loop3A_134 : i32 to index
          %parallel_loop3A_226 = tpu.vector_load %arg7[%parallel_loop3A_224, %parallel_loop3A_225] {strides = array<i32>} : memref<64x768xf32, #tpu.memory_space<vmem>>, vector<1x16xf32>,
          %parallel_loop3A_227 = vector.shape_cast %parallel_loop3A_226 : vector<1x16xf32> to vector<16xf32>
          %parallel_loop3A_228 = arith.constant 8 : i32
          %parallel_loop3A_229 = arith.index_cast %parallel_loop3A_228 : i32 to index
          %parallel_loop3A_230 = arith.index_cast %parallel_loop3A_134 : i32 to index
          %parallel_loop3A_231 = tpu.vector_load %arg8[%parallel_loop3A_229, %parallel_loop3A_230] {strides = array<i32>} : memref<16x768xf32, #tpu.memory_space<vmem>>, vector<1x16xf32>,
          %parallel_loop3A_232 = vector.shape_cast %parallel_loop3A_231 : vector<1x16xf32> to vector<16xf32>
          %parallel_loop3A_233 = vector.shape_cast %parallel_loop3A_227 : vector<16xf32> to vector<1x16xf32>
          tpu.vector_store %arg8[%parallel_loop3A_229, %parallel_loop3A_230], %parallel_loop3A_233 {add = true, strides = array<i32>} : memref<16x768xf32, #tpu.memory_space<vmem>>, vector<1x16xf32>,
          %parallel_loop3A_234 = arith.constant 9 : i32
          %parallel_loop3A_235 = arith.index_cast %parallel_loop3A_234 : i32 to index
          %parallel_loop3A_236 = arith.index_cast %parallel_loop3A_134 : i32 to index
          %parallel_loop3A_237 = tpu.vector_load %arg7[%parallel_loop3A_235, %parallel_loop3A_236] {strides = array<i32>} : memref<64x768xf32, #tpu.memory_space<vmem>>, vector<1x16xf32>,
          %parallel_loop3A_238 = vector.shape_cast %parallel_loop3A_237 : vector<1x16xf32> to vector<16xf32>
          %parallel_loop3A_239 = arith.constant 9 : i32
          %parallel_loop3A_240 = arith.index_cast %parallel_loop3A_239 : i32 to index
          %parallel_loop3A_241 = arith.index_cast %parallel_loop3A_134 : i32 to index
          %parallel_loop3A_242 = tpu.vector_load %arg8[%parallel_loop3A_240, %parallel_loop3A_241] {strides = array<i32>} : memref<16x768xf32, #tpu.memory_space<vmem>>, vector<1x16xf32>,
          %parallel_loop3A_243 = vector.shape_cast %parallel_loop3A_242 : vector<1x16xf32> to vector<16xf32>
          %parallel_loop3A_244 = vector.shape_cast %parallel_loop3A_238 : vector<16xf32> to vector<1x16xf32>
          tpu.vector_store %arg8[%parallel_loop3A_240, %parallel_loop3A_241], %parallel_loop3A_244 {add = true, strides = array<i32>} : memref<16x768xf32, #tpu.memory_space<vmem>>, vector<1x16xf32>,
          %parallel_loop3A_245 = arith.constant 10 : i32
          %parallel_loop3A_246 = arith.index_cast %parallel_loop3A_245 : i32 to index
          %parallel_loop3A_247 = arith.index_cast %parallel_loop3A_134 : i32 to index
          %parallel_loop3A_248 = tpu.vector_load %arg7[%parallel_loop3A_246, %parallel_loop3A_247] {strides = array<i32>} : memref<64x768xf32, #tpu.memory_space<vmem>>, vector<1x16xf32>,
          %parallel_loop3A_249 = vector.shape_cast %parallel_loop3A_248 : vector<1x16xf32> to vector<16xf32>
          %parallel_loop3A_250 = arith.constant 10 : i32
          %parallel_loop3A_251 = arith.index_cast %parallel_loop3A_250 : i32 to index
          %parallel_loop3A_252 = arith.index_cast %parallel_loop3A_134 : i32 to index
          %parallel_loop3A_253 = tpu.vector_load %arg8[%parallel_loop3A_251, %parallel_loop3A_252] {strides = array<i32>} : memref<16x768xf32, #tpu.memory_space<vmem>>, vector<1x16xf32>,
          %parallel_loop3A_254 = vector.shape_cast %parallel_loop3A_253 : vector<1x16xf32> to vector<16xf32>
          %parallel_loop3A_255 = vector.shape_cast %parallel_loop3A_249 : vector<16xf32> to vector<1x16xf32>
          tpu.vector_store %arg8[%parallel_loop3A_251, %parallel_loop3A_252], %parallel_loop3A_255 {add = true, strides = array<i32>} : memref<16x768xf32, #tpu.memory_space<vmem>>, vector<1x16xf32>,
          %parallel_loop3A_256 = arith.constant 11 : i32
          %parallel_loop3A_257 = arith.index_cast %parallel_loop3A_256 : i32 to index
          %parallel_loop3A_258 = arith.index_cast %parallel_loop3A_134 : i32 to index
          %parallel_loop3A_259 = tpu.vector_load %arg7[%parallel_loop3A_257, %parallel_loop3A_258] {strides = array<i32>} : memref<64x768xf32, #tpu.memory_space<vmem>>, vector<1x16xf32>,
          %parallel_loop3A_260 = vector.shape_cast %parallel_loop3A_259 : vector<1x16xf32> to vector<16xf32>
          %parallel_loop3A_261 = arith.constant 11 : i32
          %parallel_loop3A_262 = arith.index_cast %parallel_loop3A_261 : i32 to index
          %parallel_loop3A_263 = arith.index_cast %parallel_loop3A_134 : i32 to index
          %parallel_loop3A_264 = tpu.vector_load %arg8[%parallel_loop3A_262, %parallel_loop3A_263] {strides = array<i32>} : memref<16x768xf32, #tpu.memory_space<vmem>>, vector<1x16xf32>,
          %parallel_loop3A_265 = vector.shape_cast %parallel_loop3A_264 : vector<1x16xf32> to vector<16xf32>
          %parallel_loop3A_266 = vector.shape_cast %parallel_loop3A_260 : vector<16xf32> to vector<1x16xf32>
          tpu.vector_store %arg8[%parallel_loop3A_262, %parallel_loop3A_263], %parallel_loop3A_266 {add = true, strides = array<i32>} : memref<16x768xf32, #tpu.memory_space<vmem>>, vector<1x16xf32>,
          %parallel_loop3A_267 = arith.constant 12 : i32
          %parallel_loop3A_268 = arith.index_cast %parallel_loop3A_267 : i32 to index
          %parallel_loop3A_269 = arith.index_cast %parallel_loop3A_134 : i32 to index
          %parallel_loop3A_270 = tpu.vector_load %arg7[%parallel_loop3A_268, %parallel_loop3A_269] {strides = array<i32>} : memref<64x768xf32, #tpu.memory_space<vmem>>, vector<1x16xf32>,
          %parallel_loop3A_271 = vector.shape_cast %parallel_loop3A_270 : vector<1x16xf32> to vector<16xf32>
          %parallel_loop3A_272 = arith.constant 12 : i32
          %parallel_loop3A_273 = arith.index_cast %parallel_loop3A_272 : i32 to index
          %parallel_loop3A_274 = arith.index_cast %parallel_loop3A_134 : i32 to index
          %parallel_loop3A_275 = tpu.vector_load %arg8[%parallel_loop3A_273, %parallel_loop3A_274] {strides = array<i32>} : memref<16x768xf32, #tpu.memory_space<vmem>>, vector<1x16xf32>,
          %parallel_loop3A_276 = vector.shape_cast %parallel_loop3A_275 : vector<1x16xf32> to vector<16xf32>
          %parallel_loop3A_277 = vector.shape_cast %parallel_loop3A_271 : vector<16xf32> to vector<1x16xf32>
          tpu.vector_store %arg8[%parallel_loop3A_273, %parallel_loop3A_274], %parallel_loop3A_277 {add = true, strides = array<i32>} : memref<16x768xf32, #tpu.memory_space<vmem>>, vector<1x16xf32>,
          %parallel_loop3A_278 = arith.constant 13 : i32
          %parallel_loop3A_279 = arith.index_cast %parallel_loop3A_278 : i32 to index
          %parallel_loop3A_280 = arith.index_cast %parallel_loop3A_134 : i32 to index
          %parallel_loop3A_281 = tpu.vector_load %arg7[%parallel_loop3A_279, %parallel_loop3A_280] {strides = array<i32>} : memref<64x768xf32, #tpu.memory_space<vmem>>, vector<1x16xf32>,
          %parallel_loop3A_282 = vector.shape_cast %parallel_loop3A_281 : vector<1x16xf32> to vector<16xf32>
          %parallel_loop3A_283 = arith.constant 13 : i32
          %parallel_loop3A_284 = arith.index_cast %parallel_loop3A_283 : i32 to index
          %parallel_loop3A_285 = arith.index_cast %parallel_loop3A_134 : i32 to index
          %parallel_loop3A_286 = tpu.vector_load %arg8[%parallel_loop3A_284, %parallel_loop3A_285] {strides = array<i32>} : memref<16x768xf32, #tpu.memory_space<vmem>>, vector<1x16xf32>,
          %parallel_loop3A_287 = vector.shape_cast %parallel_loop3A_286 : vector<1x16xf32> to vector<16xf32>
          %parallel_loop3A_288 = vector.shape_cast %parallel_loop3A_282 : vector<16xf32> to vector<1x16xf32>
          tpu.vector_store %arg8[%parallel_loop3A_284, %parallel_loop3A_285], %parallel_loop3A_288 {add = true, strides = array<i32>} : memref<16x768xf32, #tpu.memory_space<vmem>>, vector<1x16xf32>,
          %parallel_loop3A_289 = arith.constant 14 : i32
          %parallel_loop3A_290 = arith.index_cast %parallel_loop3A_289 : i32 to index
          %parallel_loop3A_291 = arith.index_cast %parallel_loop3A_134 : i32 to index
          %parallel_loop3A_292 = tpu.vector_load %arg7[%parallel_loop3A_290, %parallel_loop3A_291] {strides = array<i32>} : memref<64x768xf32, #tpu.memory_space<vmem>>, vector<1x16xf32>,
          %parallel_loop3A_293 = vector.shape_cast %parallel_loop3A_292 : vector<1x16xf32> to vector<16xf32>
          %parallel_loop3A_294 = arith.constant 14 : i32
          %parallel_loop3A_295 = arith.index_cast %parallel_loop3A_294 : i32 to index
          %parallel_loop3A_296 = arith.index_cast %parallel_loop3A_134 : i32 to index
          %parallel_loop3A_297 = tpu.vector_load %arg8[%parallel_loop3A_295, %parallel_loop3A_296] {strides = array<i32>} : memref<16x768xf32, #tpu.memory_space<vmem>>, vector<1x16xf32>,
          %parallel_loop3A_298 = vector.shape_cast %parallel_loop3A_297 : vector<1x16xf32> to vector<16xf32>
          %parallel_loop3A_299 = vector.shape_cast %parallel_loop3A_293 : vector<16xf32> to vector<1x16xf32>
          tpu.vector_store %arg8[%parallel_loop3A_295, %parallel_loop3A_296], %parallel_loop3A_299 {add = true, strides = array<i32>} : memref<16x768xf32, #tpu.memory_space<vmem>>, vector<1x16xf32>,
          %parallel_loop3A_300 = arith.constant 15 : i32
          %parallel_loop3A_301 = arith.index_cast %parallel_loop3A_300 : i32 to index
          %parallel_loop3A_302 = arith.index_cast %parallel_loop3A_134 : i32 to index
          %parallel_loop3A_303 = tpu.vector_load %arg7[%parallel_loop3A_301, %parallel_loop3A_302] {strides = array<i32>} : memref<64x768xf32, #tpu.memory_space<vmem>>, vector<1x16xf32>,
          %parallel_loop3A_304 = vector.shape_cast %parallel_loop3A_303 : vector<1x16xf32> to vector<16xf32>
          %parallel_loop3A_305 = arith.constant 15 : i32
          %parallel_loop3A_306 = arith.index_cast %parallel_loop3A_305 : i32 to index
          %parallel_loop3A_307 = arith.index_cast %parallel_loop3A_134 : i32 to index
          %parallel_loop3A_308 = tpu.vector_load %arg8[%parallel_loop3A_306, %parallel_loop3A_307] {strides = array<i32>} : memref<16x768xf32, #tpu.memory_space<vmem>>, vector<1x16xf32>,
          %parallel_loop3A_309 = vector.shape_cast %parallel_loop3A_308 : vector<1x16xf32> to vector<16xf32>
          %parallel_loop3A_310 = vector.shape_cast %parallel_loop3A_304 : vector<16xf32> to vector<1x16xf32>
          tpu.vector_store %arg8[%parallel_loop3A_306, %parallel_loop3A_307], %parallel_loop3A_310 {add = true, strides = array<i32>} : memref<16x768xf32, #tpu.memory_space<vmem>>, vector<1x16xf32>,
        } {sc.loop_unroll_factor = 8 : i64, sc.parallel_access}
        "tpu.trace_stop"() : () -> ()
        %mul3A_126 = arith.constant 16 : i32
        %mul3A_127 = arith.muli %sub3A_66, %mul3A_126 : i32
        %add3A_128 = arith.addi %mul3A_2, %mul3A_127 : i32
        %dma_start3A = arith.constant 0 : i32
        %dma_start3A_129 = tpu.memref_slice %arg5[%add3A_128, %dma_start3A] : memref<262144x768xf32, #tpu.memory_space<hbm>> -> memref<16x768xf32, #tpu.memory_space<hbm>>
        %dma_start3A_130 = arith.constant 0 : i32
        %dma_start3A_131 = tpu.memref_slice %arg5[%add3A_128, %dma_start3A_130] : memref<262144x768xf32, #tpu.memory_space<hbm>> -> memref<16x768xf32, #tpu.memory_space<hbm>>
        tpu.enqueue_dma source(%arg8 : memref<16x768xf32, #tpu.memory_space<vmem>>) target(%dma_start3A_131 : memref<16x768xf32, #tpu.memory_space<hbm>>) target_semaphore(%arg12 : memref<!tpu.dma_semaphore, #tpu.memory_space<semaphore_mem>>)
      } else {
      }
      %mul3A_90 = arith.constant 4 : i32
      %mul3A_91 = arith.muli %scan3A_8, %mul3A_90 : i32
      %add3A_92 = arith.constant 3 : i32
      %add3A_93 = arith.addi %mul3A_91, %add3A_92 : i32
      %sub3A_94 = arith.constant 2 : i32
      %sub3A_95 = arith.subi %add3A_93, %sub3A_94 : i32
      %ge3A_96 = arith.constant 4 : i32
      %ge3A_97 = arith.cmpi sge, %add3A_93, %ge3A_96 : i32
      %sub3A_98 = arith.constant 4 : i32
      %sub3A_99 = arith.subi %add3A_93, %sub3A_98 : i32
      %lt3A_100 = arith.constant 512 : i32
      %lt3A_101 = arith.cmpi slt, %sub3A_99, %lt3A_100 : i32
      %and3A_102 = arith.andi %ge3A_97, %lt3A_101 : i1
      %convert_element_type3A_103 = arith.extui %and3A_102 : i1 to i32
      %cond3A_104 = arith.constant 0 : i32
      %cond3A_105 = arith.cmpi ne, %convert_element_type3A_103, %cond3A_104 : i32
      scf.if %cond3A_105 {
        "tpu.trace_start"() <{level = 10 : i32, message = "wait_scatter"}> : () -> ()
        %sub3A_119 = arith.constant 4 : i32
        %sub3A_120 = arith.subi %add3A_93, %sub3A_119 : i32
        %mul3A_121 = arith.constant 16 : i32
        %mul3A_122 = arith.muli %sub3A_120, %mul3A_121 : i32
        %add3A_123 = arith.addi %mul3A_2, %mul3A_122 : i32
        %dma_wait3A = arith.constant 0 : i32
        %dma_wait3A_124 = tpu.memref_slice %arg5[%add3A_123, %dma_wait3A] : memref<262144x768xf32, #tpu.memory_space<hbm>> -> memref<16x768xf32, #tpu.memory_space<hbm>>
        %dma_wait3A_125 = arith.constant 0 : i32
        %dma_wait3A_126 = tpu.memref_slice %arg5[%add3A_123, %dma_wait3A_125] : memref<262144x768xf32, #tpu.memory_space<hbm>> -> memref<16x768xf32, #tpu.memory_space<hbm>>
        tpu.wait_dma2 semaphore(%arg15 : memref<!tpu.dma_semaphore, #tpu.memory_space<semaphore_mem>>) src(%arg11 : memref<16x768xf32, #tpu.memory_space<vmem>>) dst(%dma_wait3A_126 : memref<16x768xf32, #tpu.memory_space<hbm>>)
        "tpu.trace_stop"() : () -> ()
      } else {
      }
      %lt3A_106 = arith.constant 512 : i32
      %lt3A_107 = arith.cmpi slt, %add3A_93, %lt3A_106 : i32
      %convert_element_type3A_108 = arith.extui %lt3A_107 : i1 to i32
      %cond3A_109 = arith.constant 0 : i32
      %cond3A_110 = arith.cmpi ne, %convert_element_type3A_108, %cond3A_109 : i32
      scf.if %cond3A_110 {
        %mul3A_119 = arith.constant 16 : i32
        %mul3A_120 = arith.muli %add3A_93, %mul3A_119 : i32
        %dma_start3A = tpu.memref_slice %arg6[%mul3A_120] : memref<8192xi32, #tpu.memory_space<vmem>> -> memref<16xi32, #tpu.memory_space<vmem>>
        %dma_start3A_121 = arith.constant 0 : i32
        %dma_start3A_122 = arith.constant 0 : i32
        %dma_start3A_123 = tpu.memref_slice %arg3[%dma_start3A_121, %dma_start3A_122] : memref<30522x768xf32, #tpu.memory_space<hbm>> -> memref<30522x768xf32, #tpu.memory_space<hbm>>
        tpu.enqueue_indirect_dma source(%dma_start3A_123 : memref<30522x768xf32, #tpu.memory_space<hbm>>) target(%arg11 : memref<16x768xf32, #tpu.memory_space<vmem>>) offsets(%dma_start3A : memref<16xi32, #tpu.memory_space<vmem>>) semaphore(%arg15 : memref<!tpu.dma_semaphore, #tpu.memory_space<semaphore_mem>>)
      } else {
      }
      %ge3A_111 = arith.constant 0 : i32
      %ge3A_112 = arith.cmpi sge, %sub3A_95, %ge3A_111 : i32
      %lt3A_113 = arith.constant 512 : i32
      %lt3A_114 = arith.cmpi slt, %sub3A_95, %lt3A_113 : i32
      %and3A_115 = arith.andi %ge3A_112, %lt3A_114 : i1
      %convert_element_type3A_116 = arith.extui %and3A_115 : i1 to i32
      %cond3A_117 = arith.constant 0 : i32
      %cond3A_118 = arith.cmpi ne, %convert_element_type3A_116, %cond3A_117 : i32
      scf.if %cond3A_118 {
        "tpu.trace_start"() <{level = 10 : i32, message = "wait_gather"}> : () -> ()
        %mul3A_119 = arith.constant 16 : i32
        %mul3A_120 = arith.muli %sub3A_95, %mul3A_119 : i32
        %dma_wait3A = tpu.memref_slice %arg6[%mul3A_120] : memref<8192xi32, #tpu.memory_space<vmem>> -> memref<16xi32, #tpu.memory_space<vmem>>
        %dma_wait3A_121 = arith.constant 0 : i32
        %dma_wait3A_122 = arith.constant 0 : i32
        %dma_wait3A_123 = tpu.memref_slice %arg3[%dma_wait3A_121, %dma_wait3A_122] : memref<30522x768xf32, #tpu.memory_space<hbm>> -> memref<30522x768xf32, #tpu.memory_space<hbm>>
        tpu.wait_indirect_dma semaphore(%arg13 : memref<!tpu.dma_semaphore, #tpu.memory_space<semaphore_mem>>) src(%dma_wait3A_123 : memref<30522x768xf32, #tpu.memory_space<hbm>>) dst(%arg9 : memref<16x768xf32, #tpu.memory_space<vmem>>)
        %parallel_loop3A = arith.constant 0 : i32
        %parallel_loop3A_124 = arith.constant 48 : i32
        %parallel_loop3A_125 = arith.constant 1 : i32
        "tpu.trace_stop"() : () -> ()
        "tpu.trace_start"() <{level = 10 : i32, message = "vadd"}> : () -> ()
        scf.for %parallel_loop3A_132 = %parallel_loop3A to %parallel_loop3A_124 step %parallel_loop3A_125  : i32 {
          %parallel_loop3A_133 = arith.constant 16 : i32
          %parallel_loop3A_134 = arith.muli %parallel_loop3A_132, %parallel_loop3A_133 : i32
          %parallel_loop3A_135 = arith.constant 16 : i32
          %parallel_loop3A_136 = arith.index_cast %parallel_loop3A_135 : i32 to index
          %parallel_loop3A_137 = arith.index_cast %parallel_loop3A_134 : i32 to index
          %parallel_loop3A_138 = tpu.vector_load %arg7[%parallel_loop3A_136, %parallel_loop3A_137] {strides = array<i32>} : memref<64x768xf32, #tpu.memory_space<vmem>>, vector<1x16xf32>,
          %parallel_loop3A_139 = vector.shape_cast %parallel_loop3A_138 : vector<1x16xf32> to vector<16xf32>
          %parallel_loop3A_140 = arith.constant 0 : i32
          %parallel_loop3A_141 = arith.index_cast %parallel_loop3A_140 : i32 to index
          %parallel_loop3A_142 = arith.index_cast %parallel_loop3A_134 : i32 to index
          %parallel_loop3A_143 = tpu.vector_load %arg9[%parallel_loop3A_141, %parallel_loop3A_142] {strides = array<i32>} : memref<16x768xf32, #tpu.memory_space<vmem>>, vector<1x16xf32>,
          %parallel_loop3A_144 = vector.shape_cast %parallel_loop3A_143 : vector<1x16xf32> to vector<16xf32>
          %parallel_loop3A_145 = vector.shape_cast %parallel_loop3A_139 : vector<16xf32> to vector<1x16xf32>
          tpu.vector_store %arg9[%parallel_loop3A_141, %parallel_loop3A_142], %parallel_loop3A_145 {add = true, strides = array<i32>} : memref<16x768xf32, #tpu.memory_space<vmem>>, vector<1x16xf32>,
          %parallel_loop3A_146 = arith.constant 17 : i32
          %parallel_loop3A_147 = arith.index_cast %parallel_loop3A_146 : i32 to index
          %parallel_loop3A_148 = arith.index_cast %parallel_loop3A_134 : i32 to index
          %parallel_loop3A_149 = tpu.vector_load %arg7[%parallel_loop3A_147, %parallel_loop3A_148] {strides = array<i32>} : memref<64x768xf32, #tpu.memory_space<vmem>>, vector<1x16xf32>,
          %parallel_loop3A_150 = vector.shape_cast %parallel_loop3A_149 : vector<1x16xf32> to vector<16xf32>
          %parallel_loop3A_151 = arith.constant 1 : i32
          %parallel_loop3A_152 = arith.index_cast %parallel_loop3A_151 : i32 to index
          %parallel_loop3A_153 = arith.index_cast %parallel_loop3A_134 : i32 to index
          %parallel_loop3A_154 = tpu.vector_load %arg9[%parallel_loop3A_152, %parallel_loop3A_153] {strides = array<i32>} : memref<16x768xf32, #tpu.memory_space<vmem>>, vector<1x16xf32>,
          %parallel_loop3A_155 = vector.shape_cast %parallel_loop3A_154 : vector<1x16xf32> to vector<16xf32>
          %parallel_loop3A_156 = vector.shape_cast %parallel_loop3A_150 : vector<16xf32> to vector<1x16xf32>
          tpu.vector_store %arg9[%parallel_loop3A_152, %parallel_loop3A_153], %parallel_loop3A_156 {add = true, strides = array<i32>} : memref<16x768xf32, #tpu.memory_space<vmem>>, vector<1x16xf32>,
          %parallel_loop3A_157 = arith.constant 18 : i32
          %parallel_loop3A_158 = arith.index_cast %parallel_loop3A_157 : i32 to index
          %parallel_loop3A_159 = arith.index_cast %parallel_loop3A_134 : i32 to index
          %parallel_loop3A_160 = tpu.vector_load %arg7[%parallel_loop3A_158, %parallel_loop3A_159] {strides = array<i32>} : memref<64x768xf32, #tpu.memory_space<vmem>>, vector<1x16xf32>,
          %parallel_loop3A_161 = vector.shape_cast %parallel_loop3A_160 : vector<1x16xf32> to vector<16xf32>
          %parallel_loop3A_162 = arith.constant 2 : i32
          %parallel_loop3A_163 = arith.index_cast %parallel_loop3A_162 : i32 to index
          %parallel_loop3A_164 = arith.index_cast %parallel_loop3A_134 : i32 to index
          %parallel_loop3A_165 = tpu.vector_load %arg9[%parallel_loop3A_163, %parallel_loop3A_164] {strides = array<i32>} : memref<16x768xf32, #tpu.memory_space<vmem>>, vector<1x16xf32>,
          %parallel_loop3A_166 = vector.shape_cast %parallel_loop3A_165 : vector<1x16xf32> to vector<16xf32>
          %parallel_loop3A_167 = vector.shape_cast %parallel_loop3A_161 : vector<16xf32> to vector<1x16xf32>
          tpu.vector_store %arg9[%parallel_loop3A_163, %parallel_loop3A_164], %parallel_loop3A_167 {add = true, strides = array<i32>} : memref<16x768xf32, #tpu.memory_space<vmem>>, vector<1x16xf32>,
          %parallel_loop3A_168 = arith.constant 19 : i32
          %parallel_loop3A_169 = arith.index_cast %parallel_loop3A_168 : i32 to index
          %parallel_loop3A_170 = arith.index_cast %parallel_loop3A_134 : i32 to index
          %parallel_loop3A_171 = tpu.vector_load %arg7[%parallel_loop3A_169, %parallel_loop3A_170] {strides = array<i32>} : memref<64x768xf32, #tpu.memory_space<vmem>>, vector<1x16xf32>,
          %parallel_loop3A_172 = vector.shape_cast %parallel_loop3A_171 : vector<1x16xf32> to vector<16xf32>
          %parallel_loop3A_173 = arith.constant 3 : i32
          %parallel_loop3A_174 = arith.index_cast %parallel_loop3A_173 : i32 to index
          %parallel_loop3A_175 = arith.index_cast %parallel_loop3A_134 : i32 to index
          %parallel_loop3A_176 = tpu.vector_load %arg9[%parallel_loop3A_174, %parallel_loop3A_175] {strides = array<i32>} : memref<16x768xf32, #tpu.memory_space<vmem>>, vector<1x16xf32>,
          %parallel_loop3A_177 = vector.shape_cast %parallel_loop3A_176 : vector<1x16xf32> to vector<16xf32>
          %parallel_loop3A_178 = vector.shape_cast %parallel_loop3A_172 : vector<16xf32> to vector<1x16xf32>
          tpu.vector_store %arg9[%parallel_loop3A_174, %parallel_loop3A_175], %parallel_loop3A_178 {add = true, strides = array<i32>} : memref<16x768xf32, #tpu.memory_space<vmem>>, vector<1x16xf32>,
          %parallel_loop3A_179 = arith.constant 20 : i32
          %parallel_loop3A_180 = arith.index_cast %parallel_loop3A_179 : i32 to index
          %parallel_loop3A_181 = arith.index_cast %parallel_loop3A_134 : i32 to index
          %parallel_loop3A_182 = tpu.vector_load %arg7[%parallel_loop3A_180, %parallel_loop3A_181] {strides = array<i32>} : memref<64x768xf32, #tpu.memory_space<vmem>>, vector<1x16xf32>,
          %parallel_loop3A_183 = vector.shape_cast %parallel_loop3A_182 : vector<1x16xf32> to vector<16xf32>
          %parallel_loop3A_184 = arith.constant 4 : i32
          %parallel_loop3A_185 = arith.index_cast %parallel_loop3A_184 : i32 to index
          %parallel_loop3A_186 = arith.index_cast %parallel_loop3A_134 : i32 to index
          %parallel_loop3A_187 = tpu.vector_load %arg9[%parallel_loop3A_185, %parallel_loop3A_186] {strides = array<i32>} : memref<16x768xf32, #tpu.memory_space<vmem>>, vector<1x16xf32>,
          %parallel_loop3A_188 = vector.shape_cast %parallel_loop3A_187 : vector<1x16xf32> to vector<16xf32>
          %parallel_loop3A_189 = vector.shape_cast %parallel_loop3A_183 : vector<16xf32> to vector<1x16xf32>
          tpu.vector_store %arg9[%parallel_loop3A_185, %parallel_loop3A_186], %parallel_loop3A_189 {add = true, strides = array<i32>} : memref<16x768xf32, #tpu.memory_space<vmem>>, vector<1x16xf32>,
          %parallel_loop3A_190 = arith.constant 21 : i32
          %parallel_loop3A_191 = arith.index_cast %parallel_loop3A_190 : i32 to index
          %parallel_loop3A_192 = arith.index_cast %parallel_loop3A_134 : i32 to index
          %parallel_loop3A_193 = tpu.vector_load %arg7[%parallel_loop3A_191, %parallel_loop3A_192] {strides = array<i32>} : memref<64x768xf32, #tpu.memory_space<vmem>>, vector<1x16xf32>,
          %parallel_loop3A_194 = vector.shape_cast %parallel_loop3A_193 : vector<1x16xf32> to vector<16xf32>
          %parallel_loop3A_195 = arith.constant 5 : i32
          %parallel_loop3A_196 = arith.index_cast %parallel_loop3A_195 : i32 to index
          %parallel_loop3A_197 = arith.index_cast %parallel_loop3A_134 : i32 to index
          %parallel_loop3A_198 = tpu.vector_load %arg9[%parallel_loop3A_196, %parallel_loop3A_197] {strides = array<i32>} : memref<16x768xf32, #tpu.memory_space<vmem>>, vector<1x16xf32>,
          %parallel_loop3A_199 = vector.shape_cast %parallel_loop3A_198 : vector<1x16xf32> to vector<16xf32>
          %parallel_loop3A_200 = vector.shape_cast %parallel_loop3A_194 : vector<16xf32> to vector<1x16xf32>
          tpu.vector_store %arg9[%parallel_loop3A_196, %parallel_loop3A_197], %parallel_loop3A_200 {add = true, strides = array<i32>} : memref<16x768xf32, #tpu.memory_space<vmem>>, vector<1x16xf32>,
          %parallel_loop3A_201 = arith.constant 22 : i32
          %parallel_loop3A_202 = arith.index_cast %parallel_loop3A_201 : i32 to index
          %parallel_loop3A_203 = arith.index_cast %parallel_loop3A_134 : i32 to index
          %parallel_loop3A_204 = tpu.vector_load %arg7[%parallel_loop3A_202, %parallel_loop3A_203] {strides = array<i32>} : memref<64x768xf32, #tpu.memory_space<vmem>>, vector<1x16xf32>,
          %parallel_loop3A_205 = vector.shape_cast %parallel_loop3A_204 : vector<1x16xf32> to vector<16xf32>
          %parallel_loop3A_206 = arith.constant 6 : i32
          %parallel_loop3A_207 = arith.index_cast %parallel_loop3A_206 : i32 to index
          %parallel_loop3A_208 = arith.index_cast %parallel_loop3A_134 : i32 to index
          %parallel_loop3A_209 = tpu.vector_load %arg9[%parallel_loop3A_207, %parallel_loop3A_208] {strides = array<i32>} : memref<16x768xf32, #tpu.memory_space<vmem>>, vector<1x16xf32>,
          %parallel_loop3A_210 = vector.shape_cast %parallel_loop3A_209 : vector<1x16xf32> to vector<16xf32>
          %parallel_loop3A_211 = vector.shape_cast %parallel_loop3A_205 : vector<16xf32> to vector<1x16xf32>
          tpu.vector_store %arg9[%parallel_loop3A_207, %parallel_loop3A_208], %parallel_loop3A_211 {add = true, strides = array<i32>} : memref<16x768xf32, #tpu.memory_space<vmem>>, vector<1x16xf32>,
          %parallel_loop3A_212 = arith.constant 23 : i32
          %parallel_loop3A_213 = arith.index_cast %parallel_loop3A_212 : i32 to index
          %parallel_loop3A_214 = arith.index_cast %parallel_loop3A_134 : i32 to index
          %parallel_loop3A_215 = tpu.vector_load %arg7[%parallel_loop3A_213, %parallel_loop3A_214] {strides = array<i32>} : memref<64x768xf32, #tpu.memory_space<vmem>>, vector<1x16xf32>,
          %parallel_loop3A_216 = vector.shape_cast %parallel_loop3A_215 : vector<1x16xf32> to vector<16xf32>
          %parallel_loop3A_217 = arith.constant 7 : i32
          %parallel_loop3A_218 = arith.index_cast %parallel_loop3A_217 : i32 to index
          %parallel_loop3A_219 = arith.index_cast %parallel_loop3A_134 : i32 to index
          %parallel_loop3A_220 = tpu.vector_load %arg9[%parallel_loop3A_218, %parallel_loop3A_219] {strides = array<i32>} : memref<16x768xf32, #tpu.memory_space<vmem>>, vector<1x16xf32>,
          %parallel_loop3A_221 = vector.shape_cast %parallel_loop3A_220 : vector<1x16xf32> to vector<16xf32>
          %parallel_loop3A_222 = vector.shape_cast %parallel_loop3A_216 : vector<16xf32> to vector<1x16xf32>
          tpu.vector_store %arg9[%parallel_loop3A_218, %parallel_loop3A_219], %parallel_loop3A_222 {add = true, strides = array<i32>} : memref<16x768xf32, #tpu.memory_space<vmem>>, vector<1x16xf32>,
          %parallel_loop3A_223 = arith.constant 24 : i32
          %parallel_loop3A_224 = arith.index_cast %parallel_loop3A_223 : i32 to index
          %parallel_loop3A_225 = arith.index_cast %parallel_loop3A_134 : i32 to index
          %parallel_loop3A_226 = tpu.vector_load %arg7[%parallel_loop3A_224, %parallel_loop3A_225] {strides = array<i32>} : memref<64x768xf32, #tpu.memory_space<vmem>>, vector<1x16xf32>,
          %parallel_loop3A_227 = vector.shape_cast %parallel_loop3A_226 : vector<1x16xf32> to vector<16xf32>
          %parallel_loop3A_228 = arith.constant 8 : i32
          %parallel_loop3A_229 = arith.index_cast %parallel_loop3A_228 : i32 to index
          %parallel_loop3A_230 = arith.index_cast %parallel_loop3A_134 : i32 to index
          %parallel_loop3A_231 = tpu.vector_load %arg9[%parallel_loop3A_229, %parallel_loop3A_230] {strides = array<i32>} : memref<16x768xf32, #tpu.memory_space<vmem>>, vector<1x16xf32>,
          %parallel_loop3A_232 = vector.shape_cast %parallel_loop3A_231 : vector<1x16xf32> to vector<16xf32>
          %parallel_loop3A_233 = vector.shape_cast %parallel_loop3A_227 : vector<16xf32> to vector<1x16xf32>
          tpu.vector_store %arg9[%parallel_loop3A_229, %parallel_loop3A_230], %parallel_loop3A_233 {add = true, strides = array<i32>} : memref<16x768xf32, #tpu.memory_space<vmem>>, vector<1x16xf32>,
          %parallel_loop3A_234 = arith.constant 25 : i32
          %parallel_loop3A_235 = arith.index_cast %parallel_loop3A_234 : i32 to index
          %parallel_loop3A_236 = arith.index_cast %parallel_loop3A_134 : i32 to index
          %parallel_loop3A_237 = tpu.vector_load %arg7[%parallel_loop3A_235, %parallel_loop3A_236] {strides = array<i32>} : memref<64x768xf32, #tpu.memory_space<vmem>>, vector<1x16xf32>,
          %parallel_loop3A_238 = vector.shape_cast %parallel_loop3A_237 : vector<1x16xf32> to vector<16xf32>
          %parallel_loop3A_239 = arith.constant 9 : i32
          %parallel_loop3A_240 = arith.index_cast %parallel_loop3A_239 : i32 to index
          %parallel_loop3A_241 = arith.index_cast %parallel_loop3A_134 : i32 to index
          %parallel_loop3A_242 = tpu.vector_load %arg9[%parallel_loop3A_240, %parallel_loop3A_241] {strides = array<i32>} : memref<16x768xf32, #tpu.memory_space<vmem>>, vector<1x16xf32>,
          %parallel_loop3A_243 = vector.shape_cast %parallel_loop3A_242 : vector<1x16xf32> to vector<16xf32>
          %parallel_loop3A_244 = vector.shape_cast %parallel_loop3A_238 : vector<16xf32> to vector<1x16xf32>
          tpu.vector_store %arg9[%parallel_loop3A_240, %parallel_loop3A_241], %parallel_loop3A_244 {add = true, strides = array<i32>} : memref<16x768xf32, #tpu.memory_space<vmem>>, vector<1x16xf32>,
          %parallel_loop3A_245 = arith.constant 26 : i32
          %parallel_loop3A_246 = arith.index_cast %parallel_loop3A_245 : i32 to index
          %parallel_loop3A_247 = arith.index_cast %parallel_loop3A_134 : i32 to index
          %parallel_loop3A_248 = tpu.vector_load %arg7[%parallel_loop3A_246, %parallel_loop3A_247] {strides = array<i32>} : memref<64x768xf32, #tpu.memory_space<vmem>>, vector<1x16xf32>,
          %parallel_loop3A_249 = vector.shape_cast %parallel_loop3A_248 : vector<1x16xf32> to vector<16xf32>
          %parallel_loop3A_250 = arith.constant 10 : i32
          %parallel_loop3A_251 = arith.index_cast %parallel_loop3A_250 : i32 to index
          %parallel_loop3A_252 = arith.index_cast %parallel_loop3A_134 : i32 to index
          %parallel_loop3A_253 = tpu.vector_load %arg9[%parallel_loop3A_251, %parallel_loop3A_252] {strides = array<i32>} : memref<16x768xf32, #tpu.memory_space<vmem>>, vector<1x16xf32>,
          %parallel_loop3A_254 = vector.shape_cast %parallel_loop3A_253 : vector<1x16xf32> to vector<16xf32>
          %parallel_loop3A_255 = vector.shape_cast %parallel_loop3A_249 : vector<16xf32> to vector<1x16xf32>
          tpu.vector_store %arg9[%parallel_loop3A_251, %parallel_loop3A_252], %parallel_loop3A_255 {add = true, strides = array<i32>} : memref<16x768xf32, #tpu.memory_space<vmem>>, vector<1x16xf32>,
          %parallel_loop3A_256 = arith.constant 27 : i32
          %parallel_loop3A_257 = arith.index_cast %parallel_loop3A_256 : i32 to index
          %parallel_loop3A_258 = arith.index_cast %parallel_loop3A_134 : i32 to index
          %parallel_loop3A_259 = tpu.vector_load %arg7[%parallel_loop3A_257, %parallel_loop3A_258] {strides = array<i32>} : memref<64x768xf32, #tpu.memory_space<vmem>>, vector<1x16xf32>,
          %parallel_loop3A_260 = vector.shape_cast %parallel_loop3A_259 : vector<1x16xf32> to vector<16xf32>
          %parallel_loop3A_261 = arith.constant 11 : i32
          %parallel_loop3A_262 = arith.index_cast %parallel_loop3A_261 : i32 to index
          %parallel_loop3A_263 = arith.index_cast %parallel_loop3A_134 : i32 to index
          %parallel_loop3A_264 = tpu.vector_load %arg9[%parallel_loop3A_262, %parallel_loop3A_263] {strides = array<i32>} : memref<16x768xf32, #tpu.memory_space<vmem>>, vector<1x16xf32>,
          %parallel_loop3A_265 = vector.shape_cast %parallel_loop3A_264 : vector<1x16xf32> to vector<16xf32>
          %parallel_loop3A_266 = vector.shape_cast %parallel_loop3A_260 : vector<16xf32> to vector<1x16xf32>
          tpu.vector_store %arg9[%parallel_loop3A_262, %parallel_loop3A_263], %parallel_loop3A_266 {add = true, strides = array<i32>} : memref<16x768xf32, #tpu.memory_space<vmem>>, vector<1x16xf32>,
          %parallel_loop3A_267 = arith.constant 28 : i32
          %parallel_loop3A_268 = arith.index_cast %parallel_loop3A_267 : i32 to index
          %parallel_loop3A_269 = arith.index_cast %parallel_loop3A_134 : i32 to index
          %parallel_loop3A_270 = tpu.vector_load %arg7[%parallel_loop3A_268, %parallel_loop3A_269] {strides = array<i32>} : memref<64x768xf32, #tpu.memory_space<vmem>>, vector<1x16xf32>,
          %parallel_loop3A_271 = vector.shape_cast %parallel_loop3A_270 : vector<1x16xf32> to vector<16xf32>
          %parallel_loop3A_272 = arith.constant 12 : i32
          %parallel_loop3A_273 = arith.index_cast %parallel_loop3A_272 : i32 to index
          %parallel_loop3A_274 = arith.index_cast %parallel_loop3A_134 : i32 to index
          %parallel_loop3A_275 = tpu.vector_load %arg9[%parallel_loop3A_273, %parallel_loop3A_274] {strides = array<i32>} : memref<16x768xf32, #tpu.memory_space<vmem>>, vector<1x16xf32>,
          %parallel_loop3A_276 = vector.shape_cast %parallel_loop3A_275 : vector<1x16xf32> to vector<16xf32>
          %parallel_loop3A_277 = vector.shape_cast %parallel_loop3A_271 : vector<16xf32> to vector<1x16xf32>
          tpu.vector_store %arg9[%parallel_loop3A_273, %parallel_loop3A_274], %parallel_loop3A_277 {add = true, strides = array<i32>} : memref<16x768xf32, #tpu.memory_space<vmem>>, vector<1x16xf32>,
          %parallel_loop3A_278 = arith.constant 29 : i32
          %parallel_loop3A_279 = arith.index_cast %parallel_loop3A_278 : i32 to index
          %parallel_loop3A_280 = arith.index_cast %parallel_loop3A_134 : i32 to index
          %parallel_loop3A_281 = tpu.vector_load %arg7[%parallel_loop3A_279, %parallel_loop3A_280] {strides = array<i32>} : memref<64x768xf32, #tpu.memory_space<vmem>>, vector<1x16xf32>,
          %parallel_loop3A_282 = vector.shape_cast %parallel_loop3A_281 : vector<1x16xf32> to vector<16xf32>
          %parallel_loop3A_283 = arith.constant 13 : i32
          %parallel_loop3A_284 = arith.index_cast %parallel_loop3A_283 : i32 to index
          %parallel_loop3A_285 = arith.index_cast %parallel_loop3A_134 : i32 to index
          %parallel_loop3A_286 = tpu.vector_load %arg9[%parallel_loop3A_284, %parallel_loop3A_285] {strides = array<i32>} : memref<16x768xf32, #tpu.memory_space<vmem>>, vector<1x16xf32>,
          %parallel_loop3A_287 = vector.shape_cast %parallel_loop3A_286 : vector<1x16xf32> to vector<16xf32>
          %parallel_loop3A_288 = vector.shape_cast %parallel_loop3A_282 : vector<16xf32> to vector<1x16xf32>
          tpu.vector_store %arg9[%parallel_loop3A_284, %parallel_loop3A_285], %parallel_loop3A_288 {add = true, strides = array<i32>} : memref<16x768xf32, #tpu.memory_space<vmem>>, vector<1x16xf32>,
          %parallel_loop3A_289 = arith.constant 30 : i32
          %parallel_loop3A_290 = arith.index_cast %parallel_loop3A_289 : i32 to index
          %parallel_loop3A_291 = arith.index_cast %parallel_loop3A_134 : i32 to index
          %parallel_loop3A_292 = tpu.vector_load %arg7[%parallel_loop3A_290, %parallel_loop3A_291] {strides = array<i32>} : memref<64x768xf32, #tpu.memory_space<vmem>>, vector<1x16xf32>,
          %parallel_loop3A_293 = vector.shape_cast %parallel_loop3A_292 : vector<1x16xf32> to vector<16xf32>
          %parallel_loop3A_294 = arith.constant 14 : i32
          %parallel_loop3A_295 = arith.index_cast %parallel_loop3A_294 : i32 to index
          %parallel_loop3A_296 = arith.index_cast %parallel_loop3A_134 : i32 to index
          %parallel_loop3A_297 = tpu.vector_load %arg9[%parallel_loop3A_295, %parallel_loop3A_296] {strides = array<i32>} : memref<16x768xf32, #tpu.memory_space<vmem>>, vector<1x16xf32>,
          %parallel_loop3A_298 = vector.shape_cast %parallel_loop3A_297 : vector<1x16xf32> to vector<16xf32>
          %parallel_loop3A_299 = vector.shape_cast %parallel_loop3A_293 : vector<16xf32> to vector<1x16xf32>
          tpu.vector_store %arg9[%parallel_loop3A_295, %parallel_loop3A_296], %parallel_loop3A_299 {add = true, strides = array<i32>} : memref<16x768xf32, #tpu.memory_space<vmem>>, vector<1x16xf32>,
          %parallel_loop3A_300 = arith.constant 31 : i32
          %parallel_loop3A_301 = arith.index_cast %parallel_loop3A_300 : i32 to index
          %parallel_loop3A_302 = arith.index_cast %parallel_loop3A_134 : i32 to index
          %parallel_loop3A_303 = tpu.vector_load %arg7[%parallel_loop3A_301, %parallel_loop3A_302] {strides = array<i32>} : memref<64x768xf32, #tpu.memory_space<vmem>>, vector<1x16xf32>,
          %parallel_loop3A_304 = vector.shape_cast %parallel_loop3A_303 : vector<1x16xf32> to vector<16xf32>
          %parallel_loop3A_305 = arith.constant 15 : i32
          %parallel_loop3A_306 = arith.index_cast %parallel_loop3A_305 : i32 to index
          %parallel_loop3A_307 = arith.index_cast %parallel_loop3A_134 : i32 to index
          %parallel_loop3A_308 = tpu.vector_load %arg9[%parallel_loop3A_306, %parallel_loop3A_307] {strides = array<i32>} : memref<16x768xf32, #tpu.memory_space<vmem>>, vector<1x16xf32>,
          %parallel_loop3A_309 = vector.shape_cast %parallel_loop3A_308 : vector<1x16xf32> to vector<16xf32>
          %parallel_loop3A_310 = vector.shape_cast %parallel_loop3A_304 : vector<16xf32> to vector<1x16xf32>
          tpu.vector_store %arg9[%parallel_loop3A_306, %parallel_loop3A_307], %parallel_loop3A_310 {add = true, strides = array<i32>} : memref<16x768xf32, #tpu.memory_space<vmem>>, vector<1x16xf32>,
        } {sc.loop_unroll_factor = 8 : i64, sc.parallel_access}
        "tpu.trace_stop"() : () -> ()
        %mul3A_126 = arith.constant 16 : i32
        %mul3A_127 = arith.muli %sub3A_95, %mul3A_126 : i32
        %add3A_128 = arith.addi %mul3A_2, %mul3A_127 : i32
        %dma_start3A = arith.constant 0 : i32
        %dma_start3A_129 = tpu.memref_slice %arg5[%add3A_128, %dma_start3A] : memref<262144x768xf32, #tpu.memory_space<hbm>> -> memref<16x768xf32, #tpu.memory_space<hbm>>
        %dma_start3A_130 = arith.constant 0 : i32
        %dma_start3A_131 = tpu.memref_slice %arg5[%add3A_128, %dma_start3A_130] : memref<262144x768xf32, #tpu.memory_space<hbm>> -> memref<16x768xf32, #tpu.memory_space<hbm>>
        tpu.enqueue_dma source(%arg9 : memref<16x768xf32, #tpu.memory_space<vmem>>) target(%dma_start3A_131 : memref<16x768xf32, #tpu.memory_space<hbm>>) target_semaphore(%arg13 : memref<!tpu.dma_semaphore, #tpu.memory_space<semaphore_mem>>)
      } else {
      }
    }
    %scan3A_7 = arith.constant 129 : i32
    return
  }
}

</mosaic_0001>

<sc_bundles>
// kernel: kernel.3.cloned.1.call-start
scs
__scs_entry_jumppad:
0x0: {  	(pc) =	sbr.rel $0x88, $3  }
0x1: {  	(tag) =	ssettag $0x0;
	lr =	simm.s32 $0x1  }
0x2: {  	[smem:$0x3F9F] =	sst lr;
	_ =	strace $0xD0000000  }
0x3: {  	_ = 	snop  }
0x4: {  	_ = 	snop  }
0x5: {  	_ = 	snop  }
0x6: {  	_ = 	snop  }
0x7: {  	_ = 	snop  }
__scs_overlays_trampoline_lowered:
0x8: {  	[smem:$0x3FAE] =	sst s0  }
0x9: {  	[smem:$0x3FAF] =	sst s1  }
0xa: {  	[smem:$0x3FB0] =	sst s2  }
0xb: {  	[smem:$0x3FB1] =	sst s3  }
0xc: {  	[smem:$0x3FB2] =	sst s4  }
0xd: {  	[smem:$0x3FB3] =	sst s5  }
0xe: {  	[smem:$0x3FB4] =	sst s6  }
0xf: {  	[smem:$0x3FB5] =	sst s7  }
0x10: {  	[smem:$0x3FB6] =	sst s8  }
0x11: {  	[smem:$0x3FB7] =	sst s9;
	s0 =	simm.s32 @!p0 $0x0  }
0x12: {  	s1 =	sld [smem:$0x3F9D];
	s0 =	simm.s32 @p0 $0x1  }
0x13: {  	[smem:$0x3FB8] =	sst s0;
	s0 =	simm.s32 @!p1 $0x0  }
0x14: {  	s2 =	sld [smem:$0x3F9C];
	s0 =	simm.s32 @p1 $0x1  }
0x15: {  	[smem:$0x3FB9] =	sst s0;
	s0 =	simm.s32 @!p2 $0x0  }
0x16: {  	s3 =	sld [smem:$0x3FDB];
	s0 =	simm.s32 @p2 $0x1  }
0x17: {  	s4 =	simm.s32 $0x1BF5;
	[smem:$0x3FBB] =	sst s0  }
0x18: {  	s0 =	sld [smem:$0x3F9E];
	_ =	swait.ge [sflag:s4], $0x0  }
0x19: {  	s7 =	sld [smem:$0x3F9F]  }
0x1a: {  	s8 =	sadd.s32 $0xFFFFE003, lr  }
0x1b: {  	s9 =	sadd.s32 $0xFFFFFEF7, lr;
	s5 =	simm.s32 $0xFFFFFFFF;
	p2 =	slt.u32 s8, $0xFFFFF086  }
0x1c: {  	p1 =	slt.u32 s9, $0xF7A;
	s5 =	simm.s32 @!p2 $0x0  }
0x1d: {  	s5 =	simm.s32 @p1 $0x1;
	p0 =	seq.s32 s7, s2  }
0x1e: {  	s7 =	smul.u32 @!p0 $0xF7A, s2;
	p2 =	seq.s32 @!p0 s5, $0x0  }
0x1f: {  	s9 =	smul.u32 $0xF7A, s1;
	s8 =	simm.s32 @!p0 $0x1BF5;
	p2 =	por !p2, p0  }
0x20: {  	[sflag:s8] =	ssyncset.s32 @!p0 $0xFFFFF086;
	s6 =	sadd.s32 @!p0 s3, s7;
	s7 =	simm.s32 @!p0 $0x108  }
0x21: {  	s3 =	sadd.s32 s3, s9;
	s6 =	sadd.s32 @!p0 $0x88, s6;
	s7 =	simm.s32 @p2 $0x1082  }
0x22: {  	[simem:s7], [sflag:s8] =	dma.local @!p0 [hbm:s6], $0xF7A  }
0x23: {  	s9 =	sor.u32 $0xD0000000, s2;
	s6 =	simm.s32 $0x108;
	_ =	swait.ge @!p0 [sflag:s8], $0x0  }
0x24: {  	s3 =	sadd.s32 $0x88, s3;
	s6 =	simm.s32 @!p1 $0x1082;
	[sflag:s4] =	ssyncset.s32 $0xFFFFF086  }
0x25: {  	[simem:s6], [sflag:s4] =	dma.local [hbm:s3], $0xF7A  }
0x26: {  	[smem:$0x3F9F] =	sst s1;
	(tag) =	ssettag s2;
	_ =	strace s9  }
0x27: {  	s1 =	sld [smem:$0x3FAF]  }
0x28: {  	s2 =	sld [smem:$0x3FB0]  }
0x29: {  	s4 =	sld [smem:$0x3FB2]  }
0x2a: {  	p0 =	seq.s32 s5, $0x0;
	s5 =	sld [smem:$0x3FB3]  }
0x2b: {  	s6 =	sld [smem:$0x3FB4]  }
0x2c: {  	s7 =	sld [smem:$0x3FB5]  }
0x2d: {  	s3 =	simm.s32 $0x108;
	s8 =	sld [smem:$0x3FB6]  }
0x2e: {  	s3 =	simm.s32 @!p0 $0x1082;
	s9 =	sld [smem:$0x3FB7]  }
0x2f: {  	lr =	sadd.s32 s0, s3;
	s0 =	sld [smem:$0x3FAE]  }
0x30: {  	s3 =	sld [smem:$0x3FB1]  }
0x31: {  	[smem:$0x3FBA] =	sst s10  }
0x32: {  	s10 =	sld [smem:$0x3FB8];
	_ =	sdelay $0x3  }
0x33: {  	p0 =	seq.s32 s10, $0x1;
	s10 =	sld [smem:$0x3FBA];
	_ =	sdelay $0x3  }
0x34: {  	[smem:$0x3FBA] =	sst s10  }
0x35: {  	s10 =	sld [smem:$0x3FB9];
	_ =	sdelay $0x3  }
0x36: {  	p1 =	seq.s32 s10, $0x1;
	s10 =	sld [smem:$0x3FBA];
	_ =	sdelay $0x3  }
0x37: {  	[smem:$0x3FBA] =	sst s10  }
0x38: {  	s10 =	sld [smem:$0x3FBB]  }
0x39: {  	_ = 	snop;
	(pc) =	sbr.ind lr, $3  }
0x3a: {  	_ = 	snop  }
0x3b: {  	_ = 	snop  }
0x3c: {  	p2 =	seq.s32 s10, $0x1;
	s10 =	sld [smem:$0x3FBA]  }
0x3d: {  	_ =	shalt  }
0x3e: {  	_ =	shalt  }
0x3f: {  	_ =	shalt  }
0x40: {  	_ =	shalt  }
0x41: {  	_ =	shalt  }
0x42: {  	_ =	shalt  }
0x43: {  	_ =	shalt  }
0x44: {  	_ =	shalt  }
0x45: {  	_ =	shalt  }
0x46: {  	_ =	shalt  }
0x47: {  	_ =	shalt  }
0x48: {  	_ =	shalt  }
0x49: {  	_ =	shalt  }
0x4a: {  	_ =	shalt  }
0x4b: {  	_ =	shalt  }
0x4c: {  	_ =	shalt  }
0x4d: {  	_ =	shalt  }
0x4e: {  	_ =	shalt  }
0x4f: {  	_ =	shalt  }
0x50: {  	_ =	shalt  }
0x51: {  	_ =	shalt  }
0x52: {  	_ =	shalt  }
0x53: {  	_ =	shalt  }
0x54: {  	_ =	shalt  }
0x55: {  	_ =	shalt  }
0x56: {  	_ =	shalt  }
0x57: {  	_ =	shalt  }
0x58: {  	_ =	shalt  }
0x59: {  	_ =	shalt  }
0x5a: {  	_ =	shalt  }
0x5b: {  	_ =	shalt  }
0x5c: {  	_ =	shalt  }
0x5d: {  	_ =	shalt  }
0x5e: {  	_ =	shalt  }
0x5f: {  	_ =	shalt  }
0x60: {  	_ =	shalt  }
0x61: {  	_ =	shalt  }
0x62: {  	_ =	shalt  }
0x63: {  	_ =	shalt  }
0x64: {  	_ =	shalt  }
0x65: {  	_ =	shalt  }
0x66: {  	_ =	shalt  }
0x67: {  	_ =	shalt  }
0x68: {  	_ =	shalt  }
0x69: {  	_ =	shalt  }
0x6a: {  	_ =	shalt  }
0x6b: {  	_ =	shalt  }
0x6c: {  	_ =	shalt  }
0x6d: {  	_ =	shalt  }
0x6e: {  	_ =	shalt  }
0x6f: {  	_ =	shalt  }
0x70: {  	_ =	shalt  }
0x71: {  	_ =	shalt  }
0x72: {  	_ =	shalt  }
0x73: {  	_ =	shalt  }
0x74: {  	_ =	shalt  }
0x75: {  	_ =	shalt  }
0x76: {  	_ =	shalt  }
0x77: {  	_ =	shalt  }
0x78: {  	_ =	shalt  }
0x79: {  	_ =	shalt  }
0x7a: {  	_ =	shalt  }
0x7b: {  	_ =	shalt  }
0x7c: {  	_ =	shalt  }
0x7d: {  	_ =	shalt  }
0x7e: {  	_ =	shalt  }
0x7f: {  	_ =	shalt  }
0x80: {  	_ =	shalt  }
0x81: {  	_ =	shalt  }
0x82: {  	_ =	shalt  }
0x83: {  	_ =	shalt  }
0x84: {  	_ =	shalt  }
0x85: {  	_ =	shalt  }
0x86: {  	_ =	shalt  }
0x87: {  	_ =	shalt  }
.Lfunc_end0:
.L_simem_size_0:
called_computation_lowered:
.L_overlay_start_0:
0x88: {  	s2 =	sld [smem:$0x3FD9]  }
0x89: {  	s3 =	sld [smem:$0x3FFE];
	_ =	sdelay $0x1  }
0x8a: {  	s1 =	srdreg.scid  }
0x8b: {  	s0 =	sand.u32 $0x1, s1  }
0x8c: {  	s17 =	sshll.u32 s0, $0xA;
	s2 =	sadd.s32 s3, s2  }
0x8d: {  	s2 =	sadd.s32 s2, s17  }
0x8e: {  	[smem:$0x3FC6] =	sst s2  }
0x8f: {  	_ = 	snop  }
0x90: {  	s2 =	sld [smem:$0x3FC8]  }
0x91: {  	s18 =	sld [smem:$0x3FD0];
	(tm) =	ssettm $0x1  }
0x92: {  	s4 =	sld [smem:$0x3FFB];
	_ =	sdelay $0x3  }
0x93: {  	_ =	strace s4  }
0x94: {  	s4 =	sld [smem:$0x3FFC];
	_ =	sdelay $0x3  }
0x95: {  	_ =	strace s4  }
0x96: {  	s4 =	sld [smem:$0x3FFD];
	_ =	sdelay $0x3  }
0x97: {  	_ =	strace s4  }
0x98: {  	_ =	strace $0x8FFFFFFF  }
0x99: {  	s19 =	sld [smem:$0x3FDB];
	_ =	sdelay $0x1  }
0x9a: {  	s5 =	simm.s32 $_scs_section_size  }
0x9b: {  	s6 =	simm.s32 $_size__tile_overlayer_lowered;
	s7 =	simm.s32 $_tile_overlayer_lowered  }
0x9c: {  	s22 =	simm.s32 $0x1BFF;
	s21 =	sshll.u32 s7, $0x1;
	s4 =	sadd.s32 s5, s19  }
0x9d: {  	s8 =	simm.s32 $0x0;
	s20 =	sshll.u32 s6, $0x1;
	s6 =	sadd.s32 s21, s4  }
0x9e: {  	[timem:s8], [sflag:s22] =	dma.local [hbm:s6], s20  }
0x9f: {  	_ =	swait.ge [sflag:s22], s20  }
0xa0: {  	s5 =	ssub.s32 $0x0, s20;
	[sflag:s22] =	ssyncset.done $0x0  }
0xa1: {  	[sflag:s22] =	ssyncadd.s32 s5;
	_ =	sdelay $0x1  }
0xa2: {  	s23 =	simm.s32 $0x1B8B  }
0xa3: {  	_ =	swait.ge [sflag:s23], $0x1  }
0xa4: {  	[sflag:s23] =	ssyncset.done $0x0  }
0xa5: {  	s25 =	simm.s32 $0x1B8E;
	s24 =	sld [smem:$0x3FFE];
	[sflag:s23] =	ssyncadd.s32 $0xFFFFFFFF  }
0xa6: {  	s26 =	simm.s32 $execute0_lowered;
	[smem:$0x3FD2] =	sst s25  }
0xa7: {  	s6 =	sshll.u32 s26, $0x1;
	_ =	strace $0x80000046;
	[dreg:$0x1] =	wrdreg $0xFFFFFFFF  }
0xa8: {  	s28 =	simm.s32 $_size_execute0_lowered;
	s4 =	sadd.s32 s4, s6;
	[dreg:$0x0] =	wrdreg $0x0  }
0xa9: {  	s6 =	sshll.u32 s28, $0x1;
	[dreg:$0x2] =	wrdreg s4  }
0xaa: {  	[dreg:$0x3] =	wrdreg s6  }
0xab: {  	[dreg:$0x4] =	wrdreg $0xC0  }
0xac: {  	_ =	task [dreg:s8], $0x5FFFF  }
0xad: {  	[dreg:$0x1] =	wrdreg $0xFFFFFFFF  }
0xae: {  	[dreg:$0x0] =	wrdreg $0x60  }
0xaf: {  	[dreg:$0x2] =	wrdreg s24  }
0xb0: {  	[dreg:$0x3] =	wrdreg s2  }
0xb1: {  	[dreg:$0x4] =	wrdreg s18  }
0xb2: {  	[dreg:$0x5] =	wrdreg $0x9  }
0xb3: {  	_ =	task.clear_ibuf [dreg:s8], $0x6FFFF;
	_ =	strace $0x90000046  }
0xb4: {  	s29 =	simm.s32 $0x9;
	_ =	strace $0x80000054  }
0xb5: {  	_ =	swait.ge [sflag:s29], $0x1  }
0xb6: {  	[sflag:s29] =	ssyncadd.s32 $0xFFFFFFFF  }
0xb7: {  	_ =	strace $0x90000054  }
0xb8: {  	_ =	sfence  }
0xb9: {  	s30 =	sld [smem:$0x0];
	_ =	sdelay $0x2  }
0xba: {  	s31 =	sshll.u32 s1, $0xD;
	s1 =	sshrl.u32 s1, $0x2  }
0xbb: {  	s3 =	sand.u32 $0x4000, s31;
	s1 =	sadd.s32 s1, s30  }
0xbc: {  	s0 =	sor.u32 s3, s0;
	s1 =	sshll.u32 s1, $0x11  }
0xbd: {  	s0 =	sor.u32 s1, s0  }
0xbe: {  	s0 =	sadd.s32 $0x8F2B, s0  }
0xbf: {  	[sflag:s0] =	ssyncadd.remote.s32 $0x1  }
0xc0: {  	_ =	sfence.sel $0xFFFF  }
0xc1: {  	[dreg:$0x0] =	wrdreg $0xFFFFFFFF;
	(pc) =	sbr.abs _section_cstart, $3  }
0xc2: {  	[dreg:$0x1] =	wrdreg $0xFFFFFFFF  }
0xc3: {  	_ =	task.clear_ibuf [dreg:s8], $0x2FFFF;
	_ =	strace $0x9FFFFFFF  }
0xc4: {  	(tm) =	ssettm $0x7FFFFFFF  }
0xc5: {  	_ =	shalt  }
tec
execute0_lowered:
.L_overlay_start_1:
0x0: {  	(tag) =	ssettag $0x1  }
0x1: {  	s0 =	rddreg [dreg:$0x0]  }
0x2: {  	s1 =	srdreg.scid;
	s2 =	rddreg [dreg:$0x1]  }
0x3: {  	s4 =	stileid.u32;
	s3 =	rddreg [dreg:$0x2];
	s13 =	simm.s32 $0x3  }
0x4: {  	s14 =	simm.s32 $0x14000;
	s15 =	simm.s32 $0x4;
	s16 =	simm.s32 $0x17000  }
0x5: {  	s17 =	simm.s32 $0x17800;
	s18 =	simm.s32 $0x18000;
	s19 =	simm.s32 $0x18800  }
0x6: {  	s20 =	simm.s32 $0x19000;
	s21 =	simm.s32 $0x19800;
	s22 =	simm.s32 $0x2  }
0x7: {  	s23 =	simm.s32 $0x11000;
	s24 =	simm.s32 $0x14800;
	s28 =	simm.s32 $0x16000  }
0x8: {  	s29 =	simm.s32 $0x16800;
	s30 =	simm.s32 $0x1;
	s31 =	simm.s32 $0xE000  }
0x9: {  	s1 =	sand.u32 $0x1, s1;
	s5 =	sshll.u32 s4, $0xE;
	s4 =	simm.s32 $0x0  }
0xa: {  	s8 =	sadd.s32 $0x100, s2;
	s9 =	sadd.s32 $0x200, s2;
	s6 =	sshll.u32 s1, $0xD  }
0xb: {  	[smem:$0x7FF] =	sst s4;
	s1 =	ssub.s32 $0x2, s1;
	s5 =	sor.u32 s6, s5  }
.Ltmp0:
0xc: {  	v0 =	vlaneseq.u32;
	_ =	strace $0x80000047;
	s6 =	sshrl.u32 s5, $0x3;
	(pc) =	sbr.rel .LBB2_1-.Ltmp0, $4  }
0xd: {  	v1 =	vand.u32 $0x7, v0;
	v63 =	vshrl.u32 v0, $0x3;
	s7 =	sshrl.u32 s1, $0x1;
	s6 =	sadd.s32 s6, s0;
	s0 =	sadd.s32 $0x8400, s0  }
0xe: {  	v0 =	vor.u32 $0x8, v0;
	[tilespmem:$0x1FFD0] =	vst v1;
	v1 =	vmul.u32 $0x8, v63;
	s25 =	ssub.s32 s1, s7;
	[dreg:$0x4] =	wrdreg s0;
	s26 =	sadd.s32 $0x400, s6  }
0xf: {  	[tilespmem:$0x1FFF0] =	vst v0;
	s1 =	simm.s32 $0x0;
	s0 =	smax.u32 s25, $0x1;
	[dreg:$0x5] =	wrdreg s26  }
0x10: {  	vm0 =	vmmov $0xffff;
	[tilespmem:$0x1FFE0] =	vst v1;
	s25 =	simm.s32 $0x15000;
	[dreg:$0x6] =	wrdreg s0;
	s26 =	simm.s32 $0x15800  }
.LBB2_18:
0x11: {  	s1 =	sadd.s32 $0x1, s1;
	s0 =	rddreg [dreg:$0x6]  }
0x12: {  	p0 =	sne.s32 s1, s0  }
.Ltmp1:
0x13: {  	_ = 	snop;
	(pc) =	sbr.rel @!p0 .LBB2_19-.Ltmp1, $1  }
0x14: {  	_ =	sdelay $0x3  }
.LBB2_1:
0x15: {  	s0 =	rddreg [dreg:$0x5];
	s6 =	simm.s32 $0x5  }
0x16: {  	[tilespmem:s4], [sflag:$0x5] =	stream.linear.gather [hbm4b:s0+s4], $0x2000, $0x38;
	[tilespmem:$0x1A000] =	vst v63  }
0x17: {  	_ =	swait.ge [sflag:s6], $0x2000  }
0x18: {  	[sflag:s6] =	ssyncset.done $0x0  }
0x19: {  	s7 =	simm.s32 $0x2000;
	s12 =	rddreg [dreg:$0x4];
	[sflag:s6] =	ssyncadd.s32 $0xFFFFE000  }
0x1a: {  	[tilespmem:s7], [sflag:$0x5] =	stream.linear.gather [hbm4b:s12+s4], $0xC000, $0x38;
	[tilespmem:$0x1A000] =	vst v63  }
0x1b: {  	_ =	swait.ge [sflag:s6], $0xC000  }
0x1c: {  	[sflag:s6] =	ssyncset.done $0x0  }
0x1d: {  	s0 =	simm.s32 $0x0;
	[sflag:s6] =	ssyncadd.s32 $0xFFFF4000  }
.LBB2_2:
0x1e: {  	s6 =	sshll.u32 s0, $0x2  }
0x1f: {  	s7 =	sadd.s32 $0xFFFFFFFC, s6  }
0x20: {  	p0 =	sgt.u32 s7, $0x1FF  }
0x21: {  	_ =	strace @!p0 $0x80000048;
	s7 =	simm.s32 @!p0 $0x1  }
0x22: {  	_ =	swait.ge @!p0 [sflag:s7], $0x3000  }
0x23: {  	p1 =	seq.s32 s0, $0x80;
	[sflag:s7] =	ssyncset.done @!p0 $0x0  }
0x24: {  	[sflag:s7] =	ssyncadd.s32 @!p0 $0xFFFFD000;
	s7 =	sshll.u32 @!p1 s0, $0x6  }
0x25: {  	_ =	strace @!p0 $0x90000048;
	s7 =	sand.u32 @!p1 $0x3FFFFFC0, s7  }
0x26: {  	v0 =	vld @!p1 [tilespmem:s7+$0x0];
	_ =	sdelay $0x4  }
0x27: {  	v1 =	vshrl.u32 @!p1 v0, $0x3  }
0x28: {  	v1 =	vmul.u32 @!p1 $0x30, v1  }
0x29: {  	v2 =	vlaneseq.u32 @!p1;
	v0 =	vand.u32 @!p1 $0x7, v0  }
0x2a: {  	v5 =	vand.u32 @!p1 $0x7, v2;
	v0 =	vor.u32 @!p1 v0, v1;
	v1 =	vshrl.u32 @!p1 v2, $0x3  }
0x2b: {  	v3 =	vperm.xlane @!p1 v0, v5;
	v4 =	vmul.u32 @!p1 $0x8, v1;
	_ =	sdelay $0x1  }
0x2c: {  	v1 =	vadd.s32 @!p1 v4, v3;
	_ =	sdelay $0x2  }
0x2d: {  	v2 =	vor.u32 @!p1 $0x8, v2  }
0x2e: {  	vm1 =	vmmov @!p1 $0xffff;
	s10 =	simm.s32 @!p1 $0xE000;
	s7 =	simm.s32 @!p1 $0x0;
	v0 =	vperm.xlane @!p1 v0, v2  }
0x2f: {  	[tilespmem:s10], [sflag:$0x1] =	stream.indirect_vreg.gather @!p1 [hbm4b:s2+s7], $0x80, v1, vm1, $0xb8;
	[tilespmem:$0x1A000] =	vst v63  }
0x30: {  	v0 =	vadd.s32 @!p1 v4, v0;
	s10 =	simm.s32 @!p1 $0xE800  }
0x31: {  	[tilespmem:s10], [sflag:$0x1] =	stream.indirect_vreg.gather @!p1 [hbm4b:s8+s7], $0x80, v1, vm1, $0xb8;
	[tilespmem:$0x1A000] =	vst v63  }
0x32: {  	s12 =	sadd.s32 $0xFFFFFFFE, s6;
	s10 =	simm.s32 @!p1 $0xF000  }
0x33: {  	[tilespmem:s10], [sflag:$0x1] =	stream.indirect_vreg.gather @!p1 [hbm4b:s9+s7], $0x80, v1, vm1, $0xb8;
	[tilespmem:$0x1A000] =	vst v63  }
0x34: {  	p2 =	sgt.u32 s12, $0x1FF;
	s10 =	simm.s32 @!p1 $0xF800  }
0x35: {  	[tilespmem:s10], [sflag:$0x1] =	stream.indirect_vreg.gather @!p1 [hbm4b:s2+s7], $0x80, v0, vm1, $0xb8;
	[tilespmem:$0x1A000] =	vst v63  }
.Ltmp2:
0x36: {  	_ = 	snop;
	(pc) =	sbr.rel @p2 .LBB2_6-.Ltmp2, $4  }
0x37: {  	s10 =	simm.s32 @!p1 $0x10000  }
0x38: {  	[tilespmem:s10], [sflag:$0x1] =	stream.indirect_vreg.gather @!p1 [hbm4b:s8+s7], $0x80, v0, vm1, $0xb8;
	[tilespmem:$0x1A000] =	vst v63  }
0x39: {  	s10 =	simm.s32 @!p1 $0x10800  }
0x3a: {  	[tilespmem:s10], [sflag:$0x1] =	stream.indirect_vreg.gather @!p1 [hbm4b:s9+s7], $0x80, v0, vm1, $0xb8;
	[tilespmem:$0x1A000] =	vst v63  }
0x3b: {  	[tilespmem:$0x1FFA0] =	vst v2  }
0x3c: {  	[tilespmem:$0x1FFB0] =	vst v5  }
0x3d: {  	[tilespmem:$0x1FFC0] =	vst v4  }
0x3e: {  	_ =	strace $0x80000049  }
0x3f: {  	_ =	swait.ge [sflag:s13], $0x3000  }
0x40: {  	[sflag:s13] =	ssyncset.done $0x0  }
0x41: {  	[sflag:s13] =	ssyncadd.s32 $0xFFFFD000  }
0x42: {  	_ =	strace $0x90000049  }
0x43: {  	s10 =	simm.s32 $0x0;
	_ =	strace $0x8000004A  }
0x44: {  	v0 =	vld [tilespmem:s10+$0x9BF0]  }
0x45: {  	v1 =	vld [tilespmem:s10+$0x8000]  }
0x46: {  	v32 =	vld [tilespmem:s10+$0x8080]  }
0x47: {  	v3 =	vld [tilespmem:s10+$0x8100]  }
0x48: {  	v4 =	vld [tilespmem:s10+$0x8180]  }
0x49: {  	v33 =	vld [tilespmem:s10+$0x8200]  }
0x4a: {  	v5 =	vld [tilespmem:s10+$0x8280]  }
0x4b: {  	v6 =	vld [tilespmem:s10+$0x8300]  }
0x4c: {  	v7 =	vld [tilespmem:s10+$0x8380]  }
0x4d: {  	v8 =	vld [tilespmem:s10+$0x9800]  }
0x4e: {  	v9 =	vld [tilespmem:s10+$0x9880]  }
0x4f: {  	v10 =	vld [tilespmem:s10+$0x9900]  }
0x50: {  	v11 =	vld [tilespmem:s10+$0x9980]  }
0x51: {  	v12 =	vld [tilespmem:s10+$0x9A00]  }
0x52: {  	v13 =	vld [tilespmem:s10+$0x9A80]  }
0x53: {  	v14 =	vld [tilespmem:s10+$0x9B00]  }
0x54: {  	v15 =	vld [tilespmem:s10+$0x9B80]  }
0x55: {  	v34 =	vld [tilespmem:s10+$0x8010]  }
0x56: {  	v35 =	vld [tilespmem:s10+$0x8090]  }
0x57: {  	v36 =	vld [tilespmem:s10+$0x8110]  }
0x58: {  	v37 =	vld [tilespmem:s10+$0x8210]  }
0x59: {  	v38 =	vld [tilespmem:s10+$0x9890]  }
0x5a: {  	v39 =	vld [tilespmem:s10+$0x9910]  }
0x5b: {  	v40 =	vld [tilespmem:s10+$0x9990]  }
0x5c: {  	v41 =	vld [tilespmem:s10+$0x9A10]  }
0x5d: {  	v42 =	vld [tilespmem:s10+$0x9A90]  }
0x5e: {  	v43 =	vld [tilespmem:s10+$0x9B10]  }
0x5f: {  	v44 =	vld [tilespmem:s10+$0x9B90]  }
0x60: {  	v45 =	vld [tilespmem:s10+$0x8020]  }
0x61: {  	v46 =	vld [tilespmem:s10+$0x80A0]  }
0x62: {  	v47 =	vld [tilespmem:s10+$0x8120]  }
0x63: {  	v48 =	vld [tilespmem:s10+$0x8220]  }
0x64: {  	v49 =	vld [tilespmem:s10+$0x98A0]  }
0x65: {  	v50 =	vld [tilespmem:s10+$0x9920]  }
0x66: {  	v51 =	vld [tilespmem:s10+$0x99A0]  }
0x67: {  	v52 =	vld [tilespmem:s10+$0x9A20]  }
0x68: {  	v53 =	vld [tilespmem:s10+$0x9AA0]  }
0x69: {  	v54 =	vld [tilespmem:s10+$0x9B20]  }
0x6a: {  	v55 =	vld [tilespmem:s10+$0x9BA0]  }
0x6b: {  	v56 =	vld [tilespmem:s10+$0x8030]  }
0x6c: {  	v57 =	vld [tilespmem:s10+$0x80B0]  }
0x6d: {  	v58 =	vld [tilespmem:s10+$0x8130]  }
0x6e: {  	v59 =	vld [tilespmem:s10+$0x8230]  }
0x6f: {  	v60 =	vld [tilespmem:s10+$0x98B0]  }
0x70: {  	v61 =	vld [tilespmem:s10+$0x9930]  }
0x71: {  	v62 =	vld [tilespmem:s10+$0x99B0]  }
0x72: {  	v63 =	vld [tilespmem:s10+$0x9A30]  }
0x73: {  	v18 =	vld [tilespmem:s10+$0x9AB0]  }
0x74: {  	v19 =	vld [tilespmem:s10+$0x9B30]  }
0x75: {  	v20 =	vld [tilespmem:s10+$0x9BB0]  }
0x76: {  	v21 =	vld [tilespmem:s10+$0x8040]  }
0x77: {  	v22 =	vld [tilespmem:s10+$0x80C0]  }
0x78: {  	v23 =	vld [tilespmem:s10+$0x8140]  }
0x79: {  	v24 =	vld [tilespmem:s10+$0x8240]  }
0x7a: {  	v25 =	vld [tilespmem:s10+$0x98C0]  }
0x7b: {  	v26 =	vld [tilespmem:s10+$0x9940]  }
0x7c: {  	v27 =	vld [tilespmem:s10+$0x99C0]  }
0x7d: {  	v28 =	vld [tilespmem:s10+$0x9A40]  }
0x7e: {  	v29 =	vld [tilespmem:s10+$0x9AC0]  }
0x7f: {  	v30 =	vld [tilespmem:s10+$0x9B40]  }
0x80: {  	v31 =	vld [tilespmem:s10+$0x9BC0]  }
0x81: {  	[tilespmem:s10+$0x15BF0] =	vst.add.f32.msk $0xffff, v0  }
0x82: {  	[tilespmem:s10+$0x14000] =	vst.add.f32.msk $0xffff, v1  }
0x83: {  	[tilespmem:s10+$0x14080] =	vst.add.f32.msk $0xffff, v32  }
0x84: {  	[tilespmem:s10+$0x14100] =	vst.add.f32.msk $0xffff, v3  }
0x85: {  	[tilespmem:s10+$0x14180] =	vst.add.f32.msk $0xffff, v4  }
0x86: {  	v4 =	vld [tilespmem:s10+$0x8190]  }
0x87: {  	[tilespmem:s10+$0x14200] =	vst.add.f32.msk $0xffff, v33  }
0x88: {  	[tilespmem:s10+$0x14280] =	vst.add.f32.msk $0xffff, v5  }
0x89: {  	v5 =	vld [tilespmem:s10+$0x8290]  }
0x8a: {  	[tilespmem:s10+$0x14300] =	vst.add.f32.msk $0xffff, v6  }
0x8b: {  	v6 =	vld [tilespmem:s10+$0x8310]  }
0x8c: {  	[tilespmem:s10+$0x14380] =	vst.add.f32.msk $0xffff, v7  }
0x8d: {  	v7 =	vld [tilespmem:s10+$0x8390]  }
0x8e: {  	[tilespmem:s10+$0x15800] =	vst.add.f32.msk $0xffff, v8  }
0x8f: {  	v8 =	vld [tilespmem:s10+$0x9810]  }
0x90: {  	[tilespmem:s10+$0x15880] =	vst.add.f32.msk $0xffff, v9  }
0x91: {  	[tilespmem:s10+$0x15900] =	vst.add.f32.msk $0xffff, v10  }
0x92: {  	[tilespmem:s10+$0x15980] =	vst.add.f32.msk $0xffff, v11  }
0x93: {  	[tilespmem:s10+$0x15A00] =	vst.add.f32.msk $0xffff, v12  }
0x94: {  	[tilespmem:s10+$0x15A80] =	vst.add.f32.msk $0xffff, v13  }
0x95: {  	[tilespmem:s10+$0x15B00] =	vst.add.f32.msk $0xffff, v14  }
0x96: {  	[tilespmem:s10+$0x15B80] =	vst.add.f32.msk $0xffff, v15  }
0x97: {  	[tilespmem:s10+$0x14010] =	vst.add.f32.msk $0xffff, v34  }
0x98: {  	[tilespmem:s10+$0x14090] =	vst.add.f32.msk $0xffff, v35  }
0x99: {  	[tilespmem:s10+$0x14110] =	vst.add.f32.msk $0xffff, v36  }
0x9a: {  	[tilespmem:s10+$0x14210] =	vst.add.f32.msk $0xffff, v37  }
0x9b: {  	[tilespmem:s10+$0x15890] =	vst.add.f32.msk $0xffff, v38  }
0x9c: {  	[tilespmem:s10+$0x15910] =	vst.add.f32.msk $0xffff, v39  }
0x9d: {  	[tilespmem:s10+$0x15990] =	vst.add.f32.msk $0xffff, v40  }
0x9e: {  	[tilespmem:s10+$0x15A10] =	vst.add.f32.msk $0xffff, v41  }
0x9f: {  	[tilespmem:s10+$0x15A90] =	vst.add.f32.msk $0xffff, v42  }
0xa0: {  	[tilespmem:s10+$0x15B10] =	vst.add.f32.msk $0xffff, v43  }
0xa1: {  	[tilespmem:s10+$0x15B90] =	vst.add.f32.msk $0xffff, v44  }
0xa2: {  	[tilespmem:s10+$0x14020] =	vst.add.f32.msk $0xffff, v45  }
0xa3: {  	[tilespmem:s10+$0x140A0] =	vst.add.f32.msk $0xffff, v46  }
0xa4: {  	[tilespmem:s10+$0x14120] =	vst.add.f32.msk $0xffff, v47  }
0xa5: {  	[tilespmem:s10+$0x14220] =	vst.add.f32.msk $0xffff, v48  }
0xa6: {  	[tilespmem:s10+$0x158A0] =	vst.add.f32.msk $0xffff, v49  }
0xa7: {  	[tilespmem:s10+$0x15920] =	vst.add.f32.msk $0xffff, v50  }
0xa8: {  	[tilespmem:s10+$0x159A0] =	vst.add.f32.msk $0xffff, v51  }
0xa9: {  	[tilespmem:s10+$0x15A20] =	vst.add.f32.msk $0xffff, v52  }
0xaa: {  	[tilespmem:s10+$0x15AA0] =	vst.add.f32.msk $0xffff, v53  }
0xab: {  	[tilespmem:s10+$0x15B20] =	vst.add.f32.msk $0xffff, v54  }
0xac: {  	[tilespmem:s10+$0x15BA0] =	vst.add.f32.msk $0xffff, v55  }
0xad: {  	[tilespmem:s10+$0x14030] =	vst.add.f32.msk $0xffff, v56  }
0xae: {  	[tilespmem:s10+$0x140B0] =	vst.add.f32.msk $0xffff, v57  }
0xaf: {  	[tilespmem:s10+$0x14130] =	vst.add.f32.msk $0xffff, v58  }
0xb0: {  	[tilespmem:s10+$0x14230] =	vst.add.f32.msk $0xffff, v59  }
0xb1: {  	[tilespmem:s10+$0x158B0] =	vst.add.f32.msk $0xffff, v60  }
0xb2: {  	[tilespmem:s10+$0x15930] =	vst.add.f32.msk $0xffff, v61  }
0xb3: {  	[tilespmem:s10+$0x159B0] =	vst.add.f32.msk $0xffff, v62  }
0xb4: {  	[tilespmem:s10+$0x15A30] =	vst.add.f32.msk $0xffff, v63  }
0xb5: {  	[tilespmem:s10+$0x15AB0] =	vst.add.f32.msk $0xffff, v18  }
0xb6: {  	[tilespmem:s10+$0x15B30] =	vst.add.f32.msk $0xffff, v19  }
0xb7: {  	[tilespmem:s10+$0x15BB0] =	vst.add.f32.msk $0xffff, v20  }
0xb8: {  	[tilespmem:s10+$0x14040] =	vst.add.f32.msk $0xffff, v21  }
0xb9: {  	v32 =	vld [tilespmem:s10+$0x8050]  }
0xba: {  	[tilespmem:s10+$0x140C0] =	vst.add.f32.msk $0xffff, v22  }
0xbb: {  	v33 =	vld [tilespmem:s10+$0x80D0]  }
0xbc: {  	[tilespmem:s10+$0x14140] =	vst.add.f32.msk $0xffff, v23  }
0xbd: {  	v34 =	vld [tilespmem:s10+$0x8150]  }
0xbe: {  	[tilespmem:s10+$0x14240] =	vst.add.f32.msk $0xffff, v24  }
0xbf: {  	v35 =	vld [tilespmem:s10+$0x8250]  }
0xc0: {  	[tilespmem:s10+$0x158C0] =	vst.add.f32.msk $0xffff, v25  }
0xc1: {  	v36 =	vld [tilespmem:s10+$0x98D0]  }
0xc2: {  	[tilespmem:s10+$0x15940] =	vst.add.f32.msk $0xffff, v26  }
0xc3: {  	v37 =	vld [tilespmem:s10+$0x9950]  }
0xc4: {  	[tilespmem:s10+$0x159C0] =	vst.add.f32.msk $0xffff, v27  }
0xc5: {  	v38 =	vld [tilespmem:s10+$0x99D0]  }
0xc6: {  	[tilespmem:s10+$0x15A40] =	vst.add.f32.msk $0xffff, v28  }
0xc7: {  	v39 =	vld [tilespmem:s10+$0x9A50]  }
0xc8: {  	[tilespmem:s10+$0x15AC0] =	vst.add.f32.msk $0xffff, v29  }
0xc9: {  	v40 =	vld [tilespmem:s10+$0x9AD0]  }
0xca: {  	[tilespmem:s10+$0x15B40] =	vst.add.f32.msk $0xffff, v30  }
0xcb: {  	v41 =	vld [tilespmem:s10+$0x9B50]  }
0xcc: {  	[tilespmem:s10+$0x15BC0] =	vst.add.f32.msk $0xffff, v31  }
0xcd: {  	v42 =	vld [tilespmem:s10+$0x9BD0]  }
0xce: {  	v43 =	vld [tilespmem:s10+$0x8060]  }
0xcf: {  	v44 =	vld [tilespmem:s10+$0x80E0]  }
0xd0: {  	v45 =	vld [tilespmem:s10+$0x8160]  }
0xd1: {  	v46 =	vld [tilespmem:s10+$0x8260]  }
0xd2: {  	v47 =	vld [tilespmem:s10+$0x98E0]  }
0xd3: {  	v48 =	vld [tilespmem:s10+$0x9960]  }
0xd4: {  	v49 =	vld [tilespmem:s10+$0x99E0]  }
0xd5: {  	v50 =	vld [tilespmem:s10+$0x9A60]  }
0xd6: {  	v51 =	vld [tilespmem:s10+$0x9AE0]  }
0xd7: {  	v52 =	vld [tilespmem:s10+$0x9B60]  }
0xd8: {  	v53 =	vld [tilespmem:s10+$0x9BE0]  }
0xd9: {  	v54 =	vld [tilespmem:s10+$0x8070]  }
0xda: {  	v55 =	vld [tilespmem:s10+$0x80F0]  }
0xdb: {  	v56 =	vld [tilespmem:s10+$0x8170]  }
0xdc: {  	v57 =	vld [tilespmem:s10+$0x81F0]  }
0xdd: {  	v58 =	vld [tilespmem:s10+$0x9870]  }
0xde: {  	v59 =	vld [tilespmem:s10+$0x98F0]  }
0xdf: {  	v60 =	vld [tilespmem:s10+$0x9970]  }
0xe0: {  	v61 =	vld [tilespmem:s10+$0x99F0]  }
0xe1: {  	v62 =	vld [tilespmem:s10+$0x9A70]  }
0xe2: {  	v63 =	vld [tilespmem:s10+$0x9AF0]  }
0xe3: {  	[tilespmem:s10+$0x14190] =	vst.add.f32.msk $0xffff, v4  }
0xe4: {  	v4 =	vld [tilespmem:s10+$0x81A0]  }
0xe5: {  	[tilespmem:s10+$0x14290] =	vst.add.f32.msk $0xffff, v5  }
0xe6: {  	v5 =	vld [tilespmem:s10+$0x82A0]  }
0xe7: {  	[tilespmem:s10+$0x14310] =	vst.add.f32.msk $0xffff, v6  }
0xe8: {  	v6 =	vld [tilespmem:s10+$0x8320]  }
0xe9: {  	[tilespmem:s10+$0x14390] =	vst.add.f32.msk $0xffff, v7  }
0xea: {  	v7 =	vld [tilespmem:s10+$0x83A0]  }
0xeb: {  	[tilespmem:s10+$0x15810] =	vst.add.f32.msk $0xffff, v8  }
0xec: {  	v8 =	vld [tilespmem:s10+$0x9820]  }
0xed: {  	[tilespmem:s10+$0x14050] =	vst.add.f32.msk $0xffff, v32  }
0xee: {  	[tilespmem:s10+$0x140D0] =	vst.add.f32.msk $0xffff, v33  }
0xef: {  	[tilespmem:s10+$0x14150] =	vst.add.f32.msk $0xffff, v34  }
0xf0: {  	[tilespmem:s10+$0x14250] =	vst.add.f32.msk $0xffff, v35  }
0xf1: {  	[tilespmem:s10+$0x158D0] =	vst.add.f32.msk $0xffff, v36  }
0xf2: {  	[tilespmem:s10+$0x15950] =	vst.add.f32.msk $0xffff, v37  }
0xf3: {  	[tilespmem:s10+$0x159D0] =	vst.add.f32.msk $0xffff, v38  }
0xf4: {  	[tilespmem:s10+$0x15A50] =	vst.add.f32.msk $0xffff, v39  }
0xf5: {  	[tilespmem:s10+$0x15AD0] =	vst.add.f32.msk $0xffff, v40  }
0xf6: {  	[tilespmem:s10+$0x15B50] =	vst.add.f32.msk $0xffff, v41  }
0xf7: {  	[tilespmem:s10+$0x15BD0] =	vst.add.f32.msk $0xffff, v42  }
0xf8: {  	[tilespmem:s10+$0x14060] =	vst.add.f32.msk $0xffff, v43  }
0xf9: {  	[tilespmem:s10+$0x140E0] =	vst.add.f32.msk $0xffff, v44  }
0xfa: {  	[tilespmem:s10+$0x14160] =	vst.add.f32.msk $0xffff, v45  }
0xfb: {  	[tilespmem:s10+$0x14260] =	vst.add.f32.msk $0xffff, v46  }
0xfc: {  	[tilespmem:s10+$0x158E0] =	vst.add.f32.msk $0xffff, v47  }
0xfd: {  	[tilespmem:s10+$0x15960] =	vst.add.f32.msk $0xffff, v48  }
0xfe: {  	[tilespmem:s10+$0x159E0] =	vst.add.f32.msk $0xffff, v49  }
0xff: {  	[tilespmem:s10+$0x15A60] =	vst.add.f32.msk $0xffff, v50  }
0x100: {  	[tilespmem:s10+$0x15AE0] =	vst.add.f32.msk $0xffff, v51  }
0x101: {  	[tilespmem:s10+$0x15B60] =	vst.add.f32.msk $0xffff, v52  }
0x102: {  	[tilespmem:s10+$0x15BE0] =	vst.add.f32.msk $0xffff, v53  }
0x103: {  	[tilespmem:s10+$0x14070] =	vst.add.f32.msk $0xffff, v54  }
0x104: {  	[tilespmem:s10+$0x140F0] =	vst.add.f32.msk $0xffff, v55  }
0x105: {  	[tilespmem:s10+$0x14170] =	vst.add.f32.msk $0xffff, v56  }
0x106: {  	[tilespmem:s10+$0x141F0] =	vst.add.f32.msk $0xffff, v57  }
0x107: {  	[tilespmem:s10+$0x15870] =	vst.add.f32.msk $0xffff, v58  }
0x108: {  	[tilespmem:s10+$0x158F0] =	vst.add.f32.msk $0xffff, v59  }
0x109: {  	[tilespmem:s10+$0x15970] =	vst.add.f32.msk $0xffff, v60  }
0x10a: {  	[tilespmem:s10+$0x159F0] =	vst.add.f32.msk $0xffff, v61  }
0x10b: {  	[tilespmem:s10+$0x15A70] =	vst.add.f32.msk $0xffff, v62  }
0x10c: {  	[tilespmem:s10+$0x15AF0] =	vst.add.f32.msk $0xffff, v63  }
0x10d: {  	[tilespmem:s10+$0x141A0] =	vst.add.f32.msk $0xffff, v4  }
0x10e: {  	v4 =	vld [tilespmem:s10+$0x81B0]  }
0x10f: {  	[tilespmem:s10+$0x142A0] =	vst.add.f32.msk $0xffff, v5  }
0x110: {  	v5 =	vld [tilespmem:s10+$0x82B0]  }
0x111: {  	[tilespmem:s10+$0x14320] =	vst.add.f32.msk $0xffff, v6  }
0x112: {  	v6 =	vld [tilespmem:s10+$0x8330]  }
0x113: {  	[tilespmem:s10+$0x143A0] =	vst.add.f32.msk $0xffff, v7  }
0x114: {  	v7 =	vld [tilespmem:s10+$0x83B0]  }
0x115: {  	[tilespmem:s10+$0x15820] =	vst.add.f32.msk $0xffff, v8  }
0x116: {  	v8 =	vld [tilespmem:s10+$0x9830]  }
0x117: {  	[tilespmem:s10+$0x141B0] =	vst.add.f32.msk $0xffff, v4  }
0x118: {  	v4 =	vld [tilespmem:s10+$0x81C0]  }
0x119: {  	[tilespmem:s10+$0x142B0] =	vst.add.f32.msk $0xffff, v5  }
0x11a: {  	v5 =	vld [tilespmem:s10+$0x82C0]  }
0x11b: {  	[tilespmem:s10+$0x14330] =	vst.add.f32.msk $0xffff, v6  }
0x11c: {  	v6 =	vld [tilespmem:s10+$0x8340]  }
0x11d: {  	[tilespmem:s10+$0x143B0] =	vst.add.f32.msk $0xffff, v7  }
0x11e: {  	v7 =	vld [tilespmem:s10+$0x83C0]  }
0x11f: {  	[tilespmem:s10+$0x15830] =	vst.add.f32.msk $0xffff, v8  }
0x120: {  	v8 =	vld [tilespmem:s10+$0x9840]  }
0x121: {  	[tilespmem:s10+$0x141C0] =	vst.add.f32.msk $0xffff, v4  }
0x122: {  	v4 =	vld [tilespmem:s10+$0x81D0]  }
0x123: {  	[tilespmem:s10+$0x142C0] =	vst.add.f32.msk $0xffff, v5  }
0x124: {  	v5 =	vld [tilespmem:s10+$0x82D0]  }
0x125: {  	[tilespmem:s10+$0x14340] =	vst.add.f32.msk $0xffff, v6  }
0x126: {  	v6 =	vld [tilespmem:s10+$0x8350]  }
0x127: {  	[tilespmem:s10+$0x143C0] =	vst.add.f32.msk $0xffff, v7  }
0x128: {  	v7 =	vld [tilespmem:s10+$0x83D0]  }
0x129: {  	[tilespmem:s10+$0x15840] =	vst.add.f32.msk $0xffff, v8  }
0x12a: {  	v8 =	vld [tilespmem:s10+$0x9850]  }
0x12b: {  	[tilespmem:s10+$0x141D0] =	vst.add.f32.msk $0xffff, v4  }
0x12c: {  	v4 =	vld [tilespmem:s10+$0x81E0]  }
0x12d: {  	[tilespmem:s10+$0x142D0] =	vst.add.f32.msk $0xffff, v5  }
0x12e: {  	v5 =	vld [tilespmem:s10+$0x82E0]  }
0x12f: {  	[tilespmem:s10+$0x14350] =	vst.add.f32.msk $0xffff, v6  }
0x130: {  	v6 =	vld [tilespmem:s10+$0x8360]  }
0x131: {  	[tilespmem:s10+$0x143D0] =	vst.add.f32.msk $0xffff, v7  }
0x132: {  	v7 =	vld [tilespmem:s10+$0x83E0]  }
0x133: {  	[tilespmem:s10+$0x15850] =	vst.add.f32.msk $0xffff, v8  }
0x134: {  	v8 =	vld [tilespmem:s10+$0x9860]  }
0x135: {  	[tilespmem:s10+$0x141E0] =	vst.add.f32.msk $0xffff, v4  }
0x136: {  	[tilespmem:s10+$0x142E0] =	vst.add.f32.msk $0xffff, v5  }
0x137: {  	v4 =	vld [tilespmem:s10+$0x8270]  }
0x138: {  	[tilespmem:s10+$0x14360] =	vst.add.f32.msk $0xffff, v6  }
0x139: {  	v5 =	vld [tilespmem:s10+$0x82F0]  }
0x13a: {  	[tilespmem:s10+$0x143E0] =	vst.add.f32.msk $0xffff, v7  }
0x13b: {  	v7 =	vld [tilespmem:s10+$0x8370]  }
0x13c: {  	[tilespmem:s10+$0x15860] =	vst.add.f32.msk $0xffff, v8  }
0x13d: {  	v8 =	vld [tilespmem:s10+$0x83F0]  }
0x13e: {  	v6 =	vld [tilespmem:s10+$0x9B70]  }
0x13f: {  	[tilespmem:s10+$0x14270] =	vst.add.f32.msk $0xffff, v4  }
0x140: {  	[tilespmem:s10+$0x142F0] =	vst.add.f32.msk $0xffff, v5  }
0x141: {  	[tilespmem:s10+$0x14370] =	vst.add.f32.msk $0xffff, v7  }
0x142: {  	s11 =	simm.s32 $0x8;
	[tilespmem:s10+$0x143F0] =	vst.add.f32.msk $0xffff, v8  }
.LBB2_4:
0x143: {  	[tilespmem:s10+$0x15B70] =	vst.add.f32.msk $0xffff, v6;
	s10 =	sshll.u32 s11, $0x7  }
0x144: {  	v0 =	vld [tilespmem:s10+$0x9BF0];
	_ =	sdelay $0x4  }
0x145: {  	[tilespmem:s10+$0x15BF0] =	vst.add.f32.msk $0xffff, v0  }
0x146: {  	v0 =	vld [tilespmem:s10+$0x81C0];
	_ =	sdelay $0x2  }
0x147: {  	v1 =	vld [tilespmem:s10+$0x8000]  }
0x148: {  	v62 =	vld [tilespmem:s10+$0x8080]  }
0x149: {  	[tilespmem:$0x1FBF0] =	vst v0;
	v0 =	vld [tilespmem:s10+$0x8240]  }
0x14a: {  	v63 =	vld [tilespmem:s10+$0x8100]  }
0x14b: {  	v9 =	vld [tilespmem:s10+$0x8180]  }
0x14c: {  	v11 =	vld [tilespmem:s10+$0x8200]  }
0x14d: {  	v12 =	vld [tilespmem:s10+$0x8280]  }
0x14e: {  	[tilespmem:$0x1FC00] =	vst v0;
	v0 =	vld [tilespmem:s10+$0x82C0]  }
0x14f: {  	v13 =	vld [tilespmem:s10+$0x8300]  }
0x150: {  	v14 =	vld [tilespmem:s10+$0x8380]  }
0x151: {  	v15 =	vld [tilespmem:s10+$0x9800]  }
0x152: {  	v16 =	vld [tilespmem:s10+$0x9880]  }
0x153: {  	[tilespmem:$0x1FC10] =	vst v0;
	v0 =	vld [tilespmem:s10+$0x8340]  }
0x154: {  	v17 =	vld [tilespmem:s10+$0x9900]  }
0x155: {  	v18 =	vld [tilespmem:s10+$0x9980]  }
0x156: {  	v19 =	vld [tilespmem:s10+$0x9A00]  }
0x157: {  	v20 =	vld [tilespmem:s10+$0x9A80]  }
0x158: {  	[tilespmem:$0x1FC20] =	vst v0;
	v0 =	vld [tilespmem:s10+$0x83C0]  }
0x159: {  	v21 =	vld [tilespmem:s10+$0x9B00]  }
0x15a: {  	v22 =	vld [tilespmem:s10+$0x9B80]  }
0x15b: {  	v23 =	vld [tilespmem:s10+$0x8010]  }
0x15c: {  	v24 =	vld [tilespmem:s10+$0x8090]  }
0x15d: {  	[tilespmem:$0x1FC30] =	vst v0;
	v0 =	vld [tilespmem:s10+$0x9840]  }
0x15e: {  	v25 =	vld [tilespmem:s10+$0x8110]  }
0x15f: {  	v26 =	vld [tilespmem:s10+$0x8190]  }
0x160: {  	v27 =	vld [tilespmem:s10+$0x8210]  }
0x161: {  	v28 =	vld [tilespmem:s10+$0x8290]  }
0x162: {  	[tilespmem:$0x1FC40] =	vst v0;
	v0 =	vld [tilespmem:s10+$0x98C0]  }
0x163: {  	v29 =	vld [tilespmem:s10+$0x8310]  }
0x164: {  	v30 =	vld [tilespmem:s10+$0x8390]  }
0x165: {  	v31 =	vld [tilespmem:s10+$0x9810]  }
0x166: {  	v32 =	vld [tilespmem:s10+$0x9890]  }
0x167: {  	[tilespmem:$0x1FC50] =	vst v0;
	v0 =	vld [tilespmem:s10+$0x9940]  }
0x168: {  	v33 =	vld [tilespmem:s10+$0x9910]  }
0x169: {  	v34 =	vld [tilespmem:s10+$0x9990]  }
0x16a: {  	v35 =	vld [tilespmem:s10+$0x9A10]  }
0x16b: {  	v36 =	vld [tilespmem:s10+$0x9A90]  }
0x16c: {  	[tilespmem:$0x1FC60] =	vst v0;
	v0 =	vld [tilespmem:s10+$0x99C0]  }
0x16d: {  	v37 =	vld [tilespmem:s10+$0x9B10]  }
0x16e: {  	v38 =	vld [tilespmem:s10+$0x9B90]  }
0x16f: {  	v39 =	vld [tilespmem:s10+$0x8020]  }
0x170: {  	v40 =	vld [tilespmem:s10+$0x80A0]  }
0x171: {  	[tilespmem:$0x1FC70] =	vst v0;
	v0 =	vld [tilespmem:s10+$0x9A40]  }
0x172: {  	v41 =	vld [tilespmem:s10+$0x8120]  }
0x173: {  	v42 =	vld [tilespmem:s10+$0x81A0]  }
0x174: {  	v43 =	vld [tilespmem:s10+$0x8220]  }
0x175: {  	v44 =	vld [tilespmem:s10+$0x82A0]  }
0x176: {  	[tilespmem:$0x1FC80] =	vst v0;
	v0 =	vld [tilespmem:s10+$0x9AC0]  }
0x177: {  	v45 =	vld [tilespmem:s10+$0x8320]  }
0x178: {  	v46 =	vld [tilespmem:s10+$0x83A0]  }
0x179: {  	v47 =	vld [tilespmem:s10+$0x9820]  }
0x17a: {  	v48 =	vld [tilespmem:s10+$0x98A0]  }
0x17b: {  	[tilespmem:$0x1FC90] =	vst v0;
	v0 =	vld [tilespmem:s10+$0x9B40]  }
0x17c: {  	v49 =	vld [tilespmem:s10+$0x9920]  }
0x17d: {  	v50 =	vld [tilespmem:s10+$0x99A0]  }
0x17e: {  	v51 =	vld [tilespmem:s10+$0x9A20]  }
0x17f: {  	v52 =	vld [tilespmem:s10+$0x9AA0]  }
0x180: {  	[tilespmem:$0x1FCA0] =	vst v0;
	v0 =	vld [tilespmem:s10+$0x9BC0]  }
0x181: {  	v53 =	vld [tilespmem:s10+$0x9B20]  }
0x182: {  	v54 =	vld [tilespmem:s10+$0x9BA0]  }
0x183: {  	v55 =	vld [tilespmem:s10+$0x8030]  }
0x184: {  	v56 =	vld [tilespmem:s10+$0x80B0]  }
0x185: {  	[tilespmem:$0x1FCB0] =	vst v0;
	v0 =	vld [tilespmem:s10+$0x8050]  }
0x186: {  	v57 =	vld [tilespmem:s10+$0x8130]  }
0x187: {  	v58 =	vld [tilespmem:s10+$0x81B0]  }
0x188: {  	v59 =	vld [tilespmem:s10+$0x8230]  }
0x189: {  	v60 =	vld [tilespmem:s10+$0x82B0]  }
0x18a: {  	[tilespmem:$0x1FCC0] =	vst v0;
	v0 =	vld [tilespmem:s10+$0x80D0]  }
0x18b: {  	v61 =	vld [tilespmem:s10+$0x8330]  }
0x18c: {  	v10 =	vld [tilespmem:s10+$0x98B0]  }
0x18d: {  	v2 =	vld [tilespmem:s10+$0x9930]  }
0x18e: {  	v4 =	vld [tilespmem:s10+$0x9A30]  }
0x18f: {  	[tilespmem:$0x1FCD0] =	vst v0;
	v0 =	vld [tilespmem:s10+$0x8150]  }
0x190: {  	v5 =	vld [tilespmem:s10+$0x9AB0]  }
0x191: {  	v3 =	vld [tilespmem:s10+$0x9B30]  }
0x192: {  	v7 =	vld [tilespmem:s10+$0x9BB0]  }
0x193: {  	v8 =	vld [tilespmem:s10+$0x8040]  }
0x194: {  	[tilespmem:$0x1FCE0] =	vst v0;
	v0 =	vld [tilespmem:s10+$0x81D0]  }
0x195: {  	v6 =	vld [tilespmem:s10+$0x9B70]  }
0x196: {  	[tilespmem:$0x1FBB0] =	vst v62;
	v62 =	vld [tilespmem:s10+$0x83B0]  }
0x197: {  	[tilespmem:$0x1FBC0] =	vst v63;
	v63 =	vld [tilespmem:s10+$0x9830]  }
0x198: {  	[tilespmem:$0x1FBA0] =	vst v1;
	v1 =	vld [tilespmem:s10+$0x99B0]  }
0x199: {  	[tilespmem:$0x1FCF0] =	vst v0;
	v0 =	vld [tilespmem:s10+$0x8250]  }
0x19a: {  	[tilespmem:$0x1FBD0] =	vst v9;
	v9 =	vld [tilespmem:s10+$0x80C0]  }
0x19b: {  	[tilespmem:$0x1FBE0] =	vst v10;
	v10 =	vld [tilespmem:s10+$0x8140]  }
0x19c: {  	[tilespmem:s10+$0x14200] =	vst.add.f32.msk $0xffff, v11  }
0x19d: {  	[tilespmem:s10+$0x14280] =	vst.add.f32.msk $0xffff, v12  }
0x19e: {  	[tilespmem:$0x1FD00] =	vst v0;
	v0 =	vld [tilespmem:s10+$0x82D0]  }
0x19f: {  	[tilespmem:s10+$0x14300] =	vst.add.f32.msk $0xffff, v13  }
0x1a0: {  	[tilespmem:s10+$0x14380] =	vst.add.f32.msk $0xffff, v14  }
0x1a1: {  	[tilespmem:s10+$0x15800] =	vst.add.f32.msk $0xffff, v15  }
0x1a2: {  	[tilespmem:s10+$0x15880] =	vst.add.f32.msk $0xffff, v16  }
0x1a3: {  	[tilespmem:$0x1FD10] =	vst v0;
	v0 =	vld [tilespmem:s10+$0x8350]  }
0x1a4: {  	[tilespmem:s10+$0x15900] =	vst.add.f32.msk $0xffff, v17  }
0x1a5: {  	[tilespmem:s10+$0x15980] =	vst.add.f32.msk $0xffff, v18  }
0x1a6: {  	[tilespmem:s10+$0x15A00] =	vst.add.f32.msk $0xffff, v19  }
0x1a7: {  	[tilespmem:s10+$0x15A80] =	vst.add.f32.msk $0xffff, v20  }
0x1a8: {  	[tilespmem:$0x1FD20] =	vst v0;
	v0 =	vld [tilespmem:s10+$0x83D0]  }
0x1a9: {  	[tilespmem:s10+$0x15B00] =	vst.add.f32.msk $0xffff, v21  }
0x1aa: {  	[tilespmem:s10+$0x15B80] =	vst.add.f32.msk $0xffff, v22  }
0x1ab: {  	[tilespmem:s10+$0x14010] =	vst.add.f32.msk $0xffff, v23  }
0x1ac: {  	[tilespmem:s10+$0x14090] =	vst.add.f32.msk $0xffff, v24  }
0x1ad: {  	[tilespmem:$0x1FD30] =	vst v0;
	v0 =	vld [tilespmem:s10+$0x9850]  }
0x1ae: {  	[tilespmem:s10+$0x14110] =	vst.add.f32.msk $0xffff, v25  }
0x1af: {  	[tilespmem:s10+$0x14190] =	vst.add.f32.msk $0xffff, v26  }
0x1b0: {  	[tilespmem:s10+$0x14210] =	vst.add.f32.msk $0xffff, v27  }
0x1b1: {  	[tilespmem:s10+$0x14290] =	vst.add.f32.msk $0xffff, v28  }
0x1b2: {  	[tilespmem:$0x1FD40] =	vst v0;
	v0 =	vld [tilespmem:s10+$0x98D0]  }
0x1b3: {  	[tilespmem:s10+$0x14310] =	vst.add.f32.msk $0xffff, v29  }
0x1b4: {  	[tilespmem:s10+$0x14390] =	vst.add.f32.msk $0xffff, v30  }
0x1b5: {  	[tilespmem:s10+$0x15810] =	vst.add.f32.msk $0xffff, v31  }
0x1b6: {  	[tilespmem:s10+$0x15890] =	vst.add.f32.msk $0xffff, v32  }
0x1b7: {  	[tilespmem:$0x1FD50] =	vst v0;
	v0 =	vld [tilespmem:s10+$0x9950]  }
0x1b8: {  	[tilespmem:s10+$0x15910] =	vst.add.f32.msk $0xffff, v33  }
0x1b9: {  	[tilespmem:s10+$0x15990] =	vst.add.f32.msk $0xffff, v34  }
0x1ba: {  	[tilespmem:s10+$0x15A10] =	vst.add.f32.msk $0xffff, v35  }
0x1bb: {  	[tilespmem:s10+$0x15A90] =	vst.add.f32.msk $0xffff, v36  }
0x1bc: {  	[tilespmem:$0x1FD60] =	vst v0;
	v0 =	vld [tilespmem:s10+$0x99D0]  }
0x1bd: {  	[tilespmem:s10+$0x15B10] =	vst.add.f32.msk $0xffff, v37  }
0x1be: {  	[tilespmem:s10+$0x15B90] =	vst.add.f32.msk $0xffff, v38  }
0x1bf: {  	[tilespmem:s10+$0x14020] =	vst.add.f32.msk $0xffff, v39  }
0x1c0: {  	[tilespmem:s10+$0x140A0] =	vst.add.f32.msk $0xffff, v40  }
0x1c1: {  	[tilespmem:$0x1FD70] =	vst v0;
	v0 =	vld [tilespmem:s10+$0x9A50]  }
0x1c2: {  	[tilespmem:s10+$0x14120] =	vst.add.f32.msk $0xffff, v41  }
0x1c3: {  	[tilespmem:s10+$0x141A0] =	vst.add.f32.msk $0xffff, v42  }
0x1c4: {  	[tilespmem:s10+$0x14220] =	vst.add.f32.msk $0xffff, v43  }
0x1c5: {  	[tilespmem:s10+$0x142A0] =	vst.add.f32.msk $0xffff, v44  }
0x1c6: {  	[tilespmem:$0x1FD80] =	vst v0;
	v0 =	vld [tilespmem:s10+$0x9AD0]  }
0x1c7: {  	[tilespmem:s10+$0x14320] =	vst.add.f32.msk $0xffff, v45  }
0x1c8: {  	[tilespmem:s10+$0x143A0] =	vst.add.f32.msk $0xffff, v46  }
0x1c9: {  	[tilespmem:s10+$0x15820] =	vst.add.f32.msk $0xffff, v47  }
0x1ca: {  	[tilespmem:s10+$0x158A0] =	vst.add.f32.msk $0xffff, v48  }
0x1cb: {  	[tilespmem:$0x1FD90] =	vst v0;
	v0 =	vld [tilespmem:s10+$0x9B50]  }
0x1cc: {  	[tilespmem:s10+$0x15920] =	vst.add.f32.msk $0xffff, v49  }
0x1cd: {  	[tilespmem:s10+$0x159A0] =	vst.add.f32.msk $0xffff, v50  }
0x1ce: {  	[tilespmem:s10+$0x15A20] =	vst.add.f32.msk $0xffff, v51  }
0x1cf: {  	[tilespmem:s10+$0x15AA0] =	vst.add.f32.msk $0xffff, v52  }
0x1d0: {  	[tilespmem:$0x1FDA0] =	vst v0;
	v0 =	vld [tilespmem:s10+$0x9BD0]  }
0x1d1: {  	[tilespmem:s10+$0x15B20] =	vst.add.f32.msk $0xffff, v53  }
0x1d2: {  	[tilespmem:s10+$0x15BA0] =	vst.add.f32.msk $0xffff, v54  }
0x1d3: {  	[tilespmem:s10+$0x14030] =	vst.add.f32.msk $0xffff, v55  }
0x1d4: {  	[tilespmem:s10+$0x140B0] =	vst.add.f32.msk $0xffff, v56  }
0x1d5: {  	[tilespmem:$0x1FDB0] =	vst v0;
	v0 =	vld [tilespmem:s10+$0x8060]  }
0x1d6: {  	[tilespmem:s10+$0x14130] =	vst.add.f32.msk $0xffff, v57  }
0x1d7: {  	[tilespmem:s10+$0x141B0] =	vst.add.f32.msk $0xffff, v58  }
0x1d8: {  	[tilespmem:s10+$0x14230] =	vst.add.f32.msk $0xffff, v59  }
0x1d9: {  	[tilespmem:s10+$0x142B0] =	vst.add.f32.msk $0xffff, v60  }
0x1da: {  	[tilespmem:$0x1FDC0] =	vst v0;
	v0 =	vld [tilespmem:s10+$0x80E0]  }
0x1db: {  	[tilespmem:s10+$0x14330] =	vst.add.f32.msk $0xffff, v61  }
0x1dc: {  	[tilespmem:s10+$0x15930] =	vst.add.f32.msk $0xffff, v2  }
0x1dd: {  	[tilespmem:s10+$0x15A30] =	vst.add.f32.msk $0xffff, v4  }
0x1de: {  	[tilespmem:s10+$0x15AB0] =	vst.add.f32.msk $0xffff, v5  }
0x1df: {  	[tilespmem:$0x1FDD0] =	vst v0;
	v0 =	vld [tilespmem:s10+$0x8160]  }
0x1e0: {  	[tilespmem:s10+$0x15B30] =	vst.add.f32.msk $0xffff, v3  }
0x1e1: {  	[tilespmem:s10+$0x15BB0] =	vst.add.f32.msk $0xffff, v7  }
0x1e2: {  	[tilespmem:s10+$0x14040] =	vst.add.f32.msk $0xffff, v8  }
0x1e3: {  	v59 =	vld [tilespmem:$0x1FBE0]  }
0x1e4: {  	[tilespmem:$0x1FDE0] =	vst v0;
	v0 =	vld [tilespmem:s10+$0x81E0]  }
0x1e5: {  	[tilespmem:s10+$0x143B0] =	vst.add.f32.msk $0xffff, v62  }
0x1e6: {  	[tilespmem:s10+$0x15830] =	vst.add.f32.msk $0xffff, v63  }
0x1e7: {  	[tilespmem:s10+$0x159B0] =	vst.add.f32.msk $0xffff, v1  }
0x1e8: {  	[tilespmem:s10+$0x140C0] =	vst.add.f32.msk $0xffff, v9  }
0x1e9: {  	[tilespmem:$0x1FDF0] =	vst v0;
	v0 =	vld [tilespmem:s10+$0x8260]  }
0x1ea: {  	[tilespmem:s10+$0x14140] =	vst.add.f32.msk $0xffff, v10  }
0x1eb: {  	v60 =	vld [tilespmem:$0x1FBF0]  }
0x1ec: {  	v61 =	vld [tilespmem:$0x1FC00]  }
0x1ed: {  	v62 =	vld [tilespmem:$0x1FC10]  }
0x1ee: {  	[tilespmem:$0x1FE00] =	vst v0;
	v0 =	vld [tilespmem:s10+$0x82E0]  }
0x1ef: {  	[tilespmem:s10+$0x158B0] =	vst.add.f32.msk $0xffff, v59  }
0x1f0: {  	[tilespmem:s10+$0x141C0] =	vst.add.f32.msk $0xffff, v60  }
0x1f1: {  	[tilespmem:s10+$0x14240] =	vst.add.f32.msk $0xffff, v61  }
0x1f2: {  	[tilespmem:s10+$0x142C0] =	vst.add.f32.msk $0xffff, v62  }
0x1f3: {  	[tilespmem:$0x1FE10] =	vst v0;
	v0 =	vld [tilespmem:s10+$0x8360]  }
0x1f4: {  	v63 =	vld [tilespmem:$0x1FC20]  }
0x1f5: {  	v9 =	vld [tilespmem:$0x1FC30]  }
0x1f6: {  	v10 =	vld [tilespmem:$0x1FC40]  }
0x1f7: {  	v11 =	vld [tilespmem:$0x1FC50]  }
0x1f8: {  	[tilespmem:$0x1FE20] =	vst v0;
	v0 =	vld [tilespmem:s10+$0x83E0]  }
0x1f9: {  	[tilespmem:s10+$0x14340] =	vst.add.f32.msk $0xffff, v63  }
0x1fa: {  	[tilespmem:s10+$0x143C0] =	vst.add.f32.msk $0xffff, v9  }
0x1fb: {  	[tilespmem:s10+$0x15840] =	vst.add.f32.msk $0xffff, v10  }
0x1fc: {  	[tilespmem:s10+$0x158C0] =	vst.add.f32.msk $0xffff, v11  }
0x1fd: {  	[tilespmem:$0x1FE30] =	vst v0;
	v0 =	vld [tilespmem:s10+$0x9860]  }
0x1fe: {  	v12 =	vld [tilespmem:$0x1FC60]  }
0x1ff: {  	v13 =	vld [tilespmem:$0x1FC70]  }
0x200: {  	v14 =	vld [tilespmem:$0x1FC80]  }
0x201: {  	v15 =	vld [tilespmem:$0x1FC90]  }
0x202: {  	[tilespmem:$0x1FE40] =	vst v0;
	v0 =	vld [tilespmem:s10+$0x98E0]  }
0x203: {  	[tilespmem:s10+$0x15940] =	vst.add.f32.msk $0xffff, v12  }
0x204: {  	[tilespmem:s10+$0x159C0] =	vst.add.f32.msk $0xffff, v13  }
0x205: {  	[tilespmem:s10+$0x15A40] =	vst.add.f32.msk $0xffff, v14  }
0x206: {  	[tilespmem:s10+$0x15AC0] =	vst.add.f32.msk $0xffff, v15  }
0x207: {  	[tilespmem:$0x1FE50] =	vst v0;
	v0 =	vld [tilespmem:s10+$0x9960]  }
0x208: {  	v16 =	vld [tilespmem:$0x1FCA0]  }
0x209: {  	v17 =	vld [tilespmem:$0x1FCB0]  }
0x20a: {  	v18 =	vld [tilespmem:$0x1FCC0]  }
0x20b: {  	v19 =	vld [tilespmem:$0x1FCD0]  }
0x20c: {  	[tilespmem:$0x1FE60] =	vst v0;
	v0 =	vld [tilespmem:s10+$0x99E0]  }
0x20d: {  	[tilespmem:s10+$0x15B40] =	vst.add.f32.msk $0xffff, v16  }
0x20e: {  	[tilespmem:s10+$0x15BC0] =	vst.add.f32.msk $0xffff, v17  }
0x20f: {  	[tilespmem:s10+$0x14050] =	vst.add.f32.msk $0xffff, v18  }
0x210: {  	[tilespmem:s10+$0x140D0] =	vst.add.f32.msk $0xffff, v19  }
0x211: {  	[tilespmem:$0x1FE70] =	vst v0;
	v0 =	vld [tilespmem:s10+$0x9A60]  }
0x212: {  	v20 =	vld [tilespmem:$0x1FCE0]  }
0x213: {  	v21 =	vld [tilespmem:$0x1FCF0]  }
0x214: {  	v22 =	vld [tilespmem:$0x1FD00]  }
0x215: {  	v23 =	vld [tilespmem:$0x1FD10]  }
0x216: {  	[tilespmem:$0x1FE80] =	vst v0;
	v0 =	vld [tilespmem:s10+$0x9AE0]  }
0x217: {  	[tilespmem:s10+$0x14150] =	vst.add.f32.msk $0xffff, v20  }
0x218: {  	[tilespmem:s10+$0x141D0] =	vst.add.f32.msk $0xffff, v21  }
0x219: {  	[tilespmem:s10+$0x14250] =	vst.add.f32.msk $0xffff, v22  }
0x21a: {  	[tilespmem:s10+$0x142D0] =	vst.add.f32.msk $0xffff, v23  }
0x21b: {  	[tilespmem:$0x1FE90] =	vst v0;
	v0 =	vld [tilespmem:s10+$0x9B60]  }
0x21c: {  	v24 =	vld [tilespmem:$0x1FD20]  }
0x21d: {  	v25 =	vld [tilespmem:$0x1FD30]  }
0x21e: {  	v26 =	vld [tilespmem:$0x1FD40]  }
0x21f: {  	v27 =	vld [tilespmem:$0x1FD50]  }
0x220: {  	[tilespmem:$0x1FEA0] =	vst v0;
	v0 =	vld [tilespmem:s10+$0x9BE0]  }
0x221: {  	[tilespmem:s10+$0x14350] =	vst.add.f32.msk $0xffff, v24  }
0x222: {  	[tilespmem:s10+$0x143D0] =	vst.add.f32.msk $0xffff, v25  }
0x223: {  	[tilespmem:s10+$0x15850] =	vst.add.f32.msk $0xffff, v26  }
0x224: {  	[tilespmem:s10+$0x158D0] =	vst.add.f32.msk $0xffff, v27  }
0x225: {  	[tilespmem:$0x1FEB0] =	vst v0;
	v0 =	vld [tilespmem:s10+$0x8070]  }
0x226: {  	v28 =	vld [tilespmem:$0x1FD60]  }
0x227: {  	v29 =	vld [tilespmem:$0x1FD70]  }
0x228: {  	v30 =	vld [tilespmem:$0x1FD80]  }
0x229: {  	v31 =	vld [tilespmem:$0x1FD90]  }
0x22a: {  	[tilespmem:$0x1FEC0] =	vst v0;
	v0 =	vld [tilespmem:s10+$0x80F0]  }
0x22b: {  	[tilespmem:s10+$0x15950] =	vst.add.f32.msk $0xffff, v28  }
0x22c: {  	[tilespmem:s10+$0x159D0] =	vst.add.f32.msk $0xffff, v29  }
0x22d: {  	[tilespmem:s10+$0x15A50] =	vst.add.f32.msk $0xffff, v30  }
0x22e: {  	[tilespmem:s10+$0x15AD0] =	vst.add.f32.msk $0xffff, v31  }
0x22f: {  	[tilespmem:$0x1FED0] =	vst v0;
	v0 =	vld [tilespmem:s10+$0x8170]  }
0x230: {  	v32 =	vld [tilespmem:$0x1FDA0]  }
0x231: {  	v33 =	vld [tilespmem:$0x1FDB0]  }
0x232: {  	v34 =	vld [tilespmem:$0x1FDC0]  }
0x233: {  	v35 =	vld [tilespmem:$0x1FDD0]  }
0x234: {  	[tilespmem:$0x1FEE0] =	vst v0;
	v0 =	vld [tilespmem:s10+$0x81F0]  }
0x235: {  	[tilespmem:s10+$0x15B50] =	vst.add.f32.msk $0xffff, v32  }
0x236: {  	[tilespmem:s10+$0x15BD0] =	vst.add.f32.msk $0xffff, v33  }
0x237: {  	[tilespmem:s10+$0x14060] =	vst.add.f32.msk $0xffff, v34  }
0x238: {  	[tilespmem:s10+$0x140E0] =	vst.add.f32.msk $0xffff, v35  }
0x239: {  	[tilespmem:$0x1FEF0] =	vst v0;
	v0 =	vld [tilespmem:s10+$0x8270]  }
0x23a: {  	v36 =	vld [tilespmem:$0x1FDE0]  }
0x23b: {  	v37 =	vld [tilespmem:$0x1FDF0]  }
0x23c: {  	v38 =	vld [tilespmem:$0x1FE00]  }
0x23d: {  	v39 =	vld [tilespmem:$0x1FE10]  }
0x23e: {  	[tilespmem:$0x1FF00] =	vst v0;
	v0 =	vld [tilespmem:s10+$0x82F0]  }
0x23f: {  	[tilespmem:s10+$0x14160] =	vst.add.f32.msk $0xffff, v36  }
0x240: {  	[tilespmem:s10+$0x141E0] =	vst.add.f32.msk $0xffff, v37  }
0x241: {  	[tilespmem:s10+$0x14260] =	vst.add.f32.msk $0xffff, v38  }
0x242: {  	[tilespmem:s10+$0x142E0] =	vst.add.f32.msk $0xffff, v39  }
0x243: {  	[tilespmem:$0x1FF10] =	vst v0;
	v0 =	vld [tilespmem:s10+$0x8370]  }
0x244: {  	v40 =	vld [tilespmem:$0x1FE20]  }
0x245: {  	v41 =	vld [tilespmem:$0x1FE30]  }
0x246: {  	v42 =	vld [tilespmem:$0x1FE40]  }
0x247: {  	v43 =	vld [tilespmem:$0x1FE50]  }
0x248: {  	[tilespmem:$0x1FF20] =	vst v0;
	v0 =	vld [tilespmem:s10+$0x83F0]  }
0x249: {  	[tilespmem:s10+$0x14360] =	vst.add.f32.msk $0xffff, v40  }
0x24a: {  	[tilespmem:s10+$0x143E0] =	vst.add.f32.msk $0xffff, v41  }
0x24b: {  	[tilespmem:s10+$0x15860] =	vst.add.f32.msk $0xffff, v42  }
0x24c: {  	[tilespmem:s10+$0x158E0] =	vst.add.f32.msk $0xffff, v43  }
0x24d: {  	[tilespmem:$0x1FF30] =	vst v0;
	v0 =	vld [tilespmem:s10+$0x9870]  }
0x24e: {  	v44 =	vld [tilespmem:$0x1FE60]  }
0x24f: {  	v45 =	vld [tilespmem:$0x1FE70]  }
0x250: {  	v46 =	vld [tilespmem:$0x1FE80]  }
0x251: {  	v47 =	vld [tilespmem:$0x1FE90]  }
0x252: {  	[tilespmem:$0x1FF40] =	vst v0;
	v0 =	vld [tilespmem:s10+$0x98F0]  }
0x253: {  	[tilespmem:s10+$0x15960] =	vst.add.f32.msk $0xffff, v44  }
0x254: {  	[tilespmem:s10+$0x159E0] =	vst.add.f32.msk $0xffff, v45  }
0x255: {  	[tilespmem:s10+$0x15A60] =	vst.add.f32.msk $0xffff, v46  }
0x256: {  	[tilespmem:s10+$0x15AE0] =	vst.add.f32.msk $0xffff, v47  }
0x257: {  	[tilespmem:$0x1FF50] =	vst v0;
	v0 =	vld [tilespmem:s10+$0x9970]  }
0x258: {  	v48 =	vld [tilespmem:$0x1FEA0]  }
0x259: {  	v49 =	vld [tilespmem:$0x1FEB0]  }
0x25a: {  	v50 =	vld [tilespmem:$0x1FEC0]  }
0x25b: {  	v51 =	vld [tilespmem:$0x1FED0]  }
0x25c: {  	[tilespmem:$0x1FF60] =	vst v0;
	v0 =	vld [tilespmem:s10+$0x99F0]  }
0x25d: {  	[tilespmem:s10+$0x15B60] =	vst.add.f32.msk $0xffff, v48  }
0x25e: {  	[tilespmem:s10+$0x15BE0] =	vst.add.f32.msk $0xffff, v49  }
0x25f: {  	[tilespmem:s10+$0x14070] =	vst.add.f32.msk $0xffff, v50  }
0x260: {  	[tilespmem:s10+$0x140F0] =	vst.add.f32.msk $0xffff, v51  }
0x261: {  	[tilespmem:$0x1FF70] =	vst v0;
	v0 =	vld [tilespmem:s10+$0x9A70]  }
0x262: {  	v52 =	vld [tilespmem:$0x1FEE0]  }
0x263: {  	v53 =	vld [tilespmem:$0x1FEF0]  }
0x264: {  	v54 =	vld [tilespmem:$0x1FF00]  }
0x265: {  	v55 =	vld [tilespmem:$0x1FF10]  }
0x266: {  	[tilespmem:$0x1FF80] =	vst v0;
	v0 =	vld [tilespmem:s10+$0x9AF0]  }
0x267: {  	[tilespmem:s10+$0x14170] =	vst.add.f32.msk $0xffff, v52  }
0x268: {  	[tilespmem:s10+$0x141F0] =	vst.add.f32.msk $0xffff, v53  }
0x269: {  	[tilespmem:s10+$0x14270] =	vst.add.f32.msk $0xffff, v54  }
0x26a: {  	[tilespmem:s10+$0x142F0] =	vst.add.f32.msk $0xffff, v55  }
0x26b: {  	[tilespmem:$0x1FF90] =	vst v0;
	v0 =	vld [tilespmem:$0x1FBA0]  }
0x26c: {  	v56 =	vld [tilespmem:$0x1FF20]  }
0x26d: {  	v57 =	vld [tilespmem:$0x1FF30]  }
0x26e: {  	v58 =	vld [tilespmem:$0x1FF40]  }
0x26f: {  	v59 =	vld [tilespmem:$0x1FF50]  }
0x270: {  	[tilespmem:s10+$0x14000] =	vst.add.f32.msk $0xffff, v0  }
0x271: {  	v0 =	vld [tilespmem:$0x1FBB0]  }
0x272: {  	[tilespmem:s10+$0x14370] =	vst.add.f32.msk $0xffff, v56  }
0x273: {  	[tilespmem:s10+$0x143F0] =	vst.add.f32.msk $0xffff, v57  }
0x274: {  	[tilespmem:s10+$0x15870] =	vst.add.f32.msk $0xffff, v58  }
0x275: {  	[tilespmem:s10+$0x158F0] =	vst.add.f32.msk $0xffff, v59  }
0x276: {  	[tilespmem:s10+$0x14080] =	vst.add.f32.msk $0xffff, v0  }
0x277: {  	v0 =	vld [tilespmem:$0x1FBC0]  }
0x278: {  	v60 =	vld [tilespmem:$0x1FF60]  }
0x279: {  	v61 =	vld [tilespmem:$0x1FF70]  }
0x27a: {  	v62 =	vld [tilespmem:$0x1FF80]  }
0x27b: {  	v63 =	vld [tilespmem:$0x1FF90]  }
0x27c: {  	[tilespmem:s10+$0x14100] =	vst.add.f32.msk $0xffff, v0  }
0x27d: {  	p2 =	slt.u32 s11, $0x28;
	v0 =	vld [tilespmem:$0x1FBD0]  }
.Ltmp3:
0x27e: {  	[tilespmem:s10+$0x15970] =	vst.add.f32.msk $0xffff, v60;
	(pc) =	sbr.rel @p2 .LBB2_4-.Ltmp3, $4  }
0x27f: {  	[tilespmem:s10+$0x159F0] =	vst.add.f32.msk $0xffff, v61  }
0x280: {  	[tilespmem:s10+$0x15A70] =	vst.add.f32.msk $0xffff, v62  }
0x281: {  	[tilespmem:s10+$0x15AF0] =	vst.add.f32.msk $0xffff, v63  }
0x282: {  	s11 =	sadd.s32 $0x8, s11;
	[tilespmem:s10+$0x14180] =	vst.add.f32.msk $0xffff, v0  }
0x283: {  	s11 =	sshll.u32 s12, $0x4  }
0x284: {  	s11 =	sor.u32 s5, s11  }
0x285: {  	[tilespmem:s10+$0x15B70] =	vst.add.f32.msk $0xffff, v6;
	s11 =	sshrl.u32 s11, $0x3  }
0x286: {  	_ =	strace $0x9000004A;
	s11 =	smul.u32 $0x300, s11  }
0x287: {  	v4 =	vld [tilespmem:$0x1FFC0]  }
0x288: {  	v5 =	vld [tilespmem:$0x1FFB0];
	s12 =	sadd.s32 s3, s11  }
0x289: {  	v2 =	vld [tilespmem:$0x1FFA0];
	[hbm4b:s12+s4] =	stream.linear.scatter [tilespmem:s14], [sflag:$0x3], $0x3000, $0x38  }
.LBB2_6:
0x28a: {  	_ =	strace @!p0 $0x8000004B;
	s10 =	simm.s32 @!p0 $0x2  }
0x28b: {  	_ =	swait.ge @!p0 [sflag:s10], $0x3000  }
0x28c: {  	s12 =	sor.u32 $0x1, s6;
	[sflag:s10] =	ssyncset.done @!p0 $0x0  }
0x28d: {  	[sflag:s10] =	ssyncadd.s32 @!p0 $0xFFFFD000;
	s10 =	sshll.u32 @!p1 s12, $0x4  }
0x28e: {  	_ =	strace @!p0 $0x9000004B;
	s10 =	sand.u32 @!p1 $0x3FFFFFF0, s10  }
0x28f: {  	v0 =	vld @!p1 [tilespmem:s10+$0x0];
	_ =	sdelay $0x4  }
0x290: {  	v1 =	vshrl.u32 @!p1 v0, $0x3  }
0x291: {  	v1 =	vmul.u32 @!p1 $0x30, v1  }
0x292: {  	v0 =	vand.u32 @!p1 $0x7, v0  }
0x293: {  	v0 =	vor.u32 @!p1 v0, v1  }
0x294: {  	v1 =	vperm.xlane @!p1 v0, v5;
	_ =	sdelay $0x1  }
0x295: {  	v1 =	vadd.s32 @!p1 v4, v1;
	_ =	sdelay $0x3  }
0x296: {  	s10 =	simm.s32 @!p1 $0x11000;
	v0 =	vperm.xlane @!p1 v0, v2  }
0x297: {  	[tilespmem:s10], [sflag:$0x2] =	stream.indirect_vreg.gather @!p1 [hbm4b:s2+s7], $0x80, v1, vm1, $0xb8;
	[tilespmem:$0x1A000] =	vst v63  }
0x298: {  	v0 =	vadd.s32 @!p1 v4, v0;
	s10 =	simm.s32 @!p1 $0x11800  }
0x299: {  	[tilespmem:s10], [sflag:$0x2] =	stream.indirect_vreg.gather @!p1 [hbm4b:s8+s7], $0x80, v1, vm1, $0xb8;
	[tilespmem:$0x1A000] =	vst v63  }
0x29a: {  	s6 =	sadd.s32 $0xFFFFFFFF, s6;
	s10 =	simm.s32 @!p1 $0x12000  }
0x29b: {  	[tilespmem:s10], [sflag:$0x2] =	stream.indirect_vreg.gather @!p1 [hbm4b:s9+s7], $0x80, v1, vm1, $0xb8;
	[tilespmem:$0x1A000] =	vst v63  }
0x29c: {  	p2 =	sgt.u32 s6, $0x1FF;
	s10 =	simm.s32 @!p1 $0x12800  }
0x29d: {  	[tilespmem:s10], [sflag:$0x2] =	stream.indirect_vreg.gather @!p1 [hbm4b:s2+s7], $0x80, v0, vm1, $0xb8;
	[tilespmem:$0x1A000] =	vst v63  }
.Ltmp4:
0x29e: {  	_ = 	snop;
	(pc) =	sbr.rel @p2 .LBB2_10-.Ltmp4, $4  }
0x29f: {  	s10 =	simm.s32 @!p1 $0x13000  }
0x2a0: {  	[tilespmem:s10], [sflag:$0x2] =	stream.indirect_vreg.gather @!p1 [hbm4b:s8+s7], $0x80, v0, vm1, $0xb8;
	[tilespmem:$0x1A000] =	vst v63  }
0x2a1: {  	s10 =	simm.s32 @!p1 $0x13800  }
0x2a2: {  	[tilespmem:s10], [sflag:$0x2] =	stream.indirect_vreg.gather @!p1 [hbm4b:s9+s7], $0x80, v0, vm1, $0xb8;
	[tilespmem:$0x1A000] =	vst v63  }
0x2a3: {  	_ =	strace $0x8000004C  }
0x2a4: {  	_ =	swait.ge [sflag:s15], $0x3000  }
0x2a5: {  	[sflag:s15] =	ssyncset.done $0x0  }
0x2a6: {  	[sflag:s15] =	ssyncadd.s32 $0xFFFFD000  }
0x2a7: {  	_ =	strace $0x9000004C  }
0x2a8: {  	s7 =	simm.s32 $0x0;
	_ =	strace $0x8000004D  }
0x2a9: {  	v0 =	vld [tilespmem:s7+$0xCBF0]  }
0x2aa: {  	v1 =	vld [tilespmem:s7+$0xB000]  }
0x2ab: {  	v2 =	vld [tilespmem:s7+$0xB080]  }
0x2ac: {  	v3 =	vld [tilespmem:s7+$0xB100]  }
0x2ad: {  	v4 =	vld [tilespmem:s7+$0xB180]  }
0x2ae: {  	v5 =	vld [tilespmem:s7+$0xB280]  }
0x2af: {  	v6 =	vld [tilespmem:s7+$0xB300]  }
0x2b0: {  	v7 =	vld [tilespmem:s7+$0xB380]  }
0x2b1: {  	v8 =	vld [tilespmem:s7+$0xC800]  }
0x2b2: {  	v9 =	vld [tilespmem:s7+$0xC880]  }
0x2b3: {  	v10 =	vld [tilespmem:s7+$0xC900]  }
0x2b4: {  	v11 =	vld [tilespmem:s7+$0xC980]  }
0x2b5: {  	v12 =	vld [tilespmem:s7+$0xCA00]  }
0x2b6: {  	v13 =	vld [tilespmem:s7+$0xCA80]  }
0x2b7: {  	v14 =	vld [tilespmem:s7+$0xCB00]  }
0x2b8: {  	v15 =	vld [tilespmem:s7+$0xCB80]  }
0x2b9: {  	v41 =	vld [tilespmem:s7+$0xB310]  }
0x2ba: {  	v42 =	vld [tilespmem:s7+$0xB390]  }
0x2bb: {  	v43 =	vld [tilespmem:s7+$0xC810]  }
0x2bc: {  	v44 =	vld [tilespmem:s7+$0xC890]  }
0x2bd: {  	v45 =	vld [tilespmem:s7+$0xC910]  }
0x2be: {  	v46 =	vld [tilespmem:s7+$0xC990]  }
0x2bf: {  	v47 =	vld [tilespmem:s7+$0xCA10]  }
0x2c0: {  	v48 =	vld [tilespmem:s7+$0xCA90]  }
0x2c1: {  	v49 =	vld [tilespmem:s7+$0xCB10]  }
0x2c2: {  	v50 =	vld [tilespmem:s7+$0xCB90]  }
0x2c3: {  	v51 =	vld [tilespmem:s7+$0xB320]  }
0x2c4: {  	v52 =	vld [tilespmem:s7+$0xB3A0]  }
0x2c5: {  	v53 =	vld [tilespmem:s7+$0xC820]  }
0x2c6: {  	v54 =	vld [tilespmem:s7+$0xC8A0]  }
0x2c7: {  	v55 =	vld [tilespmem:s7+$0xC920]  }
0x2c8: {  	v56 =	vld [tilespmem:s7+$0xC9A0]  }
0x2c9: {  	v57 =	vld [tilespmem:s7+$0xCA20]  }
0x2ca: {  	v58 =	vld [tilespmem:s7+$0xCAA0]  }
0x2cb: {  	v59 =	vld [tilespmem:s7+$0xCB20]  }
0x2cc: {  	v60 =	vld [tilespmem:s7+$0xCBA0]  }
0x2cd: {  	v61 =	vld [tilespmem:s7+$0xB330]  }
0x2ce: {  	v62 =	vld [tilespmem:s7+$0xB3B0]  }
0x2cf: {  	v63 =	vld [tilespmem:s7+$0xC830]  }
0x2d0: {  	v18 =	vld [tilespmem:s7+$0xC8B0]  }
0x2d1: {  	v19 =	vld [tilespmem:s7+$0xC930]  }
0x2d2: {  	v20 =	vld [tilespmem:s7+$0xC9B0]  }
0x2d3: {  	v21 =	vld [tilespmem:s7+$0xCA30]  }
0x2d4: {  	v22 =	vld [tilespmem:s7+$0xCAB0]  }
0x2d5: {  	v23 =	vld [tilespmem:s7+$0xCB30]  }
0x2d6: {  	v24 =	vld [tilespmem:s7+$0xCBB0]  }
0x2d7: {  	v25 =	vld [tilespmem:s7+$0xB340]  }
0x2d8: {  	v26 =	vld [tilespmem:s7+$0xB3C0]  }
0x2d9: {  	v27 =	vld [tilespmem:s7+$0xC840]  }
0x2da: {  	v28 =	vld [tilespmem:s7+$0xC8C0]  }
0x2db: {  	v29 =	vld [tilespmem:s7+$0xC940]  }
0x2dc: {  	v30 =	vld [tilespmem:s7+$0xC9C0]  }
0x2dd: {  	v31 =	vld [tilespmem:s7+$0xCA40]  }
0x2de: {  	v32 =	vld [tilespmem:s7+$0xCAC0]  }
0x2df: {  	v33 =	vld [tilespmem:s7+$0xCB40]  }
0x2e0: {  	v34 =	vld [tilespmem:s7+$0xCBC0]  }
0x2e1: {  	v35 =	vld [tilespmem:s7+$0xB350]  }
0x2e2: {  	v36 =	vld [tilespmem:s7+$0xB3D0]  }
0x2e3: {  	v37 =	vld [tilespmem:s7+$0xC850]  }
0x2e4: {  	v38 =	vld [tilespmem:s7+$0xC8D0]  }
0x2e5: {  	v39 =	vld [tilespmem:s7+$0xC950]  }
0x2e6: {  	v40 =	vld [tilespmem:s7+$0xC9D0]  }
0x2e7: {  	[tilespmem:s7+$0x18BF0] =	vst.add.f32.msk $0xffff, v0  }
0x2e8: {  	v0 =	vld [tilespmem:s7+$0xB200]  }
0x2e9: {  	[tilespmem:s7+$0x17000] =	vst.add.f32.msk $0xffff, v1  }
0x2ea: {  	v1 =	vld [tilespmem:s7+$0xB010]  }
0x2eb: {  	[tilespmem:s7+$0x17080] =	vst.add.f32.msk $0xffff, v2  }
0x2ec: {  	v2 =	vld [tilespmem:s7+$0xB090]  }
0x2ed: {  	[tilespmem:s7+$0x17100] =	vst.add.f32.msk $0xffff, v3  }
0x2ee: {  	v3 =	vld [tilespmem:s7+$0xB110]  }
0x2ef: {  	[tilespmem:s7+$0x17180] =	vst.add.f32.msk $0xffff, v4  }
0x2f0: {  	v4 =	vld [tilespmem:s7+$0xB190]  }
0x2f1: {  	[tilespmem:s7+$0x17280] =	vst.add.f32.msk $0xffff, v5  }
0x2f2: {  	v5 =	vld [tilespmem:s7+$0xB290]  }
0x2f3: {  	[tilespmem:s7+$0x17300] =	vst.add.f32.msk $0xffff, v6  }
0x2f4: {  	[tilespmem:s7+$0x17380] =	vst.add.f32.msk $0xffff, v7  }
0x2f5: {  	[tilespmem:s7+$0x18800] =	vst.add.f32.msk $0xffff, v8  }
0x2f6: {  	[tilespmem:s7+$0x18880] =	vst.add.f32.msk $0xffff, v9  }
0x2f7: {  	[tilespmem:s7+$0x18900] =	vst.add.f32.msk $0xffff, v10  }
0x2f8: {  	[tilespmem:s7+$0x18980] =	vst.add.f32.msk $0xffff, v11  }
0x2f9: {  	[tilespmem:s7+$0x18A00] =	vst.add.f32.msk $0xffff, v12  }
0x2fa: {  	[tilespmem:s7+$0x18A80] =	vst.add.f32.msk $0xffff, v13  }
0x2fb: {  	[tilespmem:s7+$0x18B00] =	vst.add.f32.msk $0xffff, v14  }
0x2fc: {  	[tilespmem:s7+$0x18B80] =	vst.add.f32.msk $0xffff, v15  }
0x2fd: {  	[tilespmem:s7+$0x17310] =	vst.add.f32.msk $0xffff, v41  }
0x2fe: {  	[tilespmem:s7+$0x17390] =	vst.add.f32.msk $0xffff, v42  }
0x2ff: {  	[tilespmem:s7+$0x18810] =	vst.add.f32.msk $0xffff, v43  }
0x300: {  	[tilespmem:s7+$0x18890] =	vst.add.f32.msk $0xffff, v44  }
0x301: {  	[tilespmem:s7+$0x18910] =	vst.add.f32.msk $0xffff, v45  }
0x302: {  	[tilespmem:s7+$0x18990] =	vst.add.f32.msk $0xffff, v46  }
0x303: {  	[tilespmem:s7+$0x18A10] =	vst.add.f32.msk $0xffff, v47  }
0x304: {  	[tilespmem:s7+$0x18A90] =	vst.add.f32.msk $0xffff, v48  }
0x305: {  	[tilespmem:s7+$0x18B10] =	vst.add.f32.msk $0xffff, v49  }
0x306: {  	[tilespmem:s7+$0x18B90] =	vst.add.f32.msk $0xffff, v50  }
0x307: {  	[tilespmem:s7+$0x17320] =	vst.add.f32.msk $0xffff, v51  }
0x308: {  	[tilespmem:s7+$0x173A0] =	vst.add.f32.msk $0xffff, v52  }
0x309: {  	[tilespmem:s7+$0x18820] =	vst.add.f32.msk $0xffff, v53  }
0x30a: {  	[tilespmem:s7+$0x188A0] =	vst.add.f32.msk $0xffff, v54  }
0x30b: {  	[tilespmem:s7+$0x18920] =	vst.add.f32.msk $0xffff, v55  }
0x30c: {  	[tilespmem:s7+$0x189A0] =	vst.add.f32.msk $0xffff, v56  }
0x30d: {  	[tilespmem:s7+$0x18A20] =	vst.add.f32.msk $0xffff, v57  }
0x30e: {  	[tilespmem:s7+$0x18AA0] =	vst.add.f32.msk $0xffff, v58  }
0x30f: {  	[tilespmem:s7+$0x18B20] =	vst.add.f32.msk $0xffff, v59  }
0x310: {  	[tilespmem:s7+$0x18BA0] =	vst.add.f32.msk $0xffff, v60  }
0x311: {  	[tilespmem:s7+$0x17330] =	vst.add.f32.msk $0xffff, v61  }
0x312: {  	[tilespmem:s7+$0x173B0] =	vst.add.f32.msk $0xffff, v62  }
0x313: {  	[tilespmem:s7+$0x18830] =	vst.add.f32.msk $0xffff, v63  }
0x314: {  	[tilespmem:s7+$0x188B0] =	vst.add.f32.msk $0xffff, v18  }
0x315: {  	[tilespmem:s7+$0x18930] =	vst.add.f32.msk $0xffff, v19  }
0x316: {  	[tilespmem:s7+$0x189B0] =	vst.add.f32.msk $0xffff, v20  }
0x317: {  	[tilespmem:s7+$0x18A30] =	vst.add.f32.msk $0xffff, v21  }
0x318: {  	[tilespmem:s7+$0x18AB0] =	vst.add.f32.msk $0xffff, v22  }
0x319: {  	[tilespmem:s7+$0x18B30] =	vst.add.f32.msk $0xffff, v23  }
0x31a: {  	[tilespmem:s7+$0x18BB0] =	vst.add.f32.msk $0xffff, v24  }
0x31b: {  	[tilespmem:s7+$0x17340] =	vst.add.f32.msk $0xffff, v25  }
0x31c: {  	[tilespmem:s7+$0x173C0] =	vst.add.f32.msk $0xffff, v26  }
0x31d: {  	[tilespmem:s7+$0x18840] =	vst.add.f32.msk $0xffff, v27  }
0x31e: {  	[tilespmem:s7+$0x188C0] =	vst.add.f32.msk $0xffff, v28  }
0x31f: {  	[tilespmem:s7+$0x18940] =	vst.add.f32.msk $0xffff, v29  }
0x320: {  	[tilespmem:s7+$0x189C0] =	vst.add.f32.msk $0xffff, v30  }
0x321: {  	[tilespmem:s7+$0x18A40] =	vst.add.f32.msk $0xffff, v31  }
0x322: {  	v41 =	vld [tilespmem:s7+$0xCA50]  }
0x323: {  	[tilespmem:s7+$0x18AC0] =	vst.add.f32.msk $0xffff, v32  }
0x324: {  	v42 =	vld [tilespmem:s7+$0xCAD0]  }
0x325: {  	[tilespmem:s7+$0x18B40] =	vst.add.f32.msk $0xffff, v33  }
0x326: {  	v43 =	vld [tilespmem:s7+$0xCB50]  }
0x327: {  	[tilespmem:s7+$0x18BC0] =	vst.add.f32.msk $0xffff, v34  }
0x328: {  	v44 =	vld [tilespmem:s7+$0xCBD0]  }
0x329: {  	[tilespmem:s7+$0x17350] =	vst.add.f32.msk $0xffff, v35  }
0x32a: {  	v45 =	vld [tilespmem:s7+$0xB360]  }
0x32b: {  	[tilespmem:s7+$0x173D0] =	vst.add.f32.msk $0xffff, v36  }
0x32c: {  	v46 =	vld [tilespmem:s7+$0xB3E0]  }
0x32d: {  	[tilespmem:s7+$0x18850] =	vst.add.f32.msk $0xffff, v37  }
0x32e: {  	v47 =	vld [tilespmem:s7+$0xC860]  }
0x32f: {  	[tilespmem:s7+$0x188D0] =	vst.add.f32.msk $0xffff, v38  }
0x330: {  	v48 =	vld [tilespmem:s7+$0xC8E0]  }
0x331: {  	[tilespmem:s7+$0x18950] =	vst.add.f32.msk $0xffff, v39  }
0x332: {  	v49 =	vld [tilespmem:s7+$0xC960]  }
0x333: {  	[tilespmem:s7+$0x189D0] =	vst.add.f32.msk $0xffff, v40  }
0x334: {  	v50 =	vld [tilespmem:s7+$0xC9E0]  }
0x335: {  	v51 =	vld [tilespmem:s7+$0xCA60]  }
0x336: {  	v52 =	vld [tilespmem:s7+$0xCAE0]  }
0x337: {  	v53 =	vld [tilespmem:s7+$0xCB60]  }
0x338: {  	v54 =	vld [tilespmem:s7+$0xCBE0]  }
0x339: {  	v55 =	vld [tilespmem:s7+$0xB2F0]  }
0x33a: {  	v56 =	vld [tilespmem:s7+$0xB370]  }
0x33b: {  	v57 =	vld [tilespmem:s7+$0xB3F0]  }
0x33c: {  	v58 =	vld [tilespmem:s7+$0xC870]  }
0x33d: {  	v59 =	vld [tilespmem:s7+$0xC8F0]  }
0x33e: {  	v60 =	vld [tilespmem:s7+$0xC970]  }
0x33f: {  	v61 =	vld [tilespmem:s7+$0xC9F0]  }
0x340: {  	v62 =	vld [tilespmem:s7+$0xCA70]  }
0x341: {  	v63 =	vld [tilespmem:s7+$0xCAF0]  }
0x342: {  	[tilespmem:s7+$0x17200] =	vst.add.f32.msk $0xffff, v0  }
0x343: {  	v0 =	vld [tilespmem:s7+$0xB210]  }
0x344: {  	[tilespmem:s7+$0x17010] =	vst.add.f32.msk $0xffff, v1  }
0x345: {  	v1 =	vld [tilespmem:s7+$0xB020]  }
0x346: {  	[tilespmem:s7+$0x17090] =	vst.add.f32.msk $0xffff, v2  }
0x347: {  	v2 =	vld [tilespmem:s7+$0xB0A0]  }
0x348: {  	[tilespmem:s7+$0x17110] =	vst.add.f32.msk $0xffff, v3  }
0x349: {  	v3 =	vld [tilespmem:s7+$0xB120]  }
0x34a: {  	[tilespmem:s7+$0x17190] =	vst.add.f32.msk $0xffff, v4  }
0x34b: {  	v4 =	vld [tilespmem:s7+$0xB1A0]  }
0x34c: {  	[tilespmem:s7+$0x17290] =	vst.add.f32.msk $0xffff, v5  }
0x34d: {  	v5 =	vld [tilespmem:s7+$0xB2A0]  }
0x34e: {  	[tilespmem:s7+$0x18A50] =	vst.add.f32.msk $0xffff, v41  }
0x34f: {  	[tilespmem:s7+$0x18AD0] =	vst.add.f32.msk $0xffff, v42  }
0x350: {  	[tilespmem:s7+$0x18B50] =	vst.add.f32.msk $0xffff, v43  }
0x351: {  	[tilespmem:s7+$0x18BD0] =	vst.add.f32.msk $0xffff, v44  }
0x352: {  	[tilespmem:s7+$0x17360] =	vst.add.f32.msk $0xffff, v45  }
0x353: {  	[tilespmem:s7+$0x173E0] =	vst.add.f32.msk $0xffff, v46  }
0x354: {  	[tilespmem:s7+$0x18860] =	vst.add.f32.msk $0xffff, v47  }
0x355: {  	[tilespmem:s7+$0x188E0] =	vst.add.f32.msk $0xffff, v48  }
0x356: {  	[tilespmem:s7+$0x18960] =	vst.add.f32.msk $0xffff, v49  }
0x357: {  	[tilespmem:s7+$0x189E0] =	vst.add.f32.msk $0xffff, v50  }
0x358: {  	[tilespmem:s7+$0x18A60] =	vst.add.f32.msk $0xffff, v51  }
0x359: {  	[tilespmem:s7+$0x18AE0] =	vst.add.f32.msk $0xffff, v52  }
0x35a: {  	[tilespmem:s7+$0x18B60] =	vst.add.f32.msk $0xffff, v53  }
0x35b: {  	[tilespmem:s7+$0x18BE0] =	vst.add.f32.msk $0xffff, v54  }
0x35c: {  	[tilespmem:s7+$0x172F0] =	vst.add.f32.msk $0xffff, v55  }
0x35d: {  	[tilespmem:s7+$0x17370] =	vst.add.f32.msk $0xffff, v56  }
0x35e: {  	[tilespmem:s7+$0x173F0] =	vst.add.f32.msk $0xffff, v57  }
0x35f: {  	[tilespmem:s7+$0x18870] =	vst.add.f32.msk $0xffff, v58  }
0x360: {  	[tilespmem:s7+$0x188F0] =	vst.add.f32.msk $0xffff, v59  }
0x361: {  	[tilespmem:s7+$0x18970] =	vst.add.f32.msk $0xffff, v60  }
0x362: {  	[tilespmem:s7+$0x189F0] =	vst.add.f32.msk $0xffff, v61  }
0x363: {  	[tilespmem:s7+$0x18A70] =	vst.add.f32.msk $0xffff, v62  }
0x364: {  	[tilespmem:s7+$0x18AF0] =	vst.add.f32.msk $0xffff, v63  }
0x365: {  	[tilespmem:s7+$0x17210] =	vst.add.f32.msk $0xffff, v0  }
0x366: {  	v0 =	vld [tilespmem:s7+$0xB220]  }
0x367: {  	[tilespmem:s7+$0x17020] =	vst.add.f32.msk $0xffff, v1  }
0x368: {  	v1 =	vld [tilespmem:s7+$0xB030]  }
0x369: {  	[tilespmem:s7+$0x170A0] =	vst.add.f32.msk $0xffff, v2  }
0x36a: {  	v2 =	vld [tilespmem:s7+$0xB0B0]  }
0x36b: {  	[tilespmem:s7+$0x17120] =	vst.add.f32.msk $0xffff, v3  }
0x36c: {  	v3 =	vld [tilespmem:s7+$0xB130]  }
0x36d: {  	[tilespmem:s7+$0x171A0] =	vst.add.f32.msk $0xffff, v4  }
0x36e: {  	v4 =	vld [tilespmem:s7+$0xB1B0]  }
0x36f: {  	[tilespmem:s7+$0x172A0] =	vst.add.f32.msk $0xffff, v5  }
0x370: {  	v5 =	vld [tilespmem:s7+$0xB2B0]  }
0x371: {  	[tilespmem:s7+$0x17220] =	vst.add.f32.msk $0xffff, v0  }
0x372: {  	v0 =	vld [tilespmem:s7+$0xB230]  }
0x373: {  	[tilespmem:s7+$0x17030] =	vst.add.f32.msk $0xffff, v1  }
0x374: {  	v1 =	vld [tilespmem:s7+$0xB040]  }
0x375: {  	[tilespmem:s7+$0x170B0] =	vst.add.f32.msk $0xffff, v2  }
0x376: {  	v2 =	vld [tilespmem:s7+$0xB0C0]  }
0x377: {  	[tilespmem:s7+$0x17130] =	vst.add.f32.msk $0xffff, v3  }
0x378: {  	v3 =	vld [tilespmem:s7+$0xB140]  }
0x379: {  	[tilespmem:s7+$0x171B0] =	vst.add.f32.msk $0xffff, v4  }
0x37a: {  	v4 =	vld [tilespmem:s7+$0xB1C0]  }
0x37b: {  	[tilespmem:s7+$0x172B0] =	vst.add.f32.msk $0xffff, v5  }
0x37c: {  	v5 =	vld [tilespmem:s7+$0xB2C0]  }
0x37d: {  	[tilespmem:s7+$0x17230] =	vst.add.f32.msk $0xffff, v0  }
0x37e: {  	v0 =	vld [tilespmem:s7+$0xB240]  }
0x37f: {  	[tilespmem:s7+$0x17040] =	vst.add.f32.msk $0xffff, v1  }
0x380: {  	v1 =	vld [tilespmem:s7+$0xB050]  }
0x381: {  	[tilespmem:s7+$0x170C0] =	vst.add.f32.msk $0xffff, v2  }
0x382: {  	v2 =	vld [tilespmem:s7+$0xB0D0]  }
0x383: {  	[tilespmem:s7+$0x17140] =	vst.add.f32.msk $0xffff, v3  }
0x384: {  	v3 =	vld [tilespmem:s7+$0xB150]  }
0x385: {  	[tilespmem:s7+$0x171C0] =	vst.add.f32.msk $0xffff, v4  }
0x386: {  	v4 =	vld [tilespmem:s7+$0xB1D0]  }
0x387: {  	[tilespmem:s7+$0x172C0] =	vst.add.f32.msk $0xffff, v5  }
0x388: {  	v5 =	vld [tilespmem:s7+$0xB2D0]  }
0x389: {  	[tilespmem:s7+$0x17240] =	vst.add.f32.msk $0xffff, v0  }
0x38a: {  	v0 =	vld [tilespmem:s7+$0xB250]  }
0x38b: {  	[tilespmem:s7+$0x17050] =	vst.add.f32.msk $0xffff, v1  }
0x38c: {  	v1 =	vld [tilespmem:s7+$0xB060]  }
0x38d: {  	[tilespmem:s7+$0x170D0] =	vst.add.f32.msk $0xffff, v2  }
0x38e: {  	v2 =	vld [tilespmem:s7+$0xB0E0]  }
0x38f: {  	[tilespmem:s7+$0x17150] =	vst.add.f32.msk $0xffff, v3  }
0x390: {  	v3 =	vld [tilespmem:s7+$0xB160]  }
0x391: {  	[tilespmem:s7+$0x171D0] =	vst.add.f32.msk $0xffff, v4  }
0x392: {  	v4 =	vld [tilespmem:s7+$0xB1E0]  }
0x393: {  	[tilespmem:s7+$0x172D0] =	vst.add.f32.msk $0xffff, v5  }
0x394: {  	v5 =	vld [tilespmem:s7+$0xB2E0]  }
0x395: {  	[tilespmem:s7+$0x17250] =	vst.add.f32.msk $0xffff, v0  }
0x396: {  	v0 =	vld [tilespmem:s7+$0xB260]  }
0x397: {  	[tilespmem:s7+$0x17060] =	vst.add.f32.msk $0xffff, v1  }
0x398: {  	[tilespmem:s7+$0x170E0] =	vst.add.f32.msk $0xffff, v2  }
0x399: {  	v1 =	vld [tilespmem:s7+$0xB070]  }
0x39a: {  	[tilespmem:s7+$0x17160] =	vst.add.f32.msk $0xffff, v3  }
0x39b: {  	v2 =	vld [tilespmem:s7+$0xB0F0]  }
0x39c: {  	[tilespmem:s7+$0x171E0] =	vst.add.f32.msk $0xffff, v4  }
0x39d: {  	v4 =	vld [tilespmem:s7+$0xB170]  }
0x39e: {  	[tilespmem:s7+$0x172E0] =	vst.add.f32.msk $0xffff, v5  }
0x39f: {  	v5 =	vld [tilespmem:s7+$0xB270]  }
0x3a0: {  	v3 =	vld [tilespmem:s7+$0xCB70]  }
0x3a1: {  	[tilespmem:s7+$0x17260] =	vst.add.f32.msk $0xffff, v0  }
0x3a2: {  	v0 =	vld [tilespmem:s7+$0xB1F0]  }
0x3a3: {  	[tilespmem:s7+$0x17070] =	vst.add.f32.msk $0xffff, v1  }
0x3a4: {  	[tilespmem:s7+$0x170F0] =	vst.add.f32.msk $0xffff, v2  }
0x3a5: {  	[tilespmem:s7+$0x17170] =	vst.add.f32.msk $0xffff, v4  }
0x3a6: {  	[tilespmem:s7+$0x17270] =	vst.add.f32.msk $0xffff, v5  }
0x3a7: {  	s10 =	simm.s32 $0x8;
	[tilespmem:s7+$0x171F0] =	vst.add.f32.msk $0xffff, v0  }
.LBB2_8:
0x3a8: {  	[tilespmem:s7+$0x18B70] =	vst.add.f32.msk $0xffff, v3;
	s7 =	sshll.u32 s10, $0x7  }
0x3a9: {  	v0 =	vld [tilespmem:s7+$0xCBF0];
	_ =	sdelay $0x4  }
0x3aa: {  	[tilespmem:s7+$0x18BF0] =	vst.add.f32.msk $0xffff, v0  }
0x3ab: {  	v0 =	vld [tilespmem:s7+$0xB200];
	_ =	sdelay $0x4  }
0x3ac: {  	[tilespmem:$0x1F7E0] =	vst v0;
	v0 =	vld [tilespmem:s7+$0xB1C0];
	_ =	sdelay $0x4  }
0x3ad: {  	[tilespmem:$0x1F7F0] =	vst v0;
	v0 =	vld [tilespmem:s7+$0xB240];
	_ =	sdelay $0x4  }
0x3ae: {  	[tilespmem:$0x1F800] =	vst v0;
	v0 =	vld [tilespmem:s7+$0xB2C0];
	_ =	sdelay $0x4  }
0x3af: {  	[tilespmem:$0x1F810] =	vst v0;
	v0 =	vld [tilespmem:s7+$0xB340];
	_ =	sdelay $0x4  }
0x3b0: {  	[tilespmem:$0x1F820] =	vst v0;
	v0 =	vld [tilespmem:s7+$0xB3C0];
	_ =	sdelay $0x4  }
0x3b1: {  	[tilespmem:$0x1F830] =	vst v0;
	v0 =	vld [tilespmem:s7+$0xC840];
	_ =	sdelay $0x4  }
0x3b2: {  	[tilespmem:$0x1F840] =	vst v0;
	v0 =	vld [tilespmem:s7+$0xC8C0];
	_ =	sdelay $0x4  }
0x3b3: {  	[tilespmem:$0x1F850] =	vst v0;
	v0 =	vld [tilespmem:s7+$0xC940];
	_ =	sdelay $0x4  }
0x3b4: {  	[tilespmem:$0x1F860] =	vst v0;
	v0 =	vld [tilespmem:s7+$0xC9C0];
	_ =	sdelay $0x4  }
0x3b5: {  	[tilespmem:$0x1F870] =	vst v0;
	v0 =	vld [tilespmem:s7+$0xCA40];
	_ =	sdelay $0x4  }
0x3b6: {  	[tilespmem:$0x1F880] =	vst v0;
	v0 =	vld [tilespmem:s7+$0xCAC0];
	_ =	sdelay $0x4  }
0x3b7: {  	[tilespmem:$0x1F890] =	vst v0;
	v0 =	vld [tilespmem:s7+$0xCB40];
	_ =	sdelay $0x4  }
0x3b8: {  	[tilespmem:$0x1F8A0] =	vst v0;
	v0 =	vld [tilespmem:s7+$0xCBC0];
	_ =	sdelay $0x4  }
0x3b9: {  	[tilespmem:$0x1F8B0] =	vst v0;
	v0 =	vld [tilespmem:s7+$0xB050];
	_ =	sdelay $0x4  }
0x3ba: {  	[tilespmem:$0x1F8C0] =	vst v0;
	v0 =	vld [tilespmem:s7+$0xB0D0];
	_ =	sdelay $0x4  }
0x3bb: {  	[tilespmem:$0x1F8D0] =	vst v0;
	v0 =	vld [tilespmem:s7+$0xB150];
	_ =	sdelay $0x4  }
0x3bc: {  	[tilespmem:$0x1F8E0] =	vst v0;
	v0 =	vld [tilespmem:s7+$0xB1D0];
	_ =	sdelay $0x4  }
0x3bd: {  	[tilespmem:$0x1F8F0] =	vst v0;
	v0 =	vld [tilespmem:s7+$0xB250];
	_ =	sdelay $0x4  }
0x3be: {  	[tilespmem:$0x1F900] =	vst v0;
	v0 =	vld [tilespmem:s7+$0xB2D0];
	_ =	sdelay $0x4  }
0x3bf: {  	[tilespmem:$0x1F910] =	vst v0;
	v0 =	vld [tilespmem:s7+$0xB350];
	_ =	sdelay $0x4  }
0x3c0: {  	[tilespmem:$0x1F920] =	vst v0;
	v0 =	vld [tilespmem:s7+$0xB3D0];
	_ =	sdelay $0x4  }
0x3c1: {  	[tilespmem:$0x1F930] =	vst v0;
	v0 =	vld [tilespmem:s7+$0xC850];
	_ =	sdelay $0x4  }
0x3c2: {  	[tilespmem:$0x1F940] =	vst v0;
	v0 =	vld [tilespmem:s7+$0xC8D0];
	_ =	sdelay $0x4  }
0x3c3: {  	[tilespmem:$0x1F950] =	vst v0;
	v0 =	vld [tilespmem:s7+$0xC950];
	_ =	sdelay $0x4  }
0x3c4: {  	[tilespmem:$0x1F960] =	vst v0;
	v0 =	vld [tilespmem:s7+$0xC9D0];
	_ =	sdelay $0x4  }
0x3c5: {  	[tilespmem:$0x1F970] =	vst v0;
	v0 =	vld [tilespmem:s7+$0xCA50];
	_ =	sdelay $0x4  }
0x3c6: {  	[tilespmem:$0x1F980] =	vst v0;
	v0 =	vld [tilespmem:s7+$0xCAD0];
	_ =	sdelay $0x4  }
0x3c7: {  	[tilespmem:$0x1F990] =	vst v0;
	v0 =	vld [tilespmem:s7+$0xCB50];
	_ =	sdelay $0x4  }
0x3c8: {  	[tilespmem:$0x1F9A0] =	vst v0;
	v0 =	vld [tilespmem:s7+$0xCBD0];
	_ =	sdelay $0x4  }
0x3c9: {  	[tilespmem:$0x1F9B0] =	vst v0;
	v0 =	vld [tilespmem:s7+$0xB060];
	_ =	sdelay $0x4  }
0x3ca: {  	[tilespmem:$0x1F9C0] =	vst v0;
	v0 =	vld [tilespmem:s7+$0xB0E0];
	_ =	sdelay $0x4  }
0x3cb: {  	[tilespmem:$0x1F9D0] =	vst v0;
	v0 =	vld [tilespmem:s7+$0xB160];
	_ =	sdelay $0x4  }
0x3cc: {  	[tilespmem:$0x1F9E0] =	vst v0;
	v0 =	vld [tilespmem:s7+$0xB1E0];
	_ =	sdelay $0x4  }
0x3cd: {  	[tilespmem:$0x1F9F0] =	vst v0;
	v0 =	vld [tilespmem:s7+$0xB260];
	_ =	sdelay $0x4  }
0x3ce: {  	[tilespmem:$0x1FA00] =	vst v0;
	v0 =	vld [tilespmem:s7+$0xB2E0];
	_ =	sdelay $0x4  }
0x3cf: {  	[tilespmem:$0x1FA10] =	vst v0;
	v0 =	vld [tilespmem:s7+$0xB360];
	_ =	sdelay $0x4  }
0x3d0: {  	[tilespmem:$0x1FA20] =	vst v0;
	v0 =	vld [tilespmem:s7+$0xB3E0];
	_ =	sdelay $0x4  }
0x3d1: {  	[tilespmem:$0x1FA30] =	vst v0;
	v0 =	vld [tilespmem:s7+$0xC860];
	_ =	sdelay $0x4  }
0x3d2: {  	[tilespmem:$0x1FA40] =	vst v0;
	v0 =	vld [tilespmem:s7+$0xC8E0];
	_ =	sdelay $0x4  }
0x3d3: {  	[tilespmem:$0x1FA50] =	vst v0;
	v0 =	vld [tilespmem:s7+$0xC960];
	_ =	sdelay $0x4  }
0x3d4: {  	[tilespmem:$0x1FA60] =	vst v0;
	v0 =	vld [tilespmem:s7+$0xC9E0];
	_ =	sdelay $0x4  }
0x3d5: {  	[tilespmem:$0x1FA70] =	vst v0;
	v0 =	vld [tilespmem:s7+$0xCA60];
	_ =	sdelay $0x4  }
0x3d6: {  	[tilespmem:$0x1FA80] =	vst v0;
	v0 =	vld [tilespmem:s7+$0xCAE0];
	_ =	sdelay $0x4  }
0x3d7: {  	[tilespmem:$0x1FA90] =	vst v0;
	v0 =	vld [tilespmem:s7+$0xCB60];
	_ =	sdelay $0x4  }
0x3d8: {  	[tilespmem:$0x1FAA0] =	vst v0;
	v0 =	vld [tilespmem:s7+$0xCBE0];
	_ =	sdelay $0x4  }
0x3d9: {  	[tilespmem:$0x1FAB0] =	vst v0;
	v0 =	vld [tilespmem:s7+$0xB070];
	_ =	sdelay $0x4  }
0x3da: {  	[tilespmem:$0x1FAC0] =	vst v0;
	v0 =	vld [tilespmem:s7+$0xB0F0];
	_ =	sdelay $0x4  }
0x3db: {  	[tilespmem:$0x1FAD0] =	vst v0;
	v0 =	vld [tilespmem:s7+$0xB170];
	_ =	sdelay $0x4  }
0x3dc: {  	[tilespmem:$0x1FAE0] =	vst v0;
	v0 =	vld [tilespmem:s7+$0xB1F0];
	_ =	sdelay $0x4  }
0x3dd: {  	[tilespmem:$0x1FAF0] =	vst v0;
	v0 =	vld [tilespmem:s7+$0xB270];
	_ =	sdelay $0x4  }
0x3de: {  	[tilespmem:$0x1FB00] =	vst v0;
	v0 =	vld [tilespmem:s7+$0xB2F0];
	_ =	sdelay $0x4  }
0x3df: {  	[tilespmem:$0x1FB10] =	vst v0;
	v0 =	vld [tilespmem:s7+$0xB370];
	_ =	sdelay $0x4  }
0x3e0: {  	[tilespmem:$0x1FB20] =	vst v0;
	v0 =	vld [tilespmem:s7+$0xB3F0];
	_ =	sdelay $0x4  }
0x3e1: {  	[tilespmem:$0x1FB30] =	vst v0;
	v0 =	vld [tilespmem:s7+$0xC870];
	_ =	sdelay $0x4  }
0x3e2: {  	[tilespmem:$0x1FB40] =	vst v0;
	v0 =	vld [tilespmem:s7+$0xC8F0];
	_ =	sdelay $0x4  }
0x3e3: {  	[tilespmem:$0x1FB50] =	vst v0;
	v0 =	vld [tilespmem:s7+$0xC970];
	_ =	sdelay $0x4  }
0x3e4: {  	[tilespmem:$0x1FB60] =	vst v0;
	v0 =	vld [tilespmem:s7+$0xC9F0];
	_ =	sdelay $0x4  }
0x3e5: {  	[tilespmem:$0x1FB70] =	vst v0;
	v0 =	vld [tilespmem:s7+$0xCA70];
	_ =	sdelay $0x3  }
0x3e6: {  	v1 =	vld [tilespmem:s7+$0xB000]  }
0x3e7: {  	[tilespmem:$0x1FB80] =	vst v0;
	v0 =	vld [tilespmem:s7+$0xCAF0];
	_ =	sdelay $0x3  }
0x3e8: {  	[tilespmem:$0x1F7A0] =	vst v1;
	v1 =	vld [tilespmem:s7+$0xB080]  }
0x3e9: {  	[tilespmem:$0x1FB90] =	vst v0;
	v0 =	vld [tilespmem:$0x1F7A0];
	_ =	sdelay $0x3  }
0x3ea: {  	[tilespmem:$0x1F7B0] =	vst v1;
	v1 =	vld [tilespmem:s7+$0xB100]  }
0x3eb: {  	[tilespmem:s7+$0x17000] =	vst.add.f32.msk $0xffff, v0  }
0x3ec: {  	v0 =	vld [tilespmem:$0x1F7B0];
	_ =	sdelay $0x3  }
0x3ed: {  	[tilespmem:$0x1F7C0] =	vst v1;
	v1 =	vld [tilespmem:s7+$0xB180]  }
0x3ee: {  	[tilespmem:s7+$0x17080] =	vst.add.f32.msk $0xffff, v0  }
0x3ef: {  	v0 =	vld [tilespmem:$0x1F7C0];
	_ =	sdelay $0x3  }
0x3f0: {  	[tilespmem:$0x1F7D0] =	vst v1  }
0x3f1: {  	[tilespmem:s7+$0x17100] =	vst.add.f32.msk $0xffff, v0  }
0x3f2: {  	v0 =	vld [tilespmem:$0x1F7D0];
	_ =	sdelay $0x4  }
0x3f3: {  	[tilespmem:s7+$0x17180] =	vst.add.f32.msk $0xffff, v0  }
0x3f4: {  	v0 =	vld [tilespmem:$0x1F7E0];
	_ =	sdelay $0x4  }
0x3f5: {  	[tilespmem:s7+$0x17200] =	vst.add.f32.msk $0xffff, v0  }
0x3f6: {  	v0 =	vld [tilespmem:$0x1F7F0];
	_ =	sdelay $0x4  }
0x3f7: {  	[tilespmem:s7+$0x171C0] =	vst.add.f32.msk $0xffff, v0  }
0x3f8: {  	v0 =	vld [tilespmem:$0x1F800];
	_ =	sdelay $0x4  }
0x3f9: {  	[tilespmem:s7+$0x17240] =	vst.add.f32.msk $0xffff, v0  }
0x3fa: {  	v0 =	vld [tilespmem:$0x1F810];
	_ =	sdelay $0x4  }
0x3fb: {  	[tilespmem:s7+$0x172C0] =	vst.add.f32.msk $0xffff, v0  }
0x3fc: {  	v0 =	vld [tilespmem:$0x1F820];
	_ =	sdelay $0x4  }
0x3fd: {  	[tilespmem:s7+$0x17340] =	vst.add.f32.msk $0xffff, v0  }
0x3fe: {  	v0 =	vld [tilespmem:$0x1F830];
	_ =	sdelay $0x4  }
0x3ff: {  	[tilespmem:s7+$0x173C0] =	vst.add.f32.msk $0xffff, v0  }
0x400: {  	v0 =	vld [tilespmem:$0x1F840];
	_ =	sdelay $0x4  }
0x401: {  	[tilespmem:s7+$0x18840] =	vst.add.f32.msk $0xffff, v0  }
0x402: {  	v0 =	vld [tilespmem:$0x1F850];
	_ =	sdelay $0x4  }
0x403: {  	[tilespmem:s7+$0x188C0] =	vst.add.f32.msk $0xffff, v0  }
0x404: {  	v0 =	vld [tilespmem:$0x1F860];
	_ =	sdelay $0x4  }
0x405: {  	[tilespmem:s7+$0x18940] =	vst.add.f32.msk $0xffff, v0  }
0x406: {  	v0 =	vld [tilespmem:$0x1F870];
	_ =	sdelay $0x4  }
0x407: {  	[tilespmem:s7+$0x189C0] =	vst.add.f32.msk $0xffff, v0  }
0x408: {  	v0 =	vld [tilespmem:$0x1F880];
	_ =	sdelay $0x4  }
0x409: {  	[tilespmem:s7+$0x18A40] =	vst.add.f32.msk $0xffff, v0  }
0x40a: {  	v0 =	vld [tilespmem:$0x1F890];
	_ =	sdelay $0x4  }
0x40b: {  	[tilespmem:s7+$0x18AC0] =	vst.add.f32.msk $0xffff, v0  }
0x40c: {  	v0 =	vld [tilespmem:$0x1F8A0];
	_ =	sdelay $0x4  }
0x40d: {  	[tilespmem:s7+$0x18B40] =	vst.add.f32.msk $0xffff, v0  }
0x40e: {  	v0 =	vld [tilespmem:$0x1F8B0];
	_ =	sdelay $0x4  }
0x40f: {  	[tilespmem:s7+$0x18BC0] =	vst.add.f32.msk $0xffff, v0  }
0x410: {  	v0 =	vld [tilespmem:$0x1F8C0];
	_ =	sdelay $0x4  }
0x411: {  	[tilespmem:s7+$0x17050] =	vst.add.f32.msk $0xffff, v0  }
0x412: {  	v0 =	vld [tilespmem:$0x1F8D0];
	_ =	sdelay $0x4  }
0x413: {  	[tilespmem:s7+$0x170D0] =	vst.add.f32.msk $0xffff, v0  }
0x414: {  	v0 =	vld [tilespmem:$0x1F8E0];
	_ =	sdelay $0x4  }
0x415: {  	[tilespmem:s7+$0x17150] =	vst.add.f32.msk $0xffff, v0  }
0x416: {  	v0 =	vld [tilespmem:$0x1F8F0];
	_ =	sdelay $0x4  }
0x417: {  	[tilespmem:s7+$0x171D0] =	vst.add.f32.msk $0xffff, v0  }
0x418: {  	v0 =	vld [tilespmem:$0x1F900];
	_ =	sdelay $0x4  }
0x419: {  	[tilespmem:s7+$0x17250] =	vst.add.f32.msk $0xffff, v0  }
0x41a: {  	v0 =	vld [tilespmem:$0x1F910];
	_ =	sdelay $0x4  }
0x41b: {  	[tilespmem:s7+$0x172D0] =	vst.add.f32.msk $0xffff, v0  }
0x41c: {  	v0 =	vld [tilespmem:$0x1F920];
	_ =	sdelay $0x4  }
0x41d: {  	[tilespmem:s7+$0x17350] =	vst.add.f32.msk $0xffff, v0  }
0x41e: {  	v0 =	vld [tilespmem:$0x1F930];
	_ =	sdelay $0x4  }
0x41f: {  	[tilespmem:s7+$0x173D0] =	vst.add.f32.msk $0xffff, v0  }
0x420: {  	v0 =	vld [tilespmem:$0x1F940];
	_ =	sdelay $0x4  }
0x421: {  	[tilespmem:s7+$0x18850] =	vst.add.f32.msk $0xffff, v0  }
0x422: {  	v0 =	vld [tilespmem:$0x1F950];
	_ =	sdelay $0x4  }
0x423: {  	[tilespmem:s7+$0x188D0] =	vst.add.f32.msk $0xffff, v0  }
0x424: {  	v0 =	vld [tilespmem:$0x1F960];
	_ =	sdelay $0x4  }
0x425: {  	[tilespmem:s7+$0x18950] =	vst.add.f32.msk $0xffff, v0  }
0x426: {  	v0 =	vld [tilespmem:$0x1F970];
	_ =	sdelay $0x4  }
0x427: {  	[tilespmem:s7+$0x189D0] =	vst.add.f32.msk $0xffff, v0  }
0x428: {  	v0 =	vld [tilespmem:$0x1F980];
	_ =	sdelay $0x4  }
0x429: {  	[tilespmem:s7+$0x18A50] =	vst.add.f32.msk $0xffff, v0  }
0x42a: {  	v0 =	vld [tilespmem:$0x1F990];
	_ =	sdelay $0x4  }
0x42b: {  	[tilespmem:s7+$0x18AD0] =	vst.add.f32.msk $0xffff, v0  }
0x42c: {  	v0 =	vld [tilespmem:$0x1F9A0];
	_ =	sdelay $0x3  }
0x42d: {  	v2 =	vld [tilespmem:s7+$0xB300]  }
0x42e: {  	[tilespmem:s7+$0x18B50] =	vst.add.f32.msk $0xffff, v0  }
0x42f: {  	v0 =	vld [tilespmem:$0x1F9B0]  }
0x430: {  	v8 =	vld [tilespmem:s7+$0xB380]  }
0x431: {  	v9 =	vld [tilespmem:s7+$0xC800]  }
0x432: {  	v10 =	vld [tilespmem:s7+$0xC880]  }
0x433: {  	v11 =	vld [tilespmem:s7+$0xC900]  }
0x434: {  	[tilespmem:s7+$0x18BD0] =	vst.add.f32.msk $0xffff, v0  }
0x435: {  	v0 =	vld [tilespmem:$0x1F9C0]  }
0x436: {  	v12 =	vld [tilespmem:s7+$0xC980]  }
0x437: {  	v13 =	vld [tilespmem:s7+$0xCA00]  }
0x438: {  	v14 =	vld [tilespmem:s7+$0xCA80]  }
0x439: {  	v15 =	vld [tilespmem:s7+$0xCB00]  }
0x43a: {  	[tilespmem:s7+$0x17060] =	vst.add.f32.msk $0xffff, v0  }
0x43b: {  	v0 =	vld [tilespmem:$0x1F9D0]  }
0x43c: {  	v16 =	vld [tilespmem:s7+$0xCB80]  }
0x43d: {  	v17 =	vld [tilespmem:s7+$0xB010]  }
0x43e: {  	v18 =	vld [tilespmem:s7+$0xB090]  }
0x43f: {  	v19 =	vld [tilespmem:s7+$0xB110]  }
0x440: {  	[tilespmem:s7+$0x170E0] =	vst.add.f32.msk $0xffff, v0  }
0x441: {  	v0 =	vld [tilespmem:$0x1F9E0]  }
0x442: {  	v20 =	vld [tilespmem:s7+$0xB190]  }
0x443: {  	v21 =	vld [tilespmem:s7+$0xB210]  }
0x444: {  	v22 =	vld [tilespmem:s7+$0xB290]  }
0x445: {  	v23 =	vld [tilespmem:s7+$0xB310]  }
0x446: {  	[tilespmem:s7+$0x17160] =	vst.add.f32.msk $0xffff, v0  }
0x447: {  	v0 =	vld [tilespmem:$0x1F9F0]  }
0x448: {  	v24 =	vld [tilespmem:s7+$0xB390]  }
0x449: {  	v25 =	vld [tilespmem:s7+$0xC810]  }
0x44a: {  	v26 =	vld [tilespmem:s7+$0xC890]  }
0x44b: {  	v27 =	vld [tilespmem:s7+$0xC910]  }
0x44c: {  	[tilespmem:s7+$0x171E0] =	vst.add.f32.msk $0xffff, v0  }
0x44d: {  	v0 =	vld [tilespmem:$0x1FA00]  }
0x44e: {  	v28 =	vld [tilespmem:s7+$0xC990]  }
0x44f: {  	v29 =	vld [tilespmem:s7+$0xCA10]  }
0x450: {  	v30 =	vld [tilespmem:s7+$0xCA90]  }
0x451: {  	v31 =	vld [tilespmem:s7+$0xCB10]  }
0x452: {  	[tilespmem:s7+$0x17260] =	vst.add.f32.msk $0xffff, v0  }
0x453: {  	v0 =	vld [tilespmem:$0x1FA10]  }
0x454: {  	v32 =	vld [tilespmem:s7+$0xCB90]  }
0x455: {  	v33 =	vld [tilespmem:s7+$0xB020]  }
0x456: {  	v34 =	vld [tilespmem:s7+$0xB0A0]  }
0x457: {  	v35 =	vld [tilespmem:s7+$0xB120]  }
0x458: {  	[tilespmem:s7+$0x172E0] =	vst.add.f32.msk $0xffff, v0  }
0x459: {  	v0 =	vld [tilespmem:$0x1FA20]  }
0x45a: {  	v36 =	vld [tilespmem:s7+$0xB1A0]  }
0x45b: {  	v37 =	vld [tilespmem:s7+$0xB220]  }
0x45c: {  	v38 =	vld [tilespmem:s7+$0xB2A0]  }
0x45d: {  	v39 =	vld [tilespmem:s7+$0xB320]  }
0x45e: {  	[tilespmem:s7+$0x17360] =	vst.add.f32.msk $0xffff, v0  }
0x45f: {  	v0 =	vld [tilespmem:$0x1FA30]  }
0x460: {  	v40 =	vld [tilespmem:s7+$0xB3A0]  }
0x461: {  	v41 =	vld [tilespmem:s7+$0xC820]  }
0x462: {  	v42 =	vld [tilespmem:s7+$0xC8A0]  }
0x463: {  	v43 =	vld [tilespmem:s7+$0xC920]  }
0x464: {  	[tilespmem:s7+$0x173E0] =	vst.add.f32.msk $0xffff, v0  }
0x465: {  	v0 =	vld [tilespmem:$0x1FA40]  }
0x466: {  	v44 =	vld [tilespmem:s7+$0xC9A0]  }
0x467: {  	v45 =	vld [tilespmem:s7+$0xCA20]  }
0x468: {  	v46 =	vld [tilespmem:s7+$0xCAA0]  }
0x469: {  	v47 =	vld [tilespmem:s7+$0xCB20]  }
0x46a: {  	[tilespmem:s7+$0x18860] =	vst.add.f32.msk $0xffff, v0  }
0x46b: {  	v0 =	vld [tilespmem:$0x1FA50]  }
0x46c: {  	v48 =	vld [tilespmem:s7+$0xCBA0]  }
0x46d: {  	v49 =	vld [tilespmem:s7+$0xB030]  }
0x46e: {  	v50 =	vld [tilespmem:s7+$0xB0B0]  }
0x46f: {  	v51 =	vld [tilespmem:s7+$0xB130]  }
0x470: {  	[tilespmem:s7+$0x188E0] =	vst.add.f32.msk $0xffff, v0  }
0x471: {  	v0 =	vld [tilespmem:$0x1FA60]  }
0x472: {  	v52 =	vld [tilespmem:s7+$0xB1B0]  }
0x473: {  	v53 =	vld [tilespmem:s7+$0xB230]  }
0x474: {  	v54 =	vld [tilespmem:s7+$0xB2B0]  }
0x475: {  	v55 =	vld [tilespmem:s7+$0xB330]  }
0x476: {  	[tilespmem:s7+$0x18960] =	vst.add.f32.msk $0xffff, v0  }
0x477: {  	v0 =	vld [tilespmem:$0x1FA70]  }
0x478: {  	v56 =	vld [tilespmem:s7+$0xB3B0]  }
0x479: {  	v57 =	vld [tilespmem:s7+$0xC830]  }
0x47a: {  	v58 =	vld [tilespmem:s7+$0xC8B0]  }
0x47b: {  	v59 =	vld [tilespmem:s7+$0xC930]  }
0x47c: {  	[tilespmem:s7+$0x189E0] =	vst.add.f32.msk $0xffff, v0  }
0x47d: {  	v0 =	vld [tilespmem:$0x1FA80]  }
0x47e: {  	v60 =	vld [tilespmem:s7+$0xC9B0]  }
0x47f: {  	v61 =	vld [tilespmem:s7+$0xCA30]  }
0x480: {  	v62 =	vld [tilespmem:s7+$0xCAB0]  }
0x481: {  	v63 =	vld [tilespmem:s7+$0xCB30]  }
0x482: {  	[tilespmem:s7+$0x18A60] =	vst.add.f32.msk $0xffff, v0  }
0x483: {  	v0 =	vld [tilespmem:$0x1FA90]  }
0x484: {  	v4 =	vld [tilespmem:s7+$0xCBB0]  }
0x485: {  	v5 =	vld [tilespmem:s7+$0xB040]  }
0x486: {  	v6 =	vld [tilespmem:s7+$0xB0C0]  }
0x487: {  	v7 =	vld [tilespmem:s7+$0xB140]  }
0x488: {  	[tilespmem:s7+$0x18AE0] =	vst.add.f32.msk $0xffff, v0  }
0x489: {  	v0 =	vld [tilespmem:$0x1FAA0]  }
0x48a: {  	v3 =	vld [tilespmem:s7+$0xCB70]  }
0x48b: {  	[tilespmem:s7+$0x17300] =	vst.add.f32.msk $0xffff, v2  }
0x48c: {  	[tilespmem:s7+$0x17380] =	vst.add.f32.msk $0xffff, v8  }
0x48d: {  	[tilespmem:s7+$0x18800] =	vst.add.f32.msk $0xffff, v9  }
0x48e: {  	[tilespmem:s7+$0x18B60] =	vst.add.f32.msk $0xffff, v0  }
0x48f: {  	v0 =	vld [tilespmem:$0x1FAB0]  }
0x490: {  	[tilespmem:s7+$0x18880] =	vst.add.f32.msk $0xffff, v10  }
0x491: {  	[tilespmem:s7+$0x18900] =	vst.add.f32.msk $0xffff, v11  }
0x492: {  	[tilespmem:s7+$0x18980] =	vst.add.f32.msk $0xffff, v12  }
0x493: {  	[tilespmem:s7+$0x18A00] =	vst.add.f32.msk $0xffff, v13  }
0x494: {  	[tilespmem:s7+$0x18BE0] =	vst.add.f32.msk $0xffff, v0  }
0x495: {  	v0 =	vld [tilespmem:$0x1FAC0]  }
0x496: {  	[tilespmem:s7+$0x18A80] =	vst.add.f32.msk $0xffff, v14  }
0x497: {  	[tilespmem:s7+$0x18B00] =	vst.add.f32.msk $0xffff, v15  }
0x498: {  	[tilespmem:s7+$0x18B80] =	vst.add.f32.msk $0xffff, v16  }
0x499: {  	[tilespmem:s7+$0x17010] =	vst.add.f32.msk $0xffff, v17  }
0x49a: {  	[tilespmem:s7+$0x17070] =	vst.add.f32.msk $0xffff, v0  }
0x49b: {  	v0 =	vld [tilespmem:$0x1FAD0]  }
0x49c: {  	[tilespmem:s7+$0x17090] =	vst.add.f32.msk $0xffff, v18  }
0x49d: {  	[tilespmem:s7+$0x17110] =	vst.add.f32.msk $0xffff, v19  }
0x49e: {  	[tilespmem:s7+$0x17190] =	vst.add.f32.msk $0xffff, v20  }
0x49f: {  	[tilespmem:s7+$0x17210] =	vst.add.f32.msk $0xffff, v21  }
0x4a0: {  	[tilespmem:s7+$0x170F0] =	vst.add.f32.msk $0xffff, v0  }
0x4a1: {  	v0 =	vld [tilespmem:$0x1FAE0]  }
0x4a2: {  	[tilespmem:s7+$0x17290] =	vst.add.f32.msk $0xffff, v22  }
0x4a3: {  	[tilespmem:s7+$0x17310] =	vst.add.f32.msk $0xffff, v23  }
0x4a4: {  	[tilespmem:s7+$0x17390] =	vst.add.f32.msk $0xffff, v24  }
0x4a5: {  	[tilespmem:s7+$0x18810] =	vst.add.f32.msk $0xffff, v25  }
0x4a6: {  	[tilespmem:s7+$0x17170] =	vst.add.f32.msk $0xffff, v0  }
0x4a7: {  	v0 =	vld [tilespmem:$0x1FAF0]  }
0x4a8: {  	[tilespmem:s7+$0x18890] =	vst.add.f32.msk $0xffff, v26  }
0x4a9: {  	[tilespmem:s7+$0x18910] =	vst.add.f32.msk $0xffff, v27  }
0x4aa: {  	[tilespmem:s7+$0x18990] =	vst.add.f32.msk $0xffff, v28  }
0x4ab: {  	[tilespmem:s7+$0x18A10] =	vst.add.f32.msk $0xffff, v29  }
0x4ac: {  	[tilespmem:s7+$0x171F0] =	vst.add.f32.msk $0xffff, v0  }
0x4ad: {  	v0 =	vld [tilespmem:$0x1FB00]  }
0x4ae: {  	[tilespmem:s7+$0x18A90] =	vst.add.f32.msk $0xffff, v30  }
0x4af: {  	[tilespmem:s7+$0x18B10] =	vst.add.f32.msk $0xffff, v31  }
0x4b0: {  	[tilespmem:s7+$0x18B90] =	vst.add.f32.msk $0xffff, v32  }
0x4b1: {  	[tilespmem:s7+$0x17020] =	vst.add.f32.msk $0xffff, v33  }
0x4b2: {  	[tilespmem:s7+$0x17270] =	vst.add.f32.msk $0xffff, v0  }
0x4b3: {  	v0 =	vld [tilespmem:$0x1FB10]  }
0x4b4: {  	[tilespmem:s7+$0x170A0] =	vst.add.f32.msk $0xffff, v34  }
0x4b5: {  	[tilespmem:s7+$0x17120] =	vst.add.f32.msk $0xffff, v35  }
0x4b6: {  	[tilespmem:s7+$0x171A0] =	vst.add.f32.msk $0xffff, v36  }
0x4b7: {  	[tilespmem:s7+$0x17220] =	vst.add.f32.msk $0xffff, v37  }
0x4b8: {  	[tilespmem:s7+$0x172F0] =	vst.add.f32.msk $0xffff, v0  }
0x4b9: {  	v0 =	vld [tilespmem:$0x1FB20]  }
0x4ba: {  	[tilespmem:s7+$0x172A0] =	vst.add.f32.msk $0xffff, v38  }
0x4bb: {  	[tilespmem:s7+$0x17320] =	vst.add.f32.msk $0xffff, v39  }
0x4bc: {  	[tilespmem:s7+$0x173A0] =	vst.add.f32.msk $0xffff, v40  }
0x4bd: {  	[tilespmem:s7+$0x18820] =	vst.add.f32.msk $0xffff, v41  }
0x4be: {  	[tilespmem:s7+$0x17370] =	vst.add.f32.msk $0xffff, v0  }
0x4bf: {  	v0 =	vld [tilespmem:$0x1FB30]  }
0x4c0: {  	[tilespmem:s7+$0x188A0] =	vst.add.f32.msk $0xffff, v42  }
0x4c1: {  	[tilespmem:s7+$0x18920] =	vst.add.f32.msk $0xffff, v43  }
0x4c2: {  	[tilespmem:s7+$0x189A0] =	vst.add.f32.msk $0xffff, v44  }
0x4c3: {  	[tilespmem:s7+$0x18A20] =	vst.add.f32.msk $0xffff, v45  }
0x4c4: {  	[tilespmem:s7+$0x173F0] =	vst.add.f32.msk $0xffff, v0  }
0x4c5: {  	v0 =	vld [tilespmem:$0x1FB40]  }
0x4c6: {  	[tilespmem:s7+$0x18AA0] =	vst.add.f32.msk $0xffff, v46  }
0x4c7: {  	[tilespmem:s7+$0x18B20] =	vst.add.f32.msk $0xffff, v47  }
0x4c8: {  	[tilespmem:s7+$0x18BA0] =	vst.add.f32.msk $0xffff, v48  }
0x4c9: {  	[tilespmem:s7+$0x17030] =	vst.add.f32.msk $0xffff, v49  }
0x4ca: {  	[tilespmem:s7+$0x18870] =	vst.add.f32.msk $0xffff, v0  }
0x4cb: {  	v0 =	vld [tilespmem:$0x1FB50]  }
0x4cc: {  	[tilespmem:s7+$0x170B0] =	vst.add.f32.msk $0xffff, v50  }
0x4cd: {  	[tilespmem:s7+$0x17130] =	vst.add.f32.msk $0xffff, v51  }
0x4ce: {  	[tilespmem:s7+$0x171B0] =	vst.add.f32.msk $0xffff, v52  }
0x4cf: {  	[tilespmem:s7+$0x17230] =	vst.add.f32.msk $0xffff, v53  }
0x4d0: {  	[tilespmem:s7+$0x188F0] =	vst.add.f32.msk $0xffff, v0  }
0x4d1: {  	v0 =	vld [tilespmem:$0x1FB60]  }
0x4d2: {  	[tilespmem:s7+$0x172B0] =	vst.add.f32.msk $0xffff, v54  }
0x4d3: {  	[tilespmem:s7+$0x17330] =	vst.add.f32.msk $0xffff, v55  }
0x4d4: {  	[tilespmem:s7+$0x173B0] =	vst.add.f32.msk $0xffff, v56  }
0x4d5: {  	[tilespmem:s7+$0x18830] =	vst.add.f32.msk $0xffff, v57  }
0x4d6: {  	[tilespmem:s7+$0x18970] =	vst.add.f32.msk $0xffff, v0  }
0x4d7: {  	v0 =	vld [tilespmem:$0x1FB70]  }
0x4d8: {  	[tilespmem:s7+$0x188B0] =	vst.add.f32.msk $0xffff, v58  }
0x4d9: {  	[tilespmem:s7+$0x18930] =	vst.add.f32.msk $0xffff, v59  }
0x4da: {  	[tilespmem:s7+$0x189B0] =	vst.add.f32.msk $0xffff, v60  }
0x4db: {  	[tilespmem:s7+$0x18A30] =	vst.add.f32.msk $0xffff, v61  }
0x4dc: {  	[tilespmem:s7+$0x189F0] =	vst.add.f32.msk $0xffff, v0  }
0x4dd: {  	v0 =	vld [tilespmem:$0x1FB80]  }
0x4de: {  	[tilespmem:s7+$0x18AB0] =	vst.add.f32.msk $0xffff, v62  }
0x4df: {  	[tilespmem:s7+$0x18B30] =	vst.add.f32.msk $0xffff, v63  }
0x4e0: {  	[tilespmem:s7+$0x18BB0] =	vst.add.f32.msk $0xffff, v4  }
0x4e1: {  	v1 =	vld [tilespmem:s7+$0xB280]  }
0x4e2: {  	[tilespmem:s7+$0x18A70] =	vst.add.f32.msk $0xffff, v0  }
0x4e3: {  	p2 =	slt.u32 s10, $0x28;
	v0 =	vld [tilespmem:$0x1FB90]  }
.Ltmp5:
0x4e4: {  	[tilespmem:s7+$0x17040] =	vst.add.f32.msk $0xffff, v5;
	(pc) =	sbr.rel @p2 .LBB2_8-.Ltmp5, $4  }
0x4e5: {  	[tilespmem:s7+$0x170C0] =	vst.add.f32.msk $0xffff, v6  }
0x4e6: {  	[tilespmem:s7+$0x17140] =	vst.add.f32.msk $0xffff, v7  }
0x4e7: {  	[tilespmem:s7+$0x17280] =	vst.add.f32.msk $0xffff, v1  }
0x4e8: {  	s10 =	sadd.s32 $0x8, s10;
	[tilespmem:s7+$0x18AF0] =	vst.add.f32.msk $0xffff, v0  }
0x4e9: {  	s6 =	sshll.u32 s6, $0x4  }
0x4ea: {  	s6 =	sor.u32 s5, s6  }
0x4eb: {  	s6 =	sshrl.u32 s6, $0x3  }
0x4ec: {  	s6 =	smul.u32 $0x300, s6  }
0x4ed: {  	[tilespmem:s7+$0x18B70] =	vst.add.f32.msk $0xffff, v3  }
0x4ee: {  	_ =	strace $0x9000004D;
	s6 =	sadd.s32 s3, s6  }
0x4ef: {  	[hbm4b:s6+s4] =	stream.linear.scatter [tilespmem:s16], [sflag:$0x4], $0x3000, $0x38;
	[tilespmem:$0x1A000] =	vst v63  }
.LBB2_10:
.Ltmp6:
0x4f0: {  	_ =	strace @!p0 $0x8000004E;
	s6 =	simm.s32 @!p0 $0x3;
	(pc) =	sbr.rel @p1 .LBB2_14-.Ltmp6, $4  }
0x4f1: {  	_ =	swait.ge @!p0 [sflag:s6], $0x3000  }
0x4f2: {  	[sflag:s6] =	ssyncset.done @!p0 $0x0  }
0x4f3: {  	[sflag:s6] =	ssyncadd.s32 @!p0 $0xFFFFD000  }
0x4f4: {  	_ =	strace @!p0 $0x9000004E  }
0x4f5: {  	s6 =	sshll.u32 s0, $0x6  }
0x4f6: {  	s7 =	sand.u32 $0x3FFFFFC0, s6  }
0x4f7: {  	v0 =	vld [tilespmem:s7+$0x20];
	_ =	sdelay $0x4  }
0x4f8: {  	v1 =	vshrl.u32 v0, $0x3  }
0x4f9: {  	v1 =	vmul.u32 $0x30, v1  }
0x4fa: {  	v0 =	vand.u32 $0x7, v0  }
0x4fb: {  	v0 =	vor.u32 v0, v1;
	v1 =	vld [tilespmem:$0x1FFD0];
	_ =	sdelay $0x1  }
0x4fc: {  	v2 =	vld [tilespmem:$0x1FFE0];
	_ =	sdelay $0x2  }
0x4fd: {  	v1 =	vperm.xlane v0, v1  }
0x4fe: {  	v3 =	vld [tilespmem:$0x1FFF0]  }
0x4ff: {  	v1 =	vadd.s32 v2, v1;
	_ =	sdelay $0x3  }
0x500: {  	s11 =	simm.s32 $0x0;
	v0 =	vperm.xlane v0, v3  }
0x501: {  	[tilespmem:s14], [sflag:$0x3] =	stream.indirect_vreg.gather [hbm4b:s2+s11], $0x80, v1, vm0, $0xb8;
	[tilespmem:$0x1A000] =	vst v63  }
0x502: {  	v0 =	vadd.s32 v2, v0  }
0x503: {  	[tilespmem:s24], [sflag:$0x3] =	stream.indirect_vreg.gather [hbm4b:s8+s11], $0x80, v1, vm0, $0xb8;
	[tilespmem:$0x1A000] =	vst v63  }
0x504: {  	_ = 	snop  }
0x505: {  	[tilespmem:s25], [sflag:$0x3] =	stream.indirect_vreg.gather [hbm4b:s9+s11], $0x80, v1, vm0, $0xb8;
	[tilespmem:$0x1A000] =	vst v63  }
0x506: {  	_ = 	snop  }
0x507: {  	[tilespmem:s26], [sflag:$0x3] =	stream.indirect_vreg.gather [hbm4b:s2+s11], $0x80, v0, vm0, $0xb8;
	[tilespmem:$0x1A000] =	vst v63  }
0x508: {  	_ = 	snop  }
0x509: {  	[tilespmem:s28], [sflag:$0x3] =	stream.indirect_vreg.gather [hbm4b:s8+s11], $0x80, v0, vm0, $0xb8;
	[tilespmem:$0x1A000] =	vst v63  }
0x50a: {  	_ = 	snop  }
0x50b: {  	[tilespmem:s29], [sflag:$0x3] =	stream.indirect_vreg.gather [hbm4b:s9+s11], $0x80, v0, vm0, $0xb8;
	[tilespmem:$0x1A000] =	vst v63  }
0x50c: {  	_ =	strace $0x8000004F  }
0x50d: {  	_ =	swait.ge [sflag:s30], $0x3000  }
0x50e: {  	[sflag:s30] =	ssyncset.done $0x0  }
0x50f: {  	[sflag:s30] =	ssyncadd.s32 $0xFFFFD000  }
0x510: {  	_ =	strace $0x9000004F  }
0x511: {  	s7 =	simm.s32 $0x0;
	_ =	strace $0x80000050  }
0x512: {  	v0 =	vld [tilespmem:s7+$0x3BF0]  }
0x513: {  	v1 =	vld [tilespmem:s7+$0x2000]  }
0x514: {  	v2 =	vld [tilespmem:s7+$0x2080]  }
0x515: {  	v3 =	vld [tilespmem:s7+$0x2100]  }
0x516: {  	v4 =	vld [tilespmem:s7+$0x2180]  }
0x517: {  	v5 =	vld [tilespmem:s7+$0x2280]  }
0x518: {  	v6 =	vld [tilespmem:s7+$0x2300]  }
0x519: {  	v7 =	vld [tilespmem:s7+$0x2380]  }
0x51a: {  	v8 =	vld [tilespmem:s7+$0x3800]  }
0x51b: {  	v9 =	vld [tilespmem:s7+$0x3880]  }
0x51c: {  	v10 =	vld [tilespmem:s7+$0x3900]  }
0x51d: {  	v11 =	vld [tilespmem:s7+$0x3980]  }
0x51e: {  	v12 =	vld [tilespmem:s7+$0x3A00]  }
0x51f: {  	v13 =	vld [tilespmem:s7+$0x3A80]  }
0x520: {  	v14 =	vld [tilespmem:s7+$0x3B00]  }
0x521: {  	v15 =	vld [tilespmem:s7+$0x3B80]  }
0x522: {  	v41 =	vld [tilespmem:s7+$0x2310]  }
0x523: {  	v42 =	vld [tilespmem:s7+$0x2390]  }
0x524: {  	v43 =	vld [tilespmem:s7+$0x3810]  }
0x525: {  	v44 =	vld [tilespmem:s7+$0x3890]  }
0x526: {  	v45 =	vld [tilespmem:s7+$0x3910]  }
0x527: {  	v46 =	vld [tilespmem:s7+$0x3990]  }
0x528: {  	v47 =	vld [tilespmem:s7+$0x3A10]  }
0x529: {  	v48 =	vld [tilespmem:s7+$0x3A90]  }
0x52a: {  	v49 =	vld [tilespmem:s7+$0x3B10]  }
0x52b: {  	v50 =	vld [tilespmem:s7+$0x3B90]  }
0x52c: {  	v51 =	vld [tilespmem:s7+$0x2320]  }
0x52d: {  	v52 =	vld [tilespmem:s7+$0x23A0]  }
0x52e: {  	v53 =	vld [tilespmem:s7+$0x3820]  }
0x52f: {  	v54 =	vld [tilespmem:s7+$0x38A0]  }
0x530: {  	v55 =	vld [tilespmem:s7+$0x3920]  }
0x531: {  	v56 =	vld [tilespmem:s7+$0x39A0]  }
0x532: {  	v57 =	vld [tilespmem:s7+$0x3A20]  }
0x533: {  	v58 =	vld [tilespmem:s7+$0x3AA0]  }
0x534: {  	v59 =	vld [tilespmem:s7+$0x3B20]  }
0x535: {  	v60 =	vld [tilespmem:s7+$0x3BA0]  }
0x536: {  	v61 =	vld [tilespmem:s7+$0x2330]  }
0x537: {  	v62 =	vld [tilespmem:s7+$0x23B0]  }
0x538: {  	v63 =	vld [tilespmem:s7+$0x3830]  }
0x539: {  	v18 =	vld [tilespmem:s7+$0x38B0]  }
0x53a: {  	v19 =	vld [tilespmem:s7+$0x3930]  }
0x53b: {  	v20 =	vld [tilespmem:s7+$0x39B0]  }
0x53c: {  	v21 =	vld [tilespmem:s7+$0x3A30]  }
0x53d: {  	v22 =	vld [tilespmem:s7+$0x3AB0]  }
0x53e: {  	v23 =	vld [tilespmem:s7+$0x3B30]  }
0x53f: {  	v24 =	vld [tilespmem:s7+$0x3BB0]  }
0x540: {  	v25 =	vld [tilespmem:s7+$0x2340]  }
0x541: {  	v26 =	vld [tilespmem:s7+$0x23C0]  }
0x542: {  	v27 =	vld [tilespmem:s7+$0x3840]  }
0x543: {  	v28 =	vld [tilespmem:s7+$0x38C0]  }
0x544: {  	v29 =	vld [tilespmem:s7+$0x3940]  }
0x545: {  	v30 =	vld [tilespmem:s7+$0x39C0]  }
0x546: {  	v31 =	vld [tilespmem:s7+$0x3A40]  }
0x547: {  	v32 =	vld [tilespmem:s7+$0x3AC0]  }
0x548: {  	v33 =	vld [tilespmem:s7+$0x3B40]  }
0x549: {  	v34 =	vld [tilespmem:s7+$0x3BC0]  }
0x54a: {  	v35 =	vld [tilespmem:s7+$0x2350]  }
0x54b: {  	v36 =	vld [tilespmem:s7+$0x23D0]  }
0x54c: {  	v37 =	vld [tilespmem:s7+$0x3850]  }
0x54d: {  	v38 =	vld [tilespmem:s7+$0x38D0]  }
0x54e: {  	v39 =	vld [tilespmem:s7+$0x3950]  }
0x54f: {  	v40 =	vld [tilespmem:s7+$0x39D0]  }
0x550: {  	[tilespmem:s7+$0xFBF0] =	vst.add.f32.msk $0xffff, v0  }
0x551: {  	v0 =	vld [tilespmem:s7+$0x2200]  }
0x552: {  	[tilespmem:s7+$0xE000] =	vst.add.f32.msk $0xffff, v1  }
0x553: {  	v1 =	vld [tilespmem:s7+$0x2010]  }
0x554: {  	[tilespmem:s7+$0xE080] =	vst.add.f32.msk $0xffff, v2  }
0x555: {  	v2 =	vld [tilespmem:s7+$0x2090]  }
0x556: {  	[tilespmem:s7+$0xE100] =	vst.add.f32.msk $0xffff, v3  }
0x557: {  	v3 =	vld [tilespmem:s7+$0x2110]  }
0x558: {  	[tilespmem:s7+$0xE180] =	vst.add.f32.msk $0xffff, v4  }
0x559: {  	v4 =	vld [tilespmem:s7+$0x2190]  }
0x55a: {  	[tilespmem:s7+$0xE280] =	vst.add.f32.msk $0xffff, v5  }
0x55b: {  	v5 =	vld [tilespmem:s7+$0x2290]  }
0x55c: {  	[tilespmem:s7+$0xE300] =	vst.add.f32.msk $0xffff, v6  }
0x55d: {  	[tilespmem:s7+$0xE380] =	vst.add.f32.msk $0xffff, v7  }
0x55e: {  	[tilespmem:s7+$0xF800] =	vst.add.f32.msk $0xffff, v8  }
0x55f: {  	[tilespmem:s7+$0xF880] =	vst.add.f32.msk $0xffff, v9  }
0x560: {  	[tilespmem:s7+$0xF900] =	vst.add.f32.msk $0xffff, v10  }
0x561: {  	[tilespmem:s7+$0xF980] =	vst.add.f32.msk $0xffff, v11  }
0x562: {  	[tilespmem:s7+$0xFA00] =	vst.add.f32.msk $0xffff, v12  }
0x563: {  	[tilespmem:s7+$0xFA80] =	vst.add.f32.msk $0xffff, v13  }
0x564: {  	[tilespmem:s7+$0xFB00] =	vst.add.f32.msk $0xffff, v14  }
0x565: {  	[tilespmem:s7+$0xFB80] =	vst.add.f32.msk $0xffff, v15  }
0x566: {  	[tilespmem:s7+$0xE310] =	vst.add.f32.msk $0xffff, v41  }
0x567: {  	[tilespmem:s7+$0xE390] =	vst.add.f32.msk $0xffff, v42  }
0x568: {  	[tilespmem:s7+$0xF810] =	vst.add.f32.msk $0xffff, v43  }
0x569: {  	[tilespmem:s7+$0xF890] =	vst.add.f32.msk $0xffff, v44  }
0x56a: {  	[tilespmem:s7+$0xF910] =	vst.add.f32.msk $0xffff, v45  }
0x56b: {  	[tilespmem:s7+$0xF990] =	vst.add.f32.msk $0xffff, v46  }
0x56c: {  	[tilespmem:s7+$0xFA10] =	vst.add.f32.msk $0xffff, v47  }
0x56d: {  	[tilespmem:s7+$0xFA90] =	vst.add.f32.msk $0xffff, v48  }
0x56e: {  	[tilespmem:s7+$0xFB10] =	vst.add.f32.msk $0xffff, v49  }
0x56f: {  	[tilespmem:s7+$0xFB90] =	vst.add.f32.msk $0xffff, v50  }
0x570: {  	[tilespmem:s7+$0xE320] =	vst.add.f32.msk $0xffff, v51  }
0x571: {  	[tilespmem:s7+$0xE3A0] =	vst.add.f32.msk $0xffff, v52  }
0x572: {  	[tilespmem:s7+$0xF820] =	vst.add.f32.msk $0xffff, v53  }
0x573: {  	[tilespmem:s7+$0xF8A0] =	vst.add.f32.msk $0xffff, v54  }
0x574: {  	[tilespmem:s7+$0xF920] =	vst.add.f32.msk $0xffff, v55  }
0x575: {  	[tilespmem:s7+$0xF9A0] =	vst.add.f32.msk $0xffff, v56  }
0x576: {  	[tilespmem:s7+$0xFA20] =	vst.add.f32.msk $0xffff, v57  }
0x577: {  	[tilespmem:s7+$0xFAA0] =	vst.add.f32.msk $0xffff, v58  }
0x578: {  	[tilespmem:s7+$0xFB20] =	vst.add.f32.msk $0xffff, v59  }
0x579: {  	[tilespmem:s7+$0xFBA0] =	vst.add.f32.msk $0xffff, v60  }
0x57a: {  	[tilespmem:s7+$0xE330] =	vst.add.f32.msk $0xffff, v61  }
0x57b: {  	[tilespmem:s7+$0xE3B0] =	vst.add.f32.msk $0xffff, v62  }
0x57c: {  	[tilespmem:s7+$0xF830] =	vst.add.f32.msk $0xffff, v63  }
0x57d: {  	[tilespmem:s7+$0xF8B0] =	vst.add.f32.msk $0xffff, v18  }
0x57e: {  	[tilespmem:s7+$0xF930] =	vst.add.f32.msk $0xffff, v19  }
0x57f: {  	[tilespmem:s7+$0xF9B0] =	vst.add.f32.msk $0xffff, v20  }
0x580: {  	[tilespmem:s7+$0xFA30] =	vst.add.f32.msk $0xffff, v21  }
0x581: {  	[tilespmem:s7+$0xFAB0] =	vst.add.f32.msk $0xffff, v22  }
0x582: {  	[tilespmem:s7+$0xFB30] =	vst.add.f32.msk $0xffff, v23  }
0x583: {  	[tilespmem:s7+$0xFBB0] =	vst.add.f32.msk $0xffff, v24  }
0x584: {  	[tilespmem:s7+$0xE340] =	vst.add.f32.msk $0xffff, v25  }
0x585: {  	[tilespmem:s7+$0xE3C0] =	vst.add.f32.msk $0xffff, v26  }
0x586: {  	[tilespmem:s7+$0xF840] =	vst.add.f32.msk $0xffff, v27  }
0x587: {  	[tilespmem:s7+$0xF8C0] =	vst.add.f32.msk $0xffff, v28  }
0x588: {  	[tilespmem:s7+$0xF940] =	vst.add.f32.msk $0xffff, v29  }
0x589: {  	[tilespmem:s7+$0xF9C0] =	vst.add.f32.msk $0xffff, v30  }
0x58a: {  	[tilespmem:s7+$0xFA40] =	vst.add.f32.msk $0xffff, v31  }
0x58b: {  	v41 =	vld [tilespmem:s7+$0x3A50]  }
0x58c: {  	[tilespmem:s7+$0xFAC0] =	vst.add.f32.msk $0xffff, v32  }
0x58d: {  	v42 =	vld [tilespmem:s7+$0x3AD0]  }
0x58e: {  	[tilespmem:s7+$0xFB40] =	vst.add.f32.msk $0xffff, v33  }
0x58f: {  	v43 =	vld [tilespmem:s7+$0x3B50]  }
0x590: {  	[tilespmem:s7+$0xFBC0] =	vst.add.f32.msk $0xffff, v34  }
0x591: {  	v44 =	vld [tilespmem:s7+$0x3BD0]  }
0x592: {  	[tilespmem:s7+$0xE350] =	vst.add.f32.msk $0xffff, v35  }
0x593: {  	v45 =	vld [tilespmem:s7+$0x2360]  }
0x594: {  	[tilespmem:s7+$0xE3D0] =	vst.add.f32.msk $0xffff, v36  }
0x595: {  	v46 =	vld [tilespmem:s7+$0x23E0]  }
0x596: {  	[tilespmem:s7+$0xF850] =	vst.add.f32.msk $0xffff, v37  }
0x597: {  	v47 =	vld [tilespmem:s7+$0x3860]  }
0x598: {  	[tilespmem:s7+$0xF8D0] =	vst.add.f32.msk $0xffff, v38  }
0x599: {  	v48 =	vld [tilespmem:s7+$0x38E0]  }
0x59a: {  	[tilespmem:s7+$0xF950] =	vst.add.f32.msk $0xffff, v39  }
0x59b: {  	v49 =	vld [tilespmem:s7+$0x3960]  }
0x59c: {  	[tilespmem:s7+$0xF9D0] =	vst.add.f32.msk $0xffff, v40  }
0x59d: {  	v50 =	vld [tilespmem:s7+$0x39E0]  }
0x59e: {  	v51 =	vld [tilespmem:s7+$0x3A60]  }
0x59f: {  	v52 =	vld [tilespmem:s7+$0x3AE0]  }
0x5a0: {  	v53 =	vld [tilespmem:s7+$0x3B60]  }
0x5a1: {  	v54 =	vld [tilespmem:s7+$0x3BE0]  }
0x5a2: {  	v55 =	vld [tilespmem:s7+$0x22F0]  }
0x5a3: {  	v56 =	vld [tilespmem:s7+$0x2370]  }
0x5a4: {  	v57 =	vld [tilespmem:s7+$0x23F0]  }
0x5a5: {  	v58 =	vld [tilespmem:s7+$0x3870]  }
0x5a6: {  	v59 =	vld [tilespmem:s7+$0x38F0]  }
0x5a7: {  	v60 =	vld [tilespmem:s7+$0x3970]  }
0x5a8: {  	v61 =	vld [tilespmem:s7+$0x39F0]  }
0x5a9: {  	v62 =	vld [tilespmem:s7+$0x3A70]  }
0x5aa: {  	v63 =	vld [tilespmem:s7+$0x3AF0]  }
0x5ab: {  	[tilespmem:s7+$0xE200] =	vst.add.f32.msk $0xffff, v0  }
0x5ac: {  	v0 =	vld [tilespmem:s7+$0x2210]  }
0x5ad: {  	[tilespmem:s7+$0xE010] =	vst.add.f32.msk $0xffff, v1  }
0x5ae: {  	v1 =	vld [tilespmem:s7+$0x2020]  }
0x5af: {  	[tilespmem:s7+$0xE090] =	vst.add.f32.msk $0xffff, v2  }
0x5b0: {  	v2 =	vld [tilespmem:s7+$0x20A0]  }
0x5b1: {  	[tilespmem:s7+$0xE110] =	vst.add.f32.msk $0xffff, v3  }
0x5b2: {  	v3 =	vld [tilespmem:s7+$0x2120]  }
0x5b3: {  	[tilespmem:s7+$0xE190] =	vst.add.f32.msk $0xffff, v4  }
0x5b4: {  	v4 =	vld [tilespmem:s7+$0x21A0]  }
0x5b5: {  	[tilespmem:s7+$0xE290] =	vst.add.f32.msk $0xffff, v5  }
0x5b6: {  	v5 =	vld [tilespmem:s7+$0x22A0]  }
0x5b7: {  	[tilespmem:s7+$0xFA50] =	vst.add.f32.msk $0xffff, v41  }
0x5b8: {  	[tilespmem:s7+$0xFAD0] =	vst.add.f32.msk $0xffff, v42  }
0x5b9: {  	[tilespmem:s7+$0xFB50] =	vst.add.f32.msk $0xffff, v43  }
0x5ba: {  	[tilespmem:s7+$0xFBD0] =	vst.add.f32.msk $0xffff, v44  }
0x5bb: {  	[tilespmem:s7+$0xE360] =	vst.add.f32.msk $0xffff, v45  }
0x5bc: {  	[tilespmem:s7+$0xE3E0] =	vst.add.f32.msk $0xffff, v46  }
0x5bd: {  	[tilespmem:s7+$0xF860] =	vst.add.f32.msk $0xffff, v47  }
0x5be: {  	[tilespmem:s7+$0xF8E0] =	vst.add.f32.msk $0xffff, v48  }
0x5bf: {  	[tilespmem:s7+$0xF960] =	vst.add.f32.msk $0xffff, v49  }
0x5c0: {  	[tilespmem:s7+$0xF9E0] =	vst.add.f32.msk $0xffff, v50  }
0x5c1: {  	[tilespmem:s7+$0xFA60] =	vst.add.f32.msk $0xffff, v51  }
0x5c2: {  	[tilespmem:s7+$0xFAE0] =	vst.add.f32.msk $0xffff, v52  }
0x5c3: {  	[tilespmem:s7+$0xFB60] =	vst.add.f32.msk $0xffff, v53  }
0x5c4: {  	[tilespmem:s7+$0xFBE0] =	vst.add.f32.msk $0xffff, v54  }
0x5c5: {  	[tilespmem:s7+$0xE2F0] =	vst.add.f32.msk $0xffff, v55  }
0x5c6: {  	[tilespmem:s7+$0xE370] =	vst.add.f32.msk $0xffff, v56  }
0x5c7: {  	[tilespmem:s7+$0xE3F0] =	vst.add.f32.msk $0xffff, v57  }
0x5c8: {  	[tilespmem:s7+$0xF870] =	vst.add.f32.msk $0xffff, v58  }
0x5c9: {  	[tilespmem:s7+$0xF8F0] =	vst.add.f32.msk $0xffff, v59  }
0x5ca: {  	[tilespmem:s7+$0xF970] =	vst.add.f32.msk $0xffff, v60  }
0x5cb: {  	[tilespmem:s7+$0xF9F0] =	vst.add.f32.msk $0xffff, v61  }
0x5cc: {  	[tilespmem:s7+$0xFA70] =	vst.add.f32.msk $0xffff, v62  }
0x5cd: {  	[tilespmem:s7+$0xFAF0] =	vst.add.f32.msk $0xffff, v63  }
0x5ce: {  	[tilespmem:s7+$0xE210] =	vst.add.f32.msk $0xffff, v0  }
0x5cf: {  	v0 =	vld [tilespmem:s7+$0x2220]  }
0x5d0: {  	[tilespmem:s7+$0xE020] =	vst.add.f32.msk $0xffff, v1  }
0x5d1: {  	v1 =	vld [tilespmem:s7+$0x2030]  }
0x5d2: {  	[tilespmem:s7+$0xE0A0] =	vst.add.f32.msk $0xffff, v2  }
0x5d3: {  	v2 =	vld [tilespmem:s7+$0x20B0]  }
0x5d4: {  	[tilespmem:s7+$0xE120] =	vst.add.f32.msk $0xffff, v3  }
0x5d5: {  	v3 =	vld [tilespmem:s7+$0x2130]  }
0x5d6: {  	[tilespmem:s7+$0xE1A0] =	vst.add.f32.msk $0xffff, v4  }
0x5d7: {  	v4 =	vld [tilespmem:s7+$0x21B0]  }
0x5d8: {  	[tilespmem:s7+$0xE2A0] =	vst.add.f32.msk $0xffff, v5  }
0x5d9: {  	v5 =	vld [tilespmem:s7+$0x22B0]  }
0x5da: {  	[tilespmem:s7+$0xE220] =	vst.add.f32.msk $0xffff, v0  }
0x5db: {  	v0 =	vld [tilespmem:s7+$0x2230]  }
0x5dc: {  	[tilespmem:s7+$0xE030] =	vst.add.f32.msk $0xffff, v1  }
0x5dd: {  	v1 =	vld [tilespmem:s7+$0x2040]  }
0x5de: {  	[tilespmem:s7+$0xE0B0] =	vst.add.f32.msk $0xffff, v2  }
0x5df: {  	v2 =	vld [tilespmem:s7+$0x20C0]  }
0x5e0: {  	[tilespmem:s7+$0xE130] =	vst.add.f32.msk $0xffff, v3  }
0x5e1: {  	v3 =	vld [tilespmem:s7+$0x2140]  }
0x5e2: {  	[tilespmem:s7+$0xE1B0] =	vst.add.f32.msk $0xffff, v4  }
0x5e3: {  	v4 =	vld [tilespmem:s7+$0x21C0]  }
0x5e4: {  	[tilespmem:s7+$0xE2B0] =	vst.add.f32.msk $0xffff, v5  }
0x5e5: {  	v5 =	vld [tilespmem:s7+$0x22C0]  }
0x5e6: {  	[tilespmem:s7+$0xE230] =	vst.add.f32.msk $0xffff, v0  }
0x5e7: {  	v0 =	vld [tilespmem:s7+$0x2240]  }
0x5e8: {  	[tilespmem:s7+$0xE040] =	vst.add.f32.msk $0xffff, v1  }
0x5e9: {  	v1 =	vld [tilespmem:s7+$0x2050]  }
0x5ea: {  	[tilespmem:s7+$0xE0C0] =	vst.add.f32.msk $0xffff, v2  }
0x5eb: {  	v2 =	vld [tilespmem:s7+$0x20D0]  }
0x5ec: {  	[tilespmem:s7+$0xE140] =	vst.add.f32.msk $0xffff, v3  }
0x5ed: {  	v3 =	vld [tilespmem:s7+$0x2150]  }
0x5ee: {  	[tilespmem:s7+$0xE1C0] =	vst.add.f32.msk $0xffff, v4  }
0x5ef: {  	v4 =	vld [tilespmem:s7+$0x21D0]  }
0x5f0: {  	[tilespmem:s7+$0xE2C0] =	vst.add.f32.msk $0xffff, v5  }
0x5f1: {  	v5 =	vld [tilespmem:s7+$0x22D0]  }
0x5f2: {  	[tilespmem:s7+$0xE240] =	vst.add.f32.msk $0xffff, v0  }
0x5f3: {  	v0 =	vld [tilespmem:s7+$0x2250]  }
0x5f4: {  	[tilespmem:s7+$0xE050] =	vst.add.f32.msk $0xffff, v1  }
0x5f5: {  	v1 =	vld [tilespmem:s7+$0x2060]  }
0x5f6: {  	[tilespmem:s7+$0xE0D0] =	vst.add.f32.msk $0xffff, v2  }
0x5f7: {  	v2 =	vld [tilespmem:s7+$0x20E0]  }
0x5f8: {  	[tilespmem:s7+$0xE150] =	vst.add.f32.msk $0xffff, v3  }
0x5f9: {  	v3 =	vld [tilespmem:s7+$0x2160]  }
0x5fa: {  	[tilespmem:s7+$0xE1D0] =	vst.add.f32.msk $0xffff, v4  }
0x5fb: {  	v4 =	vld [tilespmem:s7+$0x21E0]  }
0x5fc: {  	[tilespmem:s7+$0xE2D0] =	vst.add.f32.msk $0xffff, v5  }
0x5fd: {  	v5 =	vld [tilespmem:s7+$0x22E0]  }
0x5fe: {  	[tilespmem:s7+$0xE250] =	vst.add.f32.msk $0xffff, v0  }
0x5ff: {  	v0 =	vld [tilespmem:s7+$0x2260]  }
0x600: {  	[tilespmem:s7+$0xE060] =	vst.add.f32.msk $0xffff, v1  }
0x601: {  	[tilespmem:s7+$0xE0E0] =	vst.add.f32.msk $0xffff, v2  }
0x602: {  	v1 =	vld [tilespmem:s7+$0x2070]  }
0x603: {  	[tilespmem:s7+$0xE160] =	vst.add.f32.msk $0xffff, v3  }
0x604: {  	v2 =	vld [tilespmem:s7+$0x20F0]  }
0x605: {  	[tilespmem:s7+$0xE1E0] =	vst.add.f32.msk $0xffff, v4  }
0x606: {  	v4 =	vld [tilespmem:s7+$0x2170]  }
0x607: {  	[tilespmem:s7+$0xE2E0] =	vst.add.f32.msk $0xffff, v5  }
0x608: {  	v5 =	vld [tilespmem:s7+$0x2270]  }
0x609: {  	v3 =	vld [tilespmem:s7+$0x3B70]  }
0x60a: {  	[tilespmem:s7+$0xE260] =	vst.add.f32.msk $0xffff, v0  }
0x60b: {  	v0 =	vld [tilespmem:s7+$0x21F0]  }
0x60c: {  	[tilespmem:s7+$0xE070] =	vst.add.f32.msk $0xffff, v1  }
0x60d: {  	[tilespmem:s7+$0xE0F0] =	vst.add.f32.msk $0xffff, v2  }
0x60e: {  	[tilespmem:s7+$0xE170] =	vst.add.f32.msk $0xffff, v4  }
0x60f: {  	[tilespmem:s7+$0xE270] =	vst.add.f32.msk $0xffff, v5  }
0x610: {  	s10 =	simm.s32 $0x8;
	[tilespmem:s7+$0xE1F0] =	vst.add.f32.msk $0xffff, v0  }
.LBB2_12:
0x611: {  	[tilespmem:s7+$0xFB70] =	vst.add.f32.msk $0xffff, v3;
	s7 =	sshll.u32 s10, $0x7  }
0x612: {  	v0 =	vld [tilespmem:s7+$0x3BF0];
	_ =	sdelay $0x4  }
0x613: {  	[tilespmem:s7+$0xFBF0] =	vst.add.f32.msk $0xffff, v0  }
0x614: {  	v0 =	vld [tilespmem:s7+$0x2200];
	_ =	sdelay $0x4  }
0x615: {  	[tilespmem:$0x1F3E0] =	vst v0;
	v0 =	vld [tilespmem:s7+$0x21C0];
	_ =	sdelay $0x4  }
0x616: {  	[tilespmem:$0x1F3F0] =	vst v0;
	v0 =	vld [tilespmem:s7+$0x2240];
	_ =	sdelay $0x4  }
0x617: {  	[tilespmem:$0x1F400] =	vst v0;
	v0 =	vld [tilespmem:s7+$0x22C0];
	_ =	sdelay $0x4  }
0x618: {  	[tilespmem:$0x1F410] =	vst v0;
	v0 =	vld [tilespmem:s7+$0x2340];
	_ =	sdelay $0x4  }
0x619: {  	[tilespmem:$0x1F420] =	vst v0;
	v0 =	vld [tilespmem:s7+$0x23C0];
	_ =	sdelay $0x4  }
0x61a: {  	[tilespmem:$0x1F430] =	vst v0;
	v0 =	vld [tilespmem:s7+$0x3840];
	_ =	sdelay $0x4  }
0x61b: {  	[tilespmem:$0x1F440] =	vst v0;
	v0 =	vld [tilespmem:s7+$0x38C0];
	_ =	sdelay $0x4  }
0x61c: {  	[tilespmem:$0x1F450] =	vst v0;
	v0 =	vld [tilespmem:s7+$0x3940];
	_ =	sdelay $0x4  }
0x61d: {  	[tilespmem:$0x1F460] =	vst v0;
	v0 =	vld [tilespmem:s7+$0x39C0];
	_ =	sdelay $0x4  }
0x61e: {  	[tilespmem:$0x1F470] =	vst v0;
	v0 =	vld [tilespmem:s7+$0x3A40];
	_ =	sdelay $0x4  }
0x61f: {  	[tilespmem:$0x1F480] =	vst v0;
	v0 =	vld [tilespmem:s7+$0x3AC0];
	_ =	sdelay $0x4  }
0x620: {  	[tilespmem:$0x1F490] =	vst v0;
	v0 =	vld [tilespmem:s7+$0x3B40];
	_ =	sdelay $0x4  }
0x621: {  	[tilespmem:$0x1F4A0] =	vst v0;
	v0 =	vld [tilespmem:s7+$0x3BC0];
	_ =	sdelay $0x4  }
0x622: {  	[tilespmem:$0x1F4B0] =	vst v0;
	v0 =	vld [tilespmem:s7+$0x2050];
	_ =	sdelay $0x4  }
0x623: {  	[tilespmem:$0x1F4C0] =	vst v0;
	v0 =	vld [tilespmem:s7+$0x20D0];
	_ =	sdelay $0x4  }
0x624: {  	[tilespmem:$0x1F4D0] =	vst v0;
	v0 =	vld [tilespmem:s7+$0x2150];
	_ =	sdelay $0x4  }
0x625: {  	[tilespmem:$0x1F4E0] =	vst v0;
	v0 =	vld [tilespmem:s7+$0x21D0];
	_ =	sdelay $0x4  }
0x626: {  	[tilespmem:$0x1F4F0] =	vst v0;
	v0 =	vld [tilespmem:s7+$0x2250];
	_ =	sdelay $0x4  }
0x627: {  	[tilespmem:$0x1F500] =	vst v0;
	v0 =	vld [tilespmem:s7+$0x22D0];
	_ =	sdelay $0x4  }
0x628: {  	[tilespmem:$0x1F510] =	vst v0;
	v0 =	vld [tilespmem:s7+$0x2350];
	_ =	sdelay $0x4  }
0x629: {  	[tilespmem:$0x1F520] =	vst v0;
	v0 =	vld [tilespmem:s7+$0x23D0];
	_ =	sdelay $0x4  }
0x62a: {  	[tilespmem:$0x1F530] =	vst v0;
	v0 =	vld [tilespmem:s7+$0x3850];
	_ =	sdelay $0x4  }
0x62b: {  	[tilespmem:$0x1F540] =	vst v0;
	v0 =	vld [tilespmem:s7+$0x38D0];
	_ =	sdelay $0x4  }
0x62c: {  	[tilespmem:$0x1F550] =	vst v0;
	v0 =	vld [tilespmem:s7+$0x3950];
	_ =	sdelay $0x4  }
0x62d: {  	[tilespmem:$0x1F560] =	vst v0;
	v0 =	vld [tilespmem:s7+$0x39D0];
	_ =	sdelay $0x4  }
0x62e: {  	[tilespmem:$0x1F570] =	vst v0;
	v0 =	vld [tilespmem:s7+$0x3A50];
	_ =	sdelay $0x4  }
0x62f: {  	[tilespmem:$0x1F580] =	vst v0;
	v0 =	vld [tilespmem:s7+$0x3AD0];
	_ =	sdelay $0x4  }
0x630: {  	[tilespmem:$0x1F590] =	vst v0;
	v0 =	vld [tilespmem:s7+$0x3B50];
	_ =	sdelay $0x4  }
0x631: {  	[tilespmem:$0x1F5A0] =	vst v0;
	v0 =	vld [tilespmem:s7+$0x3BD0];
	_ =	sdelay $0x4  }
0x632: {  	[tilespmem:$0x1F5B0] =	vst v0;
	v0 =	vld [tilespmem:s7+$0x2060];
	_ =	sdelay $0x4  }
0x633: {  	[tilespmem:$0x1F5C0] =	vst v0;
	v0 =	vld [tilespmem:s7+$0x20E0];
	_ =	sdelay $0x4  }
0x634: {  	[tilespmem:$0x1F5D0] =	vst v0;
	v0 =	vld [tilespmem:s7+$0x2160];
	_ =	sdelay $0x4  }
0x635: {  	[tilespmem:$0x1F5E0] =	vst v0;
	v0 =	vld [tilespmem:s7+$0x21E0];
	_ =	sdelay $0x4  }
0x636: {  	[tilespmem:$0x1F5F0] =	vst v0;
	v0 =	vld [tilespmem:s7+$0x2260];
	_ =	sdelay $0x4  }
0x637: {  	[tilespmem:$0x1F600] =	vst v0;
	v0 =	vld [tilespmem:s7+$0x22E0];
	_ =	sdelay $0x4  }
0x638: {  	[tilespmem:$0x1F610] =	vst v0;
	v0 =	vld [tilespmem:s7+$0x2360];
	_ =	sdelay $0x4  }
0x639: {  	[tilespmem:$0x1F620] =	vst v0;
	v0 =	vld [tilespmem:s7+$0x23E0];
	_ =	sdelay $0x4  }
0x63a: {  	[tilespmem:$0x1F630] =	vst v0;
	v0 =	vld [tilespmem:s7+$0x3860];
	_ =	sdelay $0x4  }
0x63b: {  	[tilespmem:$0x1F640] =	vst v0;
	v0 =	vld [tilespmem:s7+$0x38E0];
	_ =	sdelay $0x4  }
0x63c: {  	[tilespmem:$0x1F650] =	vst v0;
	v0 =	vld [tilespmem:s7+$0x3960];
	_ =	sdelay $0x4  }
0x63d: {  	[tilespmem:$0x1F660] =	vst v0;
	v0 =	vld [tilespmem:s7+$0x39E0];
	_ =	sdelay $0x4  }
0x63e: {  	[tilespmem:$0x1F670] =	vst v0;
	v0 =	vld [tilespmem:s7+$0x3A60];
	_ =	sdelay $0x4  }
0x63f: {  	[tilespmem:$0x1F680] =	vst v0;
	v0 =	vld [tilespmem:s7+$0x3AE0];
	_ =	sdelay $0x4  }
0x640: {  	[tilespmem:$0x1F690] =	vst v0;
	v0 =	vld [tilespmem:s7+$0x3B60];
	_ =	sdelay $0x4  }
0x641: {  	[tilespmem:$0x1F6A0] =	vst v0;
	v0 =	vld [tilespmem:s7+$0x3BE0];
	_ =	sdelay $0x4  }
0x642: {  	[tilespmem:$0x1F6B0] =	vst v0;
	v0 =	vld [tilespmem:s7+$0x2070];
	_ =	sdelay $0x4  }
0x643: {  	[tilespmem:$0x1F6C0] =	vst v0;
	v0 =	vld [tilespmem:s7+$0x20F0];
	_ =	sdelay $0x4  }
0x644: {  	[tilespmem:$0x1F6D0] =	vst v0;
	v0 =	vld [tilespmem:s7+$0x2170];
	_ =	sdelay $0x4  }
0x645: {  	[tilespmem:$0x1F6E0] =	vst v0;
	v0 =	vld [tilespmem:s7+$0x21F0];
	_ =	sdelay $0x4  }
0x646: {  	[tilespmem:$0x1F6F0] =	vst v0;
	v0 =	vld [tilespmem:s7+$0x2270];
	_ =	sdelay $0x4  }
0x647: {  	[tilespmem:$0x1F700] =	vst v0;
	v0 =	vld [tilespmem:s7+$0x22F0];
	_ =	sdelay $0x4  }
0x648: {  	[tilespmem:$0x1F710] =	vst v0;
	v0 =	vld [tilespmem:s7+$0x2370];
	_ =	sdelay $0x4  }
0x649: {  	[tilespmem:$0x1F720] =	vst v0;
	v0 =	vld [tilespmem:s7+$0x23F0];
	_ =	sdelay $0x4  }
0x64a: {  	[tilespmem:$0x1F730] =	vst v0;
	v0 =	vld [tilespmem:s7+$0x3870];
	_ =	sdelay $0x4  }
0x64b: {  	[tilespmem:$0x1F740] =	vst v0;
	v0 =	vld [tilespmem:s7+$0x38F0];
	_ =	sdelay $0x4  }
0x64c: {  	[tilespmem:$0x1F750] =	vst v0;
	v0 =	vld [tilespmem:s7+$0x3970];
	_ =	sdelay $0x4  }
0x64d: {  	[tilespmem:$0x1F760] =	vst v0;
	v0 =	vld [tilespmem:s7+$0x39F0];
	_ =	sdelay $0x4  }
0x64e: {  	[tilespmem:$0x1F770] =	vst v0;
	v0 =	vld [tilespmem:s7+$0x3A70];
	_ =	sdelay $0x3  }
0x64f: {  	v1 =	vld [tilespmem:s7+$0x2000]  }
0x650: {  	[tilespmem:$0x1F780] =	vst v0;
	v0 =	vld [tilespmem:s7+$0x3AF0];
	_ =	sdelay $0x3  }
0x651: {  	[tilespmem:$0x1F3A0] =	vst v1;
	v1 =	vld [tilespmem:s7+$0x2080]  }
0x652: {  	[tilespmem:$0x1F790] =	vst v0;
	v0 =	vld [tilespmem:$0x1F3A0];
	_ =	sdelay $0x3  }
0x653: {  	[tilespmem:$0x1F3B0] =	vst v1;
	v1 =	vld [tilespmem:s7+$0x2100]  }
0x654: {  	[tilespmem:s7+$0xE000] =	vst.add.f32.msk $0xffff, v0  }
0x655: {  	v0 =	vld [tilespmem:$0x1F3B0];
	_ =	sdelay $0x3  }
0x656: {  	[tilespmem:$0x1F3C0] =	vst v1;
	v1 =	vld [tilespmem:s7+$0x2180]  }
0x657: {  	[tilespmem:s7+$0xE080] =	vst.add.f32.msk $0xffff, v0  }
0x658: {  	v0 =	vld [tilespmem:$0x1F3C0];
	_ =	sdelay $0x3  }
0x659: {  	[tilespmem:$0x1F3D0] =	vst v1  }
0x65a: {  	[tilespmem:s7+$0xE100] =	vst.add.f32.msk $0xffff, v0  }
0x65b: {  	v0 =	vld [tilespmem:$0x1F3D0];
	_ =	sdelay $0x4  }
0x65c: {  	[tilespmem:s7+$0xE180] =	vst.add.f32.msk $0xffff, v0  }
0x65d: {  	v0 =	vld [tilespmem:$0x1F3E0];
	_ =	sdelay $0x4  }
0x65e: {  	[tilespmem:s7+$0xE200] =	vst.add.f32.msk $0xffff, v0  }
0x65f: {  	v0 =	vld [tilespmem:$0x1F3F0];
	_ =	sdelay $0x4  }
0x660: {  	[tilespmem:s7+$0xE1C0] =	vst.add.f32.msk $0xffff, v0  }
0x661: {  	v0 =	vld [tilespmem:$0x1F400];
	_ =	sdelay $0x4  }
0x662: {  	[tilespmem:s7+$0xE240] =	vst.add.f32.msk $0xffff, v0  }
0x663: {  	v0 =	vld [tilespmem:$0x1F410];
	_ =	sdelay $0x4  }
0x664: {  	[tilespmem:s7+$0xE2C0] =	vst.add.f32.msk $0xffff, v0  }
0x665: {  	v0 =	vld [tilespmem:$0x1F420];
	_ =	sdelay $0x4  }
0x666: {  	[tilespmem:s7+$0xE340] =	vst.add.f32.msk $0xffff, v0  }
0x667: {  	v0 =	vld [tilespmem:$0x1F430];
	_ =	sdelay $0x4  }
0x668: {  	[tilespmem:s7+$0xE3C0] =	vst.add.f32.msk $0xffff, v0  }
0x669: {  	v0 =	vld [tilespmem:$0x1F440];
	_ =	sdelay $0x4  }
0x66a: {  	[tilespmem:s7+$0xF840] =	vst.add.f32.msk $0xffff, v0  }
0x66b: {  	v0 =	vld [tilespmem:$0x1F450];
	_ =	sdelay $0x4  }
0x66c: {  	[tilespmem:s7+$0xF8C0] =	vst.add.f32.msk $0xffff, v0  }
0x66d: {  	v0 =	vld [tilespmem:$0x1F460];
	_ =	sdelay $0x4  }
0x66e: {  	[tilespmem:s7+$0xF940] =	vst.add.f32.msk $0xffff, v0  }
0x66f: {  	v0 =	vld [tilespmem:$0x1F470];
	_ =	sdelay $0x4  }
0x670: {  	[tilespmem:s7+$0xF9C0] =	vst.add.f32.msk $0xffff, v0  }
0x671: {  	v0 =	vld [tilespmem:$0x1F480];
	_ =	sdelay $0x4  }
0x672: {  	[tilespmem:s7+$0xFA40] =	vst.add.f32.msk $0xffff, v0  }
0x673: {  	v0 =	vld [tilespmem:$0x1F490];
	_ =	sdelay $0x4  }
0x674: {  	[tilespmem:s7+$0xFAC0] =	vst.add.f32.msk $0xffff, v0  }
0x675: {  	v0 =	vld [tilespmem:$0x1F4A0];
	_ =	sdelay $0x4  }
0x676: {  	[tilespmem:s7+$0xFB40] =	vst.add.f32.msk $0xffff, v0  }
0x677: {  	v0 =	vld [tilespmem:$0x1F4B0];
	_ =	sdelay $0x4  }
0x678: {  	[tilespmem:s7+$0xFBC0] =	vst.add.f32.msk $0xffff, v0  }
0x679: {  	v0 =	vld [tilespmem:$0x1F4C0];
	_ =	sdelay $0x4  }
0x67a: {  	[tilespmem:s7+$0xE050] =	vst.add.f32.msk $0xffff, v0  }
0x67b: {  	v0 =	vld [tilespmem:$0x1F4D0];
	_ =	sdelay $0x4  }
0x67c: {  	[tilespmem:s7+$0xE0D0] =	vst.add.f32.msk $0xffff, v0  }
0x67d: {  	v0 =	vld [tilespmem:$0x1F4E0];
	_ =	sdelay $0x4  }
0x67e: {  	[tilespmem:s7+$0xE150] =	vst.add.f32.msk $0xffff, v0  }
0x67f: {  	v0 =	vld [tilespmem:$0x1F4F0];
	_ =	sdelay $0x4  }
0x680: {  	[tilespmem:s7+$0xE1D0] =	vst.add.f32.msk $0xffff, v0  }
0x681: {  	v0 =	vld [tilespmem:$0x1F500];
	_ =	sdelay $0x4  }
0x682: {  	[tilespmem:s7+$0xE250] =	vst.add.f32.msk $0xffff, v0  }
0x683: {  	v0 =	vld [tilespmem:$0x1F510];
	_ =	sdelay $0x4  }
0x684: {  	[tilespmem:s7+$0xE2D0] =	vst.add.f32.msk $0xffff, v0  }
0x685: {  	v0 =	vld [tilespmem:$0x1F520];
	_ =	sdelay $0x4  }
0x686: {  	[tilespmem:s7+$0xE350] =	vst.add.f32.msk $0xffff, v0  }
0x687: {  	v0 =	vld [tilespmem:$0x1F530];
	_ =	sdelay $0x4  }
0x688: {  	[tilespmem:s7+$0xE3D0] =	vst.add.f32.msk $0xffff, v0  }
0x689: {  	v0 =	vld [tilespmem:$0x1F540];
	_ =	sdelay $0x4  }
0x68a: {  	[tilespmem:s7+$0xF850] =	vst.add.f32.msk $0xffff, v0  }
0x68b: {  	v0 =	vld [tilespmem:$0x1F550];
	_ =	sdelay $0x4  }
0x68c: {  	[tilespmem:s7+$0xF8D0] =	vst.add.f32.msk $0xffff, v0  }
0x68d: {  	v0 =	vld [tilespmem:$0x1F560];
	_ =	sdelay $0x4  }
0x68e: {  	[tilespmem:s7+$0xF950] =	vst.add.f32.msk $0xffff, v0  }
0x68f: {  	v0 =	vld [tilespmem:$0x1F570];
	_ =	sdelay $0x4  }
0x690: {  	[tilespmem:s7+$0xF9D0] =	vst.add.f32.msk $0xffff, v0  }
0x691: {  	v0 =	vld [tilespmem:$0x1F580];
	_ =	sdelay $0x4  }
0x692: {  	[tilespmem:s7+$0xFA50] =	vst.add.f32.msk $0xffff, v0  }
0x693: {  	v0 =	vld [tilespmem:$0x1F590];
	_ =	sdelay $0x4  }
0x694: {  	[tilespmem:s7+$0xFAD0] =	vst.add.f32.msk $0xffff, v0  }
0x695: {  	v0 =	vld [tilespmem:$0x1F5A0];
	_ =	sdelay $0x3  }
0x696: {  	v2 =	vld [tilespmem:s7+$0x2300]  }
0x697: {  	[tilespmem:s7+$0xFB50] =	vst.add.f32.msk $0xffff, v0  }
0x698: {  	v0 =	vld [tilespmem:$0x1F5B0]  }
0x699: {  	v8 =	vld [tilespmem:s7+$0x2380]  }
0x69a: {  	v9 =	vld [tilespmem:s7+$0x3800]  }
0x69b: {  	v10 =	vld [tilespmem:s7+$0x3880]  }
0x69c: {  	v11 =	vld [tilespmem:s7+$0x3900]  }
0x69d: {  	[tilespmem:s7+$0xFBD0] =	vst.add.f32.msk $0xffff, v0  }
0x69e: {  	v0 =	vld [tilespmem:$0x1F5C0]  }
0x69f: {  	v12 =	vld [tilespmem:s7+$0x3980]  }
0x6a0: {  	v13 =	vld [tilespmem:s7+$0x3A00]  }
0x6a1: {  	v14 =	vld [tilespmem:s7+$0x3A80]  }
0x6a2: {  	v15 =	vld [tilespmem:s7+$0x3B00]  }
0x6a3: {  	[tilespmem:s7+$0xE060] =	vst.add.f32.msk $0xffff, v0  }
0x6a4: {  	v0 =	vld [tilespmem:$0x1F5D0]  }
0x6a5: {  	v16 =	vld [tilespmem:s7+$0x3B80]  }
0x6a6: {  	v17 =	vld [tilespmem:s7+$0x2010]  }
0x6a7: {  	v18 =	vld [tilespmem:s7+$0x2090]  }
0x6a8: {  	v19 =	vld [tilespmem:s7+$0x2110]  }
0x6a9: {  	[tilespmem:s7+$0xE0E0] =	vst.add.f32.msk $0xffff, v0  }
0x6aa: {  	v0 =	vld [tilespmem:$0x1F5E0]  }
0x6ab: {  	v20 =	vld [tilespmem:s7+$0x2190]  }
0x6ac: {  	v21 =	vld [tilespmem:s7+$0x2210]  }
0x6ad: {  	v22 =	vld [tilespmem:s7+$0x2290]  }
0x6ae: {  	v23 =	vld [tilespmem:s7+$0x2310]  }
0x6af: {  	[tilespmem:s7+$0xE160] =	vst.add.f32.msk $0xffff, v0  }
0x6b0: {  	v0 =	vld [tilespmem:$0x1F5F0]  }
0x6b1: {  	v24 =	vld [tilespmem:s7+$0x2390]  }
0x6b2: {  	v25 =	vld [tilespmem:s7+$0x3810]  }
0x6b3: {  	v26 =	vld [tilespmem:s7+$0x3890]  }
0x6b4: {  	v27 =	vld [tilespmem:s7+$0x3910]  }
0x6b5: {  	[tilespmem:s7+$0xE1E0] =	vst.add.f32.msk $0xffff, v0  }
0x6b6: {  	v0 =	vld [tilespmem:$0x1F600]  }
0x6b7: {  	v28 =	vld [tilespmem:s7+$0x3990]  }
0x6b8: {  	v29 =	vld [tilespmem:s7+$0x3A10]  }
0x6b9: {  	v30 =	vld [tilespmem:s7+$0x3A90]  }
0x6ba: {  	v31 =	vld [tilespmem:s7+$0x3B10]  }
0x6bb: {  	[tilespmem:s7+$0xE260] =	vst.add.f32.msk $0xffff, v0  }
0x6bc: {  	v0 =	vld [tilespmem:$0x1F610]  }
0x6bd: {  	v32 =	vld [tilespmem:s7+$0x3B90]  }
0x6be: {  	v33 =	vld [tilespmem:s7+$0x2020]  }
0x6bf: {  	v34 =	vld [tilespmem:s7+$0x20A0]  }
0x6c0: {  	v35 =	vld [tilespmem:s7+$0x2120]  }
0x6c1: {  	[tilespmem:s7+$0xE2E0] =	vst.add.f32.msk $0xffff, v0  }
0x6c2: {  	v0 =	vld [tilespmem:$0x1F620]  }
0x6c3: {  	v36 =	vld [tilespmem:s7+$0x21A0]  }
0x6c4: {  	v37 =	vld [tilespmem:s7+$0x2220]  }
0x6c5: {  	v38 =	vld [tilespmem:s7+$0x22A0]  }
0x6c6: {  	v39 =	vld [tilespmem:s7+$0x2320]  }
0x6c7: {  	[tilespmem:s7+$0xE360] =	vst.add.f32.msk $0xffff, v0  }
0x6c8: {  	v0 =	vld [tilespmem:$0x1F630]  }
0x6c9: {  	v40 =	vld [tilespmem:s7+$0x23A0]  }
0x6ca: {  	v41 =	vld [tilespmem:s7+$0x3820]  }
0x6cb: {  	v42 =	vld [tilespmem:s7+$0x38A0]  }
0x6cc: {  	v43 =	vld [tilespmem:s7+$0x3920]  }
0x6cd: {  	[tilespmem:s7+$0xE3E0] =	vst.add.f32.msk $0xffff, v0  }
0x6ce: {  	v0 =	vld [tilespmem:$0x1F640]  }
0x6cf: {  	v44 =	vld [tilespmem:s7+$0x39A0]  }
0x6d0: {  	v45 =	vld [tilespmem:s7+$0x3A20]  }
0x6d1: {  	v46 =	vld [tilespmem:s7+$0x3AA0]  }
0x6d2: {  	v47 =	vld [tilespmem:s7+$0x3B20]  }
0x6d3: {  	[tilespmem:s7+$0xF860] =	vst.add.f32.msk $0xffff, v0  }
0x6d4: {  	v0 =	vld [tilespmem:$0x1F650]  }
0x6d5: {  	v48 =	vld [tilespmem:s7+$0x3BA0]  }
0x6d6: {  	v49 =	vld [tilespmem:s7+$0x2030]  }
0x6d7: {  	v50 =	vld [tilespmem:s7+$0x20B0]  }
0x6d8: {  	v51 =	vld [tilespmem:s7+$0x2130]  }
0x6d9: {  	[tilespmem:s7+$0xF8E0] =	vst.add.f32.msk $0xffff, v0  }
0x6da: {  	v0 =	vld [tilespmem:$0x1F660]  }
0x6db: {  	v52 =	vld [tilespmem:s7+$0x21B0]  }
0x6dc: {  	v53 =	vld [tilespmem:s7+$0x2230]  }
0x6dd: {  	v54 =	vld [tilespmem:s7+$0x22B0]  }
0x6de: {  	v55 =	vld [tilespmem:s7+$0x2330]  }
0x6df: {  	[tilespmem:s7+$0xF960] =	vst.add.f32.msk $0xffff, v0  }
0x6e0: {  	v0 =	vld [tilespmem:$0x1F670]  }
0x6e1: {  	v56 =	vld [tilespmem:s7+$0x23B0]  }
0x6e2: {  	v57 =	vld [tilespmem:s7+$0x3830]  }
0x6e3: {  	v58 =	vld [tilespmem:s7+$0x38B0]  }
0x6e4: {  	v59 =	vld [tilespmem:s7+$0x3930]  }
0x6e5: {  	[tilespmem:s7+$0xF9E0] =	vst.add.f32.msk $0xffff, v0  }
0x6e6: {  	v0 =	vld [tilespmem:$0x1F680]  }
0x6e7: {  	v60 =	vld [tilespmem:s7+$0x39B0]  }
0x6e8: {  	v61 =	vld [tilespmem:s7+$0x3A30]  }
0x6e9: {  	v62 =	vld [tilespmem:s7+$0x3AB0]  }
0x6ea: {  	v63 =	vld [tilespmem:s7+$0x3B30]  }
0x6eb: {  	[tilespmem:s7+$0xFA60] =	vst.add.f32.msk $0xffff, v0  }
0x6ec: {  	v0 =	vld [tilespmem:$0x1F690]  }
0x6ed: {  	v4 =	vld [tilespmem:s7+$0x3BB0]  }
0x6ee: {  	v5 =	vld [tilespmem:s7+$0x2040]  }
0x6ef: {  	v6 =	vld [tilespmem:s7+$0x20C0]  }
0x6f0: {  	v7 =	vld [tilespmem:s7+$0x2140]  }
0x6f1: {  	[tilespmem:s7+$0xFAE0] =	vst.add.f32.msk $0xffff, v0  }
0x6f2: {  	v0 =	vld [tilespmem:$0x1F6A0]  }
0x6f3: {  	v3 =	vld [tilespmem:s7+$0x3B70]  }
0x6f4: {  	[tilespmem:s7+$0xE300] =	vst.add.f32.msk $0xffff, v2  }
0x6f5: {  	[tilespmem:s7+$0xE380] =	vst.add.f32.msk $0xffff, v8  }
0x6f6: {  	[tilespmem:s7+$0xF800] =	vst.add.f32.msk $0xffff, v9  }
0x6f7: {  	[tilespmem:s7+$0xFB60] =	vst.add.f32.msk $0xffff, v0  }
0x6f8: {  	v0 =	vld [tilespmem:$0x1F6B0]  }
0x6f9: {  	[tilespmem:s7+$0xF880] =	vst.add.f32.msk $0xffff, v10  }
0x6fa: {  	[tilespmem:s7+$0xF900] =	vst.add.f32.msk $0xffff, v11  }
0x6fb: {  	[tilespmem:s7+$0xF980] =	vst.add.f32.msk $0xffff, v12  }
0x6fc: {  	[tilespmem:s7+$0xFA00] =	vst.add.f32.msk $0xffff, v13  }
0x6fd: {  	[tilespmem:s7+$0xFBE0] =	vst.add.f32.msk $0xffff, v0  }
0x6fe: {  	v0 =	vld [tilespmem:$0x1F6C0]  }
0x6ff: {  	[tilespmem:s7+$0xFA80] =	vst.add.f32.msk $0xffff, v14  }
0x700: {  	[tilespmem:s7+$0xFB00] =	vst.add.f32.msk $0xffff, v15  }
0x701: {  	[tilespmem:s7+$0xFB80] =	vst.add.f32.msk $0xffff, v16  }
0x702: {  	[tilespmem:s7+$0xE010] =	vst.add.f32.msk $0xffff, v17  }
0x703: {  	[tilespmem:s7+$0xE070] =	vst.add.f32.msk $0xffff, v0  }
0x704: {  	v0 =	vld [tilespmem:$0x1F6D0]  }
0x705: {  	[tilespmem:s7+$0xE090] =	vst.add.f32.msk $0xffff, v18  }
0x706: {  	[tilespmem:s7+$0xE110] =	vst.add.f32.msk $0xffff, v19  }
0x707: {  	[tilespmem:s7+$0xE190] =	vst.add.f32.msk $0xffff, v20  }
0x708: {  	[tilespmem:s7+$0xE210] =	vst.add.f32.msk $0xffff, v21  }
0x709: {  	[tilespmem:s7+$0xE0F0] =	vst.add.f32.msk $0xffff, v0  }
0x70a: {  	v0 =	vld [tilespmem:$0x1F6E0]  }
0x70b: {  	[tilespmem:s7+$0xE290] =	vst.add.f32.msk $0xffff, v22  }
0x70c: {  	[tilespmem:s7+$0xE310] =	vst.add.f32.msk $0xffff, v23  }
0x70d: {  	[tilespmem:s7+$0xE390] =	vst.add.f32.msk $0xffff, v24  }
0x70e: {  	[tilespmem:s7+$0xF810] =	vst.add.f32.msk $0xffff, v25  }
0x70f: {  	[tilespmem:s7+$0xE170] =	vst.add.f32.msk $0xffff, v0  }
0x710: {  	v0 =	vld [tilespmem:$0x1F6F0]  }
0x711: {  	[tilespmem:s7+$0xF890] =	vst.add.f32.msk $0xffff, v26  }
0x712: {  	[tilespmem:s7+$0xF910] =	vst.add.f32.msk $0xffff, v27  }
0x713: {  	[tilespmem:s7+$0xF990] =	vst.add.f32.msk $0xffff, v28  }
0x714: {  	[tilespmem:s7+$0xFA10] =	vst.add.f32.msk $0xffff, v29  }
0x715: {  	[tilespmem:s7+$0xE1F0] =	vst.add.f32.msk $0xffff, v0  }
0x716: {  	v0 =	vld [tilespmem:$0x1F700]  }
0x717: {  	[tilespmem:s7+$0xFA90] =	vst.add.f32.msk $0xffff, v30  }
0x718: {  	[tilespmem:s7+$0xFB10] =	vst.add.f32.msk $0xffff, v31  }
0x719: {  	[tilespmem:s7+$0xFB90] =	vst.add.f32.msk $0xffff, v32  }
0x71a: {  	[tilespmem:s7+$0xE020] =	vst.add.f32.msk $0xffff, v33  }
0x71b: {  	[tilespmem:s7+$0xE270] =	vst.add.f32.msk $0xffff, v0  }
0x71c: {  	v0 =	vld [tilespmem:$0x1F710]  }
0x71d: {  	[tilespmem:s7+$0xE0A0] =	vst.add.f32.msk $0xffff, v34  }
0x71e: {  	[tilespmem:s7+$0xE120] =	vst.add.f32.msk $0xffff, v35  }
0x71f: {  	[tilespmem:s7+$0xE1A0] =	vst.add.f32.msk $0xffff, v36  }
0x720: {  	[tilespmem:s7+$0xE220] =	vst.add.f32.msk $0xffff, v37  }
0x721: {  	[tilespmem:s7+$0xE2F0] =	vst.add.f32.msk $0xffff, v0  }
0x722: {  	v0 =	vld [tilespmem:$0x1F720]  }
0x723: {  	[tilespmem:s7+$0xE2A0] =	vst.add.f32.msk $0xffff, v38  }
0x724: {  	[tilespmem:s7+$0xE320] =	vst.add.f32.msk $0xffff, v39  }
0x725: {  	[tilespmem:s7+$0xE3A0] =	vst.add.f32.msk $0xffff, v40  }
0x726: {  	[tilespmem:s7+$0xF820] =	vst.add.f32.msk $0xffff, v41  }
0x727: {  	[tilespmem:s7+$0xE370] =	vst.add.f32.msk $0xffff, v0  }
0x728: {  	v0 =	vld [tilespmem:$0x1F730]  }
0x729: {  	[tilespmem:s7+$0xF8A0] =	vst.add.f32.msk $0xffff, v42  }
0x72a: {  	[tilespmem:s7+$0xF920] =	vst.add.f32.msk $0xffff, v43  }
0x72b: {  	[tilespmem:s7+$0xF9A0] =	vst.add.f32.msk $0xffff, v44  }
0x72c: {  	[tilespmem:s7+$0xFA20] =	vst.add.f32.msk $0xffff, v45  }
0x72d: {  	[tilespmem:s7+$0xE3F0] =	vst.add.f32.msk $0xffff, v0  }
0x72e: {  	v0 =	vld [tilespmem:$0x1F740]  }
0x72f: {  	[tilespmem:s7+$0xFAA0] =	vst.add.f32.msk $0xffff, v46  }
0x730: {  	[tilespmem:s7+$0xFB20] =	vst.add.f32.msk $0xffff, v47  }
0x731: {  	[tilespmem:s7+$0xFBA0] =	vst.add.f32.msk $0xffff, v48  }
0x732: {  	[tilespmem:s7+$0xE030] =	vst.add.f32.msk $0xffff, v49  }
0x733: {  	[tilespmem:s7+$0xF870] =	vst.add.f32.msk $0xffff, v0  }
0x734: {  	v0 =	vld [tilespmem:$0x1F750]  }
0x735: {  	[tilespmem:s7+$0xE0B0] =	vst.add.f32.msk $0xffff, v50  }
0x736: {  	[tilespmem:s7+$0xE130] =	vst.add.f32.msk $0xffff, v51  }
0x737: {  	[tilespmem:s7+$0xE1B0] =	vst.add.f32.msk $0xffff, v52  }
0x738: {  	[tilespmem:s7+$0xE230] =	vst.add.f32.msk $0xffff, v53  }
0x739: {  	[tilespmem:s7+$0xF8F0] =	vst.add.f32.msk $0xffff, v0  }
0x73a: {  	v0 =	vld [tilespmem:$0x1F760]  }
0x73b: {  	[tilespmem:s7+$0xE2B0] =	vst.add.f32.msk $0xffff, v54  }
0x73c: {  	[tilespmem:s7+$0xE330] =	vst.add.f32.msk $0xffff, v55  }
0x73d: {  	[tilespmem:s7+$0xE3B0] =	vst.add.f32.msk $0xffff, v56  }
0x73e: {  	[tilespmem:s7+$0xF830] =	vst.add.f32.msk $0xffff, v57  }
0x73f: {  	[tilespmem:s7+$0xF970] =	vst.add.f32.msk $0xffff, v0  }
0x740: {  	v0 =	vld [tilespmem:$0x1F770]  }
0x741: {  	[tilespmem:s7+$0xF8B0] =	vst.add.f32.msk $0xffff, v58  }
0x742: {  	[tilespmem:s7+$0xF930] =	vst.add.f32.msk $0xffff, v59  }
0x743: {  	[tilespmem:s7+$0xF9B0] =	vst.add.f32.msk $0xffff, v60  }
0x744: {  	[tilespmem:s7+$0xFA30] =	vst.add.f32.msk $0xffff, v61  }
0x745: {  	[tilespmem:s7+$0xF9F0] =	vst.add.f32.msk $0xffff, v0  }
0x746: {  	v0 =	vld [tilespmem:$0x1F780]  }
0x747: {  	[tilespmem:s7+$0xFAB0] =	vst.add.f32.msk $0xffff, v62  }
0x748: {  	[tilespmem:s7+$0xFB30] =	vst.add.f32.msk $0xffff, v63  }
0x749: {  	[tilespmem:s7+$0xFBB0] =	vst.add.f32.msk $0xffff, v4  }
0x74a: {  	v1 =	vld [tilespmem:s7+$0x2280]  }
0x74b: {  	[tilespmem:s7+$0xFA70] =	vst.add.f32.msk $0xffff, v0  }
0x74c: {  	p2 =	slt.u32 s10, $0x28;
	v0 =	vld [tilespmem:$0x1F790]  }
.Ltmp7:
0x74d: {  	[tilespmem:s7+$0xE040] =	vst.add.f32.msk $0xffff, v5;
	(pc) =	sbr.rel @p2 .LBB2_12-.Ltmp7, $4  }
0x74e: {  	[tilespmem:s7+$0xE0C0] =	vst.add.f32.msk $0xffff, v6  }
0x74f: {  	[tilespmem:s7+$0xE140] =	vst.add.f32.msk $0xffff, v7  }
0x750: {  	[tilespmem:s7+$0xE280] =	vst.add.f32.msk $0xffff, v1  }
0x751: {  	s10 =	sadd.s32 $0x8, s10;
	[tilespmem:s7+$0xFAF0] =	vst.add.f32.msk $0xffff, v0  }
0x752: {  	s6 =	sadd.s32 s5, s6  }
0x753: {  	s6 =	sshrl.u32 s6, $0x3  }
0x754: {  	s6 =	smul.u32 $0x300, s6  }
0x755: {  	[tilespmem:s7+$0xFB70] =	vst.add.f32.msk $0xffff, v3  }
0x756: {  	_ =	strace $0x90000050;
	s6 =	sadd.s32 s3, s6  }
0x757: {  	[hbm4b:s6+s4] =	stream.linear.scatter [tilespmem:s31], [sflag:$0x1], $0x3000, $0x38;
	[tilespmem:$0x1A000] =	vst v63  }
.LBB2_14:
.Ltmp8:
0x758: {  	_ =	strace @!p0 $0x80000051;
	s6 =	simm.s32 @!p0 $0x4;
	(pc) =	sbr.rel @p1 .LBB2_18-.Ltmp8, $4  }
0x759: {  	_ =	swait.ge @!p0 [sflag:s6], $0x3000  }
0x75a: {  	[sflag:s6] =	ssyncset.done @!p0 $0x0  }
0x75b: {  	[sflag:s6] =	ssyncadd.s32 @!p0 $0xFFFFD000  }
0x75c: {  	_ =	strace @!p0 $0x90000051  }
0x75d: {  	s6 =	sshll.u32 s0, $0x6  }
0x75e: {  	s6 =	sand.u32 $0x3FFFFFC0, s6  }
0x75f: {  	v0 =	vld [tilespmem:s6+$0x30];
	_ =	sdelay $0x4  }
0x760: {  	v1 =	vshrl.u32 v0, $0x3  }
0x761: {  	v1 =	vmul.u32 $0x30, v1  }
0x762: {  	v0 =	vand.u32 $0x7, v0  }
0x763: {  	v0 =	vor.u32 v0, v1;
	v1 =	vld [tilespmem:$0x1FFD0];
	_ =	sdelay $0x1  }
0x764: {  	v2 =	vld [tilespmem:$0x1FFE0];
	_ =	sdelay $0x2  }
0x765: {  	v1 =	vperm.xlane v0, v1  }
0x766: {  	v3 =	vld [tilespmem:$0x1FFF0]  }
0x767: {  	v1 =	vadd.s32 v2, v1;
	_ =	sdelay $0x3  }
0x768: {  	s11 =	simm.s32 $0x0;
	v0 =	vperm.xlane v0, v3  }
0x769: {  	[tilespmem:s16], [sflag:$0x4] =	stream.indirect_vreg.gather [hbm4b:s2+s11], $0x80, v1, vm0, $0xb8;
	[tilespmem:$0x1A000] =	vst v63  }
0x76a: {  	v0 =	vadd.s32 v2, v0  }
0x76b: {  	[tilespmem:s17], [sflag:$0x4] =	stream.indirect_vreg.gather [hbm4b:s8+s11], $0x80, v1, vm0, $0xb8;
	[tilespmem:$0x1A000] =	vst v63  }
0x76c: {  	_ = 	snop  }
0x76d: {  	[tilespmem:s18], [sflag:$0x4] =	stream.indirect_vreg.gather [hbm4b:s9+s11], $0x80, v1, vm0, $0xb8;
	[tilespmem:$0x1A000] =	vst v63  }
0x76e: {  	_ = 	snop  }
0x76f: {  	[tilespmem:s19], [sflag:$0x4] =	stream.indirect_vreg.gather [hbm4b:s2+s11], $0x80, v0, vm0, $0xb8;
	[tilespmem:$0x1A000] =	vst v63  }
0x770: {  	_ = 	snop  }
0x771: {  	[tilespmem:s20], [sflag:$0x4] =	stream.indirect_vreg.gather [hbm4b:s8+s11], $0x80, v0, vm0, $0xb8;
	[tilespmem:$0x1A000] =	vst v63  }
0x772: {  	_ = 	snop  }
0x773: {  	[tilespmem:s21], [sflag:$0x4] =	stream.indirect_vreg.gather [hbm4b:s9+s11], $0x80, v0, vm0, $0xb8;
	[tilespmem:$0x1A000] =	vst v63  }
0x774: {  	_ =	strace $0x80000052  }
0x775: {  	_ =	swait.ge [sflag:s22], $0x3000  }
0x776: {  	[sflag:s22] =	ssyncset.done $0x0  }
0x777: {  	[sflag:s22] =	ssyncadd.s32 $0xFFFFD000  }
0x778: {  	_ =	strace $0x90000052  }
0x779: {  	s6 =	simm.s32 $0x0;
	_ =	strace $0x80000053  }
0x77a: {  	v0 =	vld [tilespmem:s6+$0x6BF0]  }
0x77b: {  	v1 =	vld [tilespmem:s6+$0x5000]  }
0x77c: {  	v2 =	vld [tilespmem:s6+$0x5080]  }
0x77d: {  	v3 =	vld [tilespmem:s6+$0x5100]  }
0x77e: {  	v4 =	vld [tilespmem:s6+$0x5180]  }
0x77f: {  	v5 =	vld [tilespmem:s6+$0x5280]  }
0x780: {  	v6 =	vld [tilespmem:s6+$0x5300]  }
0x781: {  	v7 =	vld [tilespmem:s6+$0x5380]  }
0x782: {  	v8 =	vld [tilespmem:s6+$0x6800]  }
0x783: {  	v9 =	vld [tilespmem:s6+$0x6880]  }
0x784: {  	v10 =	vld [tilespmem:s6+$0x6900]  }
0x785: {  	v11 =	vld [tilespmem:s6+$0x6980]  }
0x786: {  	v12 =	vld [tilespmem:s6+$0x6A00]  }
0x787: {  	v13 =	vld [tilespmem:s6+$0x6A80]  }
0x788: {  	v14 =	vld [tilespmem:s6+$0x6B00]  }
0x789: {  	v15 =	vld [tilespmem:s6+$0x6B80]  }
0x78a: {  	v41 =	vld [tilespmem:s6+$0x5310]  }
0x78b: {  	v42 =	vld [tilespmem:s6+$0x5390]  }
0x78c: {  	v43 =	vld [tilespmem:s6+$0x6810]  }
0x78d: {  	v44 =	vld [tilespmem:s6+$0x6890]  }
0x78e: {  	v45 =	vld [tilespmem:s6+$0x6910]  }
0x78f: {  	v46 =	vld [tilespmem:s6+$0x6990]  }
0x790: {  	v47 =	vld [tilespmem:s6+$0x6A10]  }
0x791: {  	v48 =	vld [tilespmem:s6+$0x6A90]  }
0x792: {  	v49 =	vld [tilespmem:s6+$0x6B10]  }
0x793: {  	v50 =	vld [tilespmem:s6+$0x6B90]  }
0x794: {  	v51 =	vld [tilespmem:s6+$0x5320]  }
0x795: {  	v52 =	vld [tilespmem:s6+$0x53A0]  }
0x796: {  	v53 =	vld [tilespmem:s6+$0x6820]  }
0x797: {  	v54 =	vld [tilespmem:s6+$0x68A0]  }
0x798: {  	v55 =	vld [tilespmem:s6+$0x6920]  }
0x799: {  	v56 =	vld [tilespmem:s6+$0x69A0]  }
0x79a: {  	v57 =	vld [tilespmem:s6+$0x6A20]  }
0x79b: {  	v58 =	vld [tilespmem:s6+$0x6AA0]  }
0x79c: {  	v59 =	vld [tilespmem:s6+$0x6B20]  }
0x79d: {  	v60 =	vld [tilespmem:s6+$0x6BA0]  }
0x79e: {  	v61 =	vld [tilespmem:s6+$0x5330]  }
0x79f: {  	v62 =	vld [tilespmem:s6+$0x53B0]  }
0x7a0: {  	v63 =	vld [tilespmem:s6+$0x6830]  }
0x7a1: {  	v18 =	vld [tilespmem:s6+$0x68B0]  }
0x7a2: {  	v19 =	vld [tilespmem:s6+$0x6930]  }
0x7a3: {  	v20 =	vld [tilespmem:s6+$0x69B0]  }
0x7a4: {  	v21 =	vld [tilespmem:s6+$0x6A30]  }
0x7a5: {  	v22 =	vld [tilespmem:s6+$0x6AB0]  }
0x7a6: {  	v23 =	vld [tilespmem:s6+$0x6B30]  }
0x7a7: {  	v24 =	vld [tilespmem:s6+$0x6BB0]  }
0x7a8: {  	v25 =	vld [tilespmem:s6+$0x5340]  }
0x7a9: {  	v26 =	vld [tilespmem:s6+$0x53C0]  }
0x7aa: {  	v27 =	vld [tilespmem:s6+$0x6840]  }
0x7ab: {  	v28 =	vld [tilespmem:s6+$0x68C0]  }
0x7ac: {  	v29 =	vld [tilespmem:s6+$0x6940]  }
0x7ad: {  	v30 =	vld [tilespmem:s6+$0x69C0]  }
0x7ae: {  	v31 =	vld [tilespmem:s6+$0x6A40]  }
0x7af: {  	v32 =	vld [tilespmem:s6+$0x6AC0]  }
0x7b0: {  	v33 =	vld [tilespmem:s6+$0x6B40]  }
0x7b1: {  	v34 =	vld [tilespmem:s6+$0x6BC0]  }
0x7b2: {  	v35 =	vld [tilespmem:s6+$0x5350]  }
0x7b3: {  	v36 =	vld [tilespmem:s6+$0x53D0]  }
0x7b4: {  	v37 =	vld [tilespmem:s6+$0x6850]  }
0x7b5: {  	v38 =	vld [tilespmem:s6+$0x68D0]  }
0x7b6: {  	v39 =	vld [tilespmem:s6+$0x6950]  }
0x7b7: {  	v40 =	vld [tilespmem:s6+$0x69D0]  }
0x7b8: {  	[tilespmem:s6+$0x12BF0] =	vst.add.f32.msk $0xffff, v0  }
0x7b9: {  	v0 =	vld [tilespmem:s6+$0x5200]  }
0x7ba: {  	[tilespmem:s6+$0x11000] =	vst.add.f32.msk $0xffff, v1  }
0x7bb: {  	v1 =	vld [tilespmem:s6+$0x5010]  }
0x7bc: {  	[tilespmem:s6+$0x11080] =	vst.add.f32.msk $0xffff, v2  }
0x7bd: {  	v2 =	vld [tilespmem:s6+$0x5090]  }
0x7be: {  	[tilespmem:s6+$0x11100] =	vst.add.f32.msk $0xffff, v3  }
0x7bf: {  	v3 =	vld [tilespmem:s6+$0x5110]  }
0x7c0: {  	[tilespmem:s6+$0x11180] =	vst.add.f32.msk $0xffff, v4  }
0x7c1: {  	v4 =	vld [tilespmem:s6+$0x5190]  }
0x7c2: {  	[tilespmem:s6+$0x11280] =	vst.add.f32.msk $0xffff, v5  }
0x7c3: {  	v5 =	vld [tilespmem:s6+$0x5290]  }
0x7c4: {  	[tilespmem:s6+$0x11300] =	vst.add.f32.msk $0xffff, v6  }
0x7c5: {  	[tilespmem:s6+$0x11380] =	vst.add.f32.msk $0xffff, v7  }
0x7c6: {  	[tilespmem:s6+$0x12800] =	vst.add.f32.msk $0xffff, v8  }
0x7c7: {  	[tilespmem:s6+$0x12880] =	vst.add.f32.msk $0xffff, v9  }
0x7c8: {  	[tilespmem:s6+$0x12900] =	vst.add.f32.msk $0xffff, v10  }
0x7c9: {  	[tilespmem:s6+$0x12980] =	vst.add.f32.msk $0xffff, v11  }
0x7ca: {  	[tilespmem:s6+$0x12A00] =	vst.add.f32.msk $0xffff, v12  }
0x7cb: {  	[tilespmem:s6+$0x12A80] =	vst.add.f32.msk $0xffff, v13  }
0x7cc: {  	[tilespmem:s6+$0x12B00] =	vst.add.f32.msk $0xffff, v14  }
0x7cd: {  	[tilespmem:s6+$0x12B80] =	vst.add.f32.msk $0xffff, v15  }
0x7ce: {  	[tilespmem:s6+$0x11310] =	vst.add.f32.msk $0xffff, v41  }
0x7cf: {  	[tilespmem:s6+$0x11390] =	vst.add.f32.msk $0xffff, v42  }
0x7d0: {  	[tilespmem:s6+$0x12810] =	vst.add.f32.msk $0xffff, v43  }
0x7d1: {  	[tilespmem:s6+$0x12890] =	vst.add.f32.msk $0xffff, v44  }
0x7d2: {  	[tilespmem:s6+$0x12910] =	vst.add.f32.msk $0xffff, v45  }
0x7d3: {  	[tilespmem:s6+$0x12990] =	vst.add.f32.msk $0xffff, v46  }
0x7d4: {  	[tilespmem:s6+$0x12A10] =	vst.add.f32.msk $0xffff, v47  }
0x7d5: {  	[tilespmem:s6+$0x12A90] =	vst.add.f32.msk $0xffff, v48  }
0x7d6: {  	[tilespmem:s6+$0x12B10] =	vst.add.f32.msk $0xffff, v49  }
0x7d7: {  	[tilespmem:s6+$0x12B90] =	vst.add.f32.msk $0xffff, v50  }
0x7d8: {  	[tilespmem:s6+$0x11320] =	vst.add.f32.msk $0xffff, v51  }
0x7d9: {  	[tilespmem:s6+$0x113A0] =	vst.add.f32.msk $0xffff, v52  }
0x7da: {  	[tilespmem:s6+$0x12820] =	vst.add.f32.msk $0xffff, v53  }
0x7db: {  	[tilespmem:s6+$0x128A0] =	vst.add.f32.msk $0xffff, v54  }
0x7dc: {  	[tilespmem:s6+$0x12920] =	vst.add.f32.msk $0xffff, v55  }
0x7dd: {  	[tilespmem:s6+$0x129A0] =	vst.add.f32.msk $0xffff, v56  }
0x7de: {  	[tilespmem:s6+$0x12A20] =	vst.add.f32.msk $0xffff, v57  }
0x7df: {  	[tilespmem:s6+$0x12AA0] =	vst.add.f32.msk $0xffff, v58  }
0x7e0: {  	[tilespmem:s6+$0x12B20] =	vst.add.f32.msk $0xffff, v59  }
0x7e1: {  	[tilespmem:s6+$0x12BA0] =	vst.add.f32.msk $0xffff, v60  }
0x7e2: {  	[tilespmem:s6+$0x11330] =	vst.add.f32.msk $0xffff, v61  }
0x7e3: {  	[tilespmem:s6+$0x113B0] =	vst.add.f32.msk $0xffff, v62  }
0x7e4: {  	[tilespmem:s6+$0x12830] =	vst.add.f32.msk $0xffff, v63  }
0x7e5: {  	[tilespmem:s6+$0x128B0] =	vst.add.f32.msk $0xffff, v18  }
0x7e6: {  	[tilespmem:s6+$0x12930] =	vst.add.f32.msk $0xffff, v19  }
0x7e7: {  	[tilespmem:s6+$0x129B0] =	vst.add.f32.msk $0xffff, v20  }
0x7e8: {  	[tilespmem:s6+$0x12A30] =	vst.add.f32.msk $0xffff, v21  }
0x7e9: {  	[tilespmem:s6+$0x12AB0] =	vst.add.f32.msk $0xffff, v22  }
0x7ea: {  	[tilespmem:s6+$0x12B30] =	vst.add.f32.msk $0xffff, v23  }
0x7eb: {  	[tilespmem:s6+$0x12BB0] =	vst.add.f32.msk $0xffff, v24  }
0x7ec: {  	[tilespmem:s6+$0x11340] =	vst.add.f32.msk $0xffff, v25  }
0x7ed: {  	[tilespmem:s6+$0x113C0] =	vst.add.f32.msk $0xffff, v26  }
0x7ee: {  	[tilespmem:s6+$0x12840] =	vst.add.f32.msk $0xffff, v27  }
0x7ef: {  	[tilespmem:s6+$0x128C0] =	vst.add.f32.msk $0xffff, v28  }
0x7f0: {  	[tilespmem:s6+$0x12940] =	vst.add.f32.msk $0xffff, v29  }
0x7f1: {  	[tilespmem:s6+$0x129C0] =	vst.add.f32.msk $0xffff, v30  }
0x7f2: {  	[tilespmem:s6+$0x12A40] =	vst.add.f32.msk $0xffff, v31  }
0x7f3: {  	v41 =	vld [tilespmem:s6+$0x6A50]  }
0x7f4: {  	[tilespmem:s6+$0x12AC0] =	vst.add.f32.msk $0xffff, v32  }
0x7f5: {  	v42 =	vld [tilespmem:s6+$0x6AD0]  }
0x7f6: {  	[tilespmem:s6+$0x12B40] =	vst.add.f32.msk $0xffff, v33  }
0x7f7: {  	v43 =	vld [tilespmem:s6+$0x6B50]  }
0x7f8: {  	[tilespmem:s6+$0x12BC0] =	vst.add.f32.msk $0xffff, v34  }
0x7f9: {  	v44 =	vld [tilespmem:s6+$0x6BD0]  }
0x7fa: {  	[tilespmem:s6+$0x11350] =	vst.add.f32.msk $0xffff, v35  }
0x7fb: {  	v45 =	vld [tilespmem:s6+$0x5360]  }
0x7fc: {  	[tilespmem:s6+$0x113D0] =	vst.add.f32.msk $0xffff, v36  }
0x7fd: {  	v46 =	vld [tilespmem:s6+$0x53E0]  }
0x7fe: {  	[tilespmem:s6+$0x12850] =	vst.add.f32.msk $0xffff, v37  }
0x7ff: {  	v47 =	vld [tilespmem:s6+$0x6860]  }
0x800: {  	[tilespmem:s6+$0x128D0] =	vst.add.f32.msk $0xffff, v38  }
0x801: {  	v48 =	vld [tilespmem:s6+$0x68E0]  }
0x802: {  	[tilespmem:s6+$0x12950] =	vst.add.f32.msk $0xffff, v39  }
0x803: {  	v49 =	vld [tilespmem:s6+$0x6960]  }
0x804: {  	[tilespmem:s6+$0x129D0] =	vst.add.f32.msk $0xffff, v40  }
0x805: {  	v50 =	vld [tilespmem:s6+$0x69E0]  }
0x806: {  	v51 =	vld [tilespmem:s6+$0x6A60]  }
0x807: {  	v52 =	vld [tilespmem:s6+$0x6AE0]  }
0x808: {  	v53 =	vld [tilespmem:s6+$0x6B60]  }
0x809: {  	v54 =	vld [tilespmem:s6+$0x6BE0]  }
0x80a: {  	v55 =	vld [tilespmem:s6+$0x52F0]  }
0x80b: {  	v56 =	vld [tilespmem:s6+$0x5370]  }
0x80c: {  	v57 =	vld [tilespmem:s6+$0x53F0]  }
0x80d: {  	v58 =	vld [tilespmem:s6+$0x6870]  }
0x80e: {  	v59 =	vld [tilespmem:s6+$0x68F0]  }
0x80f: {  	v60 =	vld [tilespmem:s6+$0x6970]  }
0x810: {  	v61 =	vld [tilespmem:s6+$0x69F0]  }
0x811: {  	v62 =	vld [tilespmem:s6+$0x6A70]  }
0x812: {  	v63 =	vld [tilespmem:s6+$0x6AF0]  }
0x813: {  	[tilespmem:s6+$0x11200] =	vst.add.f32.msk $0xffff, v0  }
0x814: {  	v0 =	vld [tilespmem:s6+$0x5210]  }
0x815: {  	[tilespmem:s6+$0x11010] =	vst.add.f32.msk $0xffff, v1  }
0x816: {  	v1 =	vld [tilespmem:s6+$0x5020]  }
0x817: {  	[tilespmem:s6+$0x11090] =	vst.add.f32.msk $0xffff, v2  }
0x818: {  	v2 =	vld [tilespmem:s6+$0x50A0]  }
0x819: {  	[tilespmem:s6+$0x11110] =	vst.add.f32.msk $0xffff, v3  }
0x81a: {  	v3 =	vld [tilespmem:s6+$0x5120]  }
0x81b: {  	[tilespmem:s6+$0x11190] =	vst.add.f32.msk $0xffff, v4  }
0x81c: {  	v4 =	vld [tilespmem:s6+$0x51A0]  }
0x81d: {  	[tilespmem:s6+$0x11290] =	vst.add.f32.msk $0xffff, v5  }
0x81e: {  	v5 =	vld [tilespmem:s6+$0x52A0]  }
0x81f: {  	[tilespmem:s6+$0x12A50] =	vst.add.f32.msk $0xffff, v41  }
0x820: {  	[tilespmem:s6+$0x12AD0] =	vst.add.f32.msk $0xffff, v42  }
0x821: {  	[tilespmem:s6+$0x12B50] =	vst.add.f32.msk $0xffff, v43  }
0x822: {  	[tilespmem:s6+$0x12BD0] =	vst.add.f32.msk $0xffff, v44  }
0x823: {  	[tilespmem:s6+$0x11360] =	vst.add.f32.msk $0xffff, v45  }
0x824: {  	[tilespmem:s6+$0x113E0] =	vst.add.f32.msk $0xffff, v46  }
0x825: {  	[tilespmem:s6+$0x12860] =	vst.add.f32.msk $0xffff, v47  }
0x826: {  	[tilespmem:s6+$0x128E0] =	vst.add.f32.msk $0xffff, v48  }
0x827: {  	[tilespmem:s6+$0x12960] =	vst.add.f32.msk $0xffff, v49  }
0x828: {  	[tilespmem:s6+$0x129E0] =	vst.add.f32.msk $0xffff, v50  }
0x829: {  	[tilespmem:s6+$0x12A60] =	vst.add.f32.msk $0xffff, v51  }
0x82a: {  	[tilespmem:s6+$0x12AE0] =	vst.add.f32.msk $0xffff, v52  }
0x82b: {  	[tilespmem:s6+$0x12B60] =	vst.add.f32.msk $0xffff, v53  }
0x82c: {  	[tilespmem:s6+$0x12BE0] =	vst.add.f32.msk $0xffff, v54  }
0x82d: {  	[tilespmem:s6+$0x112F0] =	vst.add.f32.msk $0xffff, v55  }
0x82e: {  	[tilespmem:s6+$0x11370] =	vst.add.f32.msk $0xffff, v56  }
0x82f: {  	[tilespmem:s6+$0x113F0] =	vst.add.f32.msk $0xffff, v57  }
0x830: {  	[tilespmem:s6+$0x12870] =	vst.add.f32.msk $0xffff, v58  }
0x831: {  	[tilespmem:s6+$0x128F0] =	vst.add.f32.msk $0xffff, v59  }
0x832: {  	[tilespmem:s6+$0x12970] =	vst.add.f32.msk $0xffff, v60  }
0x833: {  	[tilespmem:s6+$0x129F0] =	vst.add.f32.msk $0xffff, v61  }
0x834: {  	[tilespmem:s6+$0x12A70] =	vst.add.f32.msk $0xffff, v62  }
0x835: {  	[tilespmem:s6+$0x12AF0] =	vst.add.f32.msk $0xffff, v63  }
0x836: {  	[tilespmem:s6+$0x11210] =	vst.add.f32.msk $0xffff, v0  }
0x837: {  	v0 =	vld [tilespmem:s6+$0x5220]  }
0x838: {  	[tilespmem:s6+$0x11020] =	vst.add.f32.msk $0xffff, v1  }
0x839: {  	v1 =	vld [tilespmem:s6+$0x5030]  }
0x83a: {  	[tilespmem:s6+$0x110A0] =	vst.add.f32.msk $0xffff, v2  }
0x83b: {  	v2 =	vld [tilespmem:s6+$0x50B0]  }
0x83c: {  	[tilespmem:s6+$0x11120] =	vst.add.f32.msk $0xffff, v3  }
0x83d: {  	v3 =	vld [tilespmem:s6+$0x5130]  }
0x83e: {  	[tilespmem:s6+$0x111A0] =	vst.add.f32.msk $0xffff, v4  }
0x83f: {  	v4 =	vld [tilespmem:s6+$0x51B0]  }
0x840: {  	[tilespmem:s6+$0x112A0] =	vst.add.f32.msk $0xffff, v5  }
0x841: {  	v5 =	vld [tilespmem:s6+$0x52B0]  }
0x842: {  	[tilespmem:s6+$0x11220] =	vst.add.f32.msk $0xffff, v0  }
0x843: {  	v0 =	vld [tilespmem:s6+$0x5230]  }
0x844: {  	[tilespmem:s6+$0x11030] =	vst.add.f32.msk $0xffff, v1  }
0x845: {  	v1 =	vld [tilespmem:s6+$0x5040]  }
0x846: {  	[tilespmem:s6+$0x110B0] =	vst.add.f32.msk $0xffff, v2  }
0x847: {  	v2 =	vld [tilespmem:s6+$0x50C0]  }
0x848: {  	[tilespmem:s6+$0x11130] =	vst.add.f32.msk $0xffff, v3  }
0x849: {  	v3 =	vld [tilespmem:s6+$0x5140]  }
0x84a: {  	[tilespmem:s6+$0x111B0] =	vst.add.f32.msk $0xffff, v4  }
0x84b: {  	v4 =	vld [tilespmem:s6+$0x51C0]  }
0x84c: {  	[tilespmem:s6+$0x112B0] =	vst.add.f32.msk $0xffff, v5  }
0x84d: {  	v5 =	vld [tilespmem:s6+$0x52C0]  }
0x84e: {  	[tilespmem:s6+$0x11230] =	vst.add.f32.msk $0xffff, v0  }
0x84f: {  	v0 =	vld [tilespmem:s6+$0x5240]  }
0x850: {  	[tilespmem:s6+$0x11040] =	vst.add.f32.msk $0xffff, v1  }
0x851: {  	v1 =	vld [tilespmem:s6+$0x5050]  }
0x852: {  	[tilespmem:s6+$0x110C0] =	vst.add.f32.msk $0xffff, v2  }
0x853: {  	v2 =	vld [tilespmem:s6+$0x50D0]  }
0x854: {  	[tilespmem:s6+$0x11140] =	vst.add.f32.msk $0xffff, v3  }
0x855: {  	v3 =	vld [tilespmem:s6+$0x5150]  }
0x856: {  	[tilespmem:s6+$0x111C0] =	vst.add.f32.msk $0xffff, v4  }
0x857: {  	v4 =	vld [tilespmem:s6+$0x51D0]  }
0x858: {  	[tilespmem:s6+$0x112C0] =	vst.add.f32.msk $0xffff, v5  }
0x859: {  	v5 =	vld [tilespmem:s6+$0x52D0]  }
0x85a: {  	[tilespmem:s6+$0x11240] =	vst.add.f32.msk $0xffff, v0  }
0x85b: {  	v0 =	vld [tilespmem:s6+$0x5250]  }
0x85c: {  	[tilespmem:s6+$0x11050] =	vst.add.f32.msk $0xffff, v1  }
0x85d: {  	v1 =	vld [tilespmem:s6+$0x5060]  }
0x85e: {  	[tilespmem:s6+$0x110D0] =	vst.add.f32.msk $0xffff, v2  }
0x85f: {  	v2 =	vld [tilespmem:s6+$0x50E0]  }
0x860: {  	[tilespmem:s6+$0x11150] =	vst.add.f32.msk $0xffff, v3  }
0x861: {  	v3 =	vld [tilespmem:s6+$0x5160]  }
0x862: {  	[tilespmem:s6+$0x111D0] =	vst.add.f32.msk $0xffff, v4  }
0x863: {  	v4 =	vld [tilespmem:s6+$0x51E0]  }
0x864: {  	[tilespmem:s6+$0x112D0] =	vst.add.f32.msk $0xffff, v5  }
0x865: {  	v5 =	vld [tilespmem:s6+$0x52E0]  }
0x866: {  	[tilespmem:s6+$0x11250] =	vst.add.f32.msk $0xffff, v0  }
0x867: {  	v0 =	vld [tilespmem:s6+$0x5260]  }
0x868: {  	[tilespmem:s6+$0x11060] =	vst.add.f32.msk $0xffff, v1  }
0x869: {  	[tilespmem:s6+$0x110E0] =	vst.add.f32.msk $0xffff, v2  }
0x86a: {  	v1 =	vld [tilespmem:s6+$0x5070]  }
0x86b: {  	[tilespmem:s6+$0x11160] =	vst.add.f32.msk $0xffff, v3  }
0x86c: {  	v2 =	vld [tilespmem:s6+$0x50F0]  }
0x86d: {  	[tilespmem:s6+$0x111E0] =	vst.add.f32.msk $0xffff, v4  }
0x86e: {  	v4 =	vld [tilespmem:s6+$0x5170]  }
0x86f: {  	[tilespmem:s6+$0x112E0] =	vst.add.f32.msk $0xffff, v5  }
0x870: {  	v5 =	vld [tilespmem:s6+$0x5270]  }
0x871: {  	v3 =	vld [tilespmem:s6+$0x6B70]  }
0x872: {  	[tilespmem:s6+$0x11260] =	vst.add.f32.msk $0xffff, v0  }
0x873: {  	v0 =	vld [tilespmem:s6+$0x51F0]  }
0x874: {  	[tilespmem:s6+$0x11070] =	vst.add.f32.msk $0xffff, v1  }
0x875: {  	[tilespmem:s6+$0x110F0] =	vst.add.f32.msk $0xffff, v2  }
0x876: {  	[tilespmem:s6+$0x11170] =	vst.add.f32.msk $0xffff, v4  }
0x877: {  	[tilespmem:s6+$0x11270] =	vst.add.f32.msk $0xffff, v5  }
0x878: {  	s7 =	simm.s32 $0x8;
	[tilespmem:s6+$0x111F0] =	vst.add.f32.msk $0xffff, v0  }
.LBB2_16:
0x879: {  	[tilespmem:s6+$0x12B70] =	vst.add.f32.msk $0xffff, v3;
	s6 =	sshll.u32 s7, $0x7  }
0x87a: {  	v0 =	vld [tilespmem:s6+$0x6BF0];
	_ =	sdelay $0x4  }
0x87b: {  	[tilespmem:s6+$0x12BF0] =	vst.add.f32.msk $0xffff, v0  }
0x87c: {  	v0 =	vld [tilespmem:s6+$0x5200];
	_ =	sdelay $0x4  }
0x87d: {  	[tilespmem:$0x1EFE0] =	vst v0;
	v0 =	vld [tilespmem:s6+$0x51C0];
	_ =	sdelay $0x4  }
0x87e: {  	[tilespmem:$0x1EFF0] =	vst v0;
	v0 =	vld [tilespmem:s6+$0x5240];
	_ =	sdelay $0x4  }
0x87f: {  	[tilespmem:$0x1F000] =	vst v0;
	v0 =	vld [tilespmem:s6+$0x52C0];
	_ =	sdelay $0x4  }
0x880: {  	[tilespmem:$0x1F010] =	vst v0;
	v0 =	vld [tilespmem:s6+$0x5340];
	_ =	sdelay $0x4  }
0x881: {  	[tilespmem:$0x1F020] =	vst v0;
	v0 =	vld [tilespmem:s6+$0x53C0];
	_ =	sdelay $0x4  }
0x882: {  	[tilespmem:$0x1F030] =	vst v0;
	v0 =	vld [tilespmem:s6+$0x6840];
	_ =	sdelay $0x4  }
0x883: {  	[tilespmem:$0x1F040] =	vst v0;
	v0 =	vld [tilespmem:s6+$0x68C0];
	_ =	sdelay $0x4  }
0x884: {  	[tilespmem:$0x1F050] =	vst v0;
	v0 =	vld [tilespmem:s6+$0x6940];
	_ =	sdelay $0x4  }
0x885: {  	[tilespmem:$0x1F060] =	vst v0;
	v0 =	vld [tilespmem:s6+$0x69C0];
	_ =	sdelay $0x4  }
0x886: {  	[tilespmem:$0x1F070] =	vst v0;
	v0 =	vld [tilespmem:s6+$0x6A40];
	_ =	sdelay $0x4  }
0x887: {  	[tilespmem:$0x1F080] =	vst v0;
	v0 =	vld [tilespmem:s6+$0x6AC0];
	_ =	sdelay $0x4  }
0x888: {  	[tilespmem:$0x1F090] =	vst v0;
	v0 =	vld [tilespmem:s6+$0x6B40];
	_ =	sdelay $0x4  }
0x889: {  	[tilespmem:$0x1F0A0] =	vst v0;
	v0 =	vld [tilespmem:s6+$0x6BC0];
	_ =	sdelay $0x4  }
0x88a: {  	[tilespmem:$0x1F0B0] =	vst v0;
	v0 =	vld [tilespmem:s6+$0x5050];
	_ =	sdelay $0x4  }
0x88b: {  	[tilespmem:$0x1F0C0] =	vst v0;
	v0 =	vld [tilespmem:s6+$0x50D0];
	_ =	sdelay $0x4  }
0x88c: {  	[tilespmem:$0x1F0D0] =	vst v0;
	v0 =	vld [tilespmem:s6+$0x5150];
	_ =	sdelay $0x4  }
0x88d: {  	[tilespmem:$0x1F0E0] =	vst v0;
	v0 =	vld [tilespmem:s6+$0x51D0];
	_ =	sdelay $0x4  }
0x88e: {  	[tilespmem:$0x1F0F0] =	vst v0;
	v0 =	vld [tilespmem:s6+$0x5250];
	_ =	sdelay $0x4  }
0x88f: {  	[tilespmem:$0x1F100] =	vst v0;
	v0 =	vld [tilespmem:s6+$0x52D0];
	_ =	sdelay $0x4  }
0x890: {  	[tilespmem:$0x1F110] =	vst v0;
	v0 =	vld [tilespmem:s6+$0x5350];
	_ =	sdelay $0x4  }
0x891: {  	[tilespmem:$0x1F120] =	vst v0;
	v0 =	vld [tilespmem:s6+$0x53D0];
	_ =	sdelay $0x4  }
0x892: {  	[tilespmem:$0x1F130] =	vst v0;
	v0 =	vld [tilespmem:s6+$0x6850];
	_ =	sdelay $0x4  }
0x893: {  	[tilespmem:$0x1F140] =	vst v0;
	v0 =	vld [tilespmem:s6+$0x68D0];
	_ =	sdelay $0x4  }
0x894: {  	[tilespmem:$0x1F150] =	vst v0;
	v0 =	vld [tilespmem:s6+$0x6950];
	_ =	sdelay $0x4  }
0x895: {  	[tilespmem:$0x1F160] =	vst v0;
	v0 =	vld [tilespmem:s6+$0x69D0];
	_ =	sdelay $0x4  }
0x896: {  	[tilespmem:$0x1F170] =	vst v0;
	v0 =	vld [tilespmem:s6+$0x6A50];
	_ =	sdelay $0x4  }
0x897: {  	[tilespmem:$0x1F180] =	vst v0;
	v0 =	vld [tilespmem:s6+$0x6AD0];
	_ =	sdelay $0x4  }
0x898: {  	[tilespmem:$0x1F190] =	vst v0;
	v0 =	vld [tilespmem:s6+$0x6B50];
	_ =	sdelay $0x4  }
0x899: {  	[tilespmem:$0x1F1A0] =	vst v0;
	v0 =	vld [tilespmem:s6+$0x6BD0];
	_ =	sdelay $0x4  }
0x89a: {  	[tilespmem:$0x1F1B0] =	vst v0;
	v0 =	vld [tilespmem:s6+$0x5060];
	_ =	sdelay $0x4  }
0x89b: {  	[tilespmem:$0x1F1C0] =	vst v0;
	v0 =	vld [tilespmem:s6+$0x50E0];
	_ =	sdelay $0x4  }
0x89c: {  	[tilespmem:$0x1F1D0] =	vst v0;
	v0 =	vld [tilespmem:s6+$0x5160];
	_ =	sdelay $0x4  }
0x89d: {  	[tilespmem:$0x1F1E0] =	vst v0;
	v0 =	vld [tilespmem:s6+$0x51E0];
	_ =	sdelay $0x4  }
0x89e: {  	[tilespmem:$0x1F1F0] =	vst v0;
	v0 =	vld [tilespmem:s6+$0x5260];
	_ =	sdelay $0x4  }
0x89f: {  	[tilespmem:$0x1F200] =	vst v0;
	v0 =	vld [tilespmem:s6+$0x52E0];
	_ =	sdelay $0x4  }
0x8a0: {  	[tilespmem:$0x1F210] =	vst v0;
	v0 =	vld [tilespmem:s6+$0x5360];
	_ =	sdelay $0x4  }
0x8a1: {  	[tilespmem:$0x1F220] =	vst v0;
	v0 =	vld [tilespmem:s6+$0x53E0];
	_ =	sdelay $0x4  }
0x8a2: {  	[tilespmem:$0x1F230] =	vst v0;
	v0 =	vld [tilespmem:s6+$0x6860];
	_ =	sdelay $0x4  }
0x8a3: {  	[tilespmem:$0x1F240] =	vst v0;
	v0 =	vld [tilespmem:s6+$0x68E0];
	_ =	sdelay $0x4  }
0x8a4: {  	[tilespmem:$0x1F250] =	vst v0;
	v0 =	vld [tilespmem:s6+$0x6960];
	_ =	sdelay $0x4  }
0x8a5: {  	[tilespmem:$0x1F260] =	vst v0;
	v0 =	vld [tilespmem:s6+$0x69E0];
	_ =	sdelay $0x4  }
0x8a6: {  	[tilespmem:$0x1F270] =	vst v0;
	v0 =	vld [tilespmem:s6+$0x6A60];
	_ =	sdelay $0x4  }
0x8a7: {  	[tilespmem:$0x1F280] =	vst v0;
	v0 =	vld [tilespmem:s6+$0x6AE0];
	_ =	sdelay $0x4  }
0x8a8: {  	[tilespmem:$0x1F290] =	vst v0;
	v0 =	vld [tilespmem:s6+$0x6B60];
	_ =	sdelay $0x4  }
0x8a9: {  	[tilespmem:$0x1F2A0] =	vst v0;
	v0 =	vld [tilespmem:s6+$0x6BE0];
	_ =	sdelay $0x4  }
0x8aa: {  	[tilespmem:$0x1F2B0] =	vst v0;
	v0 =	vld [tilespmem:s6+$0x5070];
	_ =	sdelay $0x4  }
0x8ab: {  	[tilespmem:$0x1F2C0] =	vst v0;
	v0 =	vld [tilespmem:s6+$0x50F0];
	_ =	sdelay $0x4  }
0x8ac: {  	[tilespmem:$0x1F2D0] =	vst v0;
	v0 =	vld [tilespmem:s6+$0x5170];
	_ =	sdelay $0x4  }
0x8ad: {  	[tilespmem:$0x1F2E0] =	vst v0;
	v0 =	vld [tilespmem:s6+$0x51F0];
	_ =	sdelay $0x4  }
0x8ae: {  	[tilespmem:$0x1F2F0] =	vst v0;
	v0 =	vld [tilespmem:s6+$0x5270];
	_ =	sdelay $0x4  }
0x8af: {  	[tilespmem:$0x1F300] =	vst v0;
	v0 =	vld [tilespmem:s6+$0x52F0];
	_ =	sdelay $0x4  }
0x8b0: {  	[tilespmem:$0x1F310] =	vst v0;
	v0 =	vld [tilespmem:s6+$0x5370];
	_ =	sdelay $0x4  }
0x8b1: {  	[tilespmem:$0x1F320] =	vst v0;
	v0 =	vld [tilespmem:s6+$0x53F0];
	_ =	sdelay $0x4  }
0x8b2: {  	[tilespmem:$0x1F330] =	vst v0;
	v0 =	vld [tilespmem:s6+$0x6870];
	_ =	sdelay $0x4  }
0x8b3: {  	[tilespmem:$0x1F340] =	vst v0;
	v0 =	vld [tilespmem:s6+$0x68F0];
	_ =	sdelay $0x4  }
0x8b4: {  	[tilespmem:$0x1F350] =	vst v0;
	v0 =	vld [tilespmem:s6+$0x6970];
	_ =	sdelay $0x4  }
0x8b5: {  	[tilespmem:$0x1F360] =	vst v0;
	v0 =	vld [tilespmem:s6+$0x69F0];
	_ =	sdelay $0x4  }
0x8b6: {  	[tilespmem:$0x1F370] =	vst v0;
	v0 =	vld [tilespmem:s6+$0x6A70];
	_ =	sdelay $0x3  }
0x8b7: {  	v1 =	vld [tilespmem:s6+$0x5000]  }
0x8b8: {  	[tilespmem:$0x1F380] =	vst v0;
	v0 =	vld [tilespmem:s6+$0x6AF0];
	_ =	sdelay $0x3  }
0x8b9: {  	[tilespmem:$0x1EFA0] =	vst v1;
	v1 =	vld [tilespmem:s6+$0x5080]  }
0x8ba: {  	[tilespmem:$0x1F390] =	vst v0;
	v0 =	vld [tilespmem:$0x1EFA0];
	_ =	sdelay $0x3  }
0x8bb: {  	[tilespmem:$0x1EFB0] =	vst v1;
	v1 =	vld [tilespmem:s6+$0x5100]  }
0x8bc: {  	[tilespmem:s6+$0x11000] =	vst.add.f32.msk $0xffff, v0  }
0x8bd: {  	v0 =	vld [tilespmem:$0x1EFB0];
	_ =	sdelay $0x3  }
0x8be: {  	[tilespmem:$0x1EFC0] =	vst v1;
	v1 =	vld [tilespmem:s6+$0x5180]  }
0x8bf: {  	[tilespmem:s6+$0x11080] =	vst.add.f32.msk $0xffff, v0  }
0x8c0: {  	v0 =	vld [tilespmem:$0x1EFC0];
	_ =	sdelay $0x3  }
0x8c1: {  	[tilespmem:$0x1EFD0] =	vst v1  }
0x8c2: {  	[tilespmem:s6+$0x11100] =	vst.add.f32.msk $0xffff, v0  }
0x8c3: {  	v0 =	vld [tilespmem:$0x1EFD0];
	_ =	sdelay $0x4  }
0x8c4: {  	[tilespmem:s6+$0x11180] =	vst.add.f32.msk $0xffff, v0  }
0x8c5: {  	v0 =	vld [tilespmem:$0x1EFE0];
	_ =	sdelay $0x4  }
0x8c6: {  	[tilespmem:s6+$0x11200] =	vst.add.f32.msk $0xffff, v0  }
0x8c7: {  	v0 =	vld [tilespmem:$0x1EFF0];
	_ =	sdelay $0x4  }
0x8c8: {  	[tilespmem:s6+$0x111C0] =	vst.add.f32.msk $0xffff, v0  }
0x8c9: {  	v0 =	vld [tilespmem:$0x1F000];
	_ =	sdelay $0x4  }
0x8ca: {  	[tilespmem:s6+$0x11240] =	vst.add.f32.msk $0xffff, v0  }
0x8cb: {  	v0 =	vld [tilespmem:$0x1F010];
	_ =	sdelay $0x4  }
0x8cc: {  	[tilespmem:s6+$0x112C0] =	vst.add.f32.msk $0xffff, v0  }
0x8cd: {  	v0 =	vld [tilespmem:$0x1F020];
	_ =	sdelay $0x4  }
0x8ce: {  	[tilespmem:s6+$0x11340] =	vst.add.f32.msk $0xffff, v0  }
0x8cf: {  	v0 =	vld [tilespmem:$0x1F030];
	_ =	sdelay $0x4  }
0x8d0: {  	[tilespmem:s6+$0x113C0] =	vst.add.f32.msk $0xffff, v0  }
0x8d1: {  	v0 =	vld [tilespmem:$0x1F040];
	_ =	sdelay $0x4  }
0x8d2: {  	[tilespmem:s6+$0x12840] =	vst.add.f32.msk $0xffff, v0  }
0x8d3: {  	v0 =	vld [tilespmem:$0x1F050];
	_ =	sdelay $0x4  }
0x8d4: {  	[tilespmem:s6+$0x128C0] =	vst.add.f32.msk $0xffff, v0  }
0x8d5: {  	v0 =	vld [tilespmem:$0x1F060];
	_ =	sdelay $0x4  }
0x8d6: {  	[tilespmem:s6+$0x12940] =	vst.add.f32.msk $0xffff, v0  }
0x8d7: {  	v0 =	vld [tilespmem:$0x1F070];
	_ =	sdelay $0x4  }
0x8d8: {  	[tilespmem:s6+$0x129C0] =	vst.add.f32.msk $0xffff, v0  }
0x8d9: {  	v0 =	vld [tilespmem:$0x1F080];
	_ =	sdelay $0x4  }
0x8da: {  	[tilespmem:s6+$0x12A40] =	vst.add.f32.msk $0xffff, v0  }
0x8db: {  	v0 =	vld [tilespmem:$0x1F090];
	_ =	sdelay $0x4  }
0x8dc: {  	[tilespmem:s6+$0x12AC0] =	vst.add.f32.msk $0xffff, v0  }
0x8dd: {  	v0 =	vld [tilespmem:$0x1F0A0];
	_ =	sdelay $0x4  }
0x8de: {  	[tilespmem:s6+$0x12B40] =	vst.add.f32.msk $0xffff, v0  }
0x8df: {  	v0 =	vld [tilespmem:$0x1F0B0];
	_ =	sdelay $0x4  }
0x8e0: {  	[tilespmem:s6+$0x12BC0] =	vst.add.f32.msk $0xffff, v0  }
0x8e1: {  	v0 =	vld [tilespmem:$0x1F0C0];
	_ =	sdelay $0x4  }
0x8e2: {  	[tilespmem:s6+$0x11050] =	vst.add.f32.msk $0xffff, v0  }
0x8e3: {  	v0 =	vld [tilespmem:$0x1F0D0];
	_ =	sdelay $0x4  }
0x8e4: {  	[tilespmem:s6+$0x110D0] =	vst.add.f32.msk $0xffff, v0  }
0x8e5: {  	v0 =	vld [tilespmem:$0x1F0E0];
	_ =	sdelay $0x4  }
0x8e6: {  	[tilespmem:s6+$0x11150] =	vst.add.f32.msk $0xffff, v0  }
0x8e7: {  	v0 =	vld [tilespmem:$0x1F0F0];
	_ =	sdelay $0x4  }
0x8e8: {  	[tilespmem:s6+$0x111D0] =	vst.add.f32.msk $0xffff, v0  }
0x8e9: {  	v0 =	vld [tilespmem:$0x1F100];
	_ =	sdelay $0x4  }
0x8ea: {  	[tilespmem:s6+$0x11250] =	vst.add.f32.msk $0xffff, v0  }
0x8eb: {  	v0 =	vld [tilespmem:$0x1F110];
	_ =	sdelay $0x4  }
0x8ec: {  	[tilespmem:s6+$0x112D0] =	vst.add.f32.msk $0xffff, v0  }
0x8ed: {  	v0 =	vld [tilespmem:$0x1F120];
	_ =	sdelay $0x4  }
0x8ee: {  	[tilespmem:s6+$0x11350] =	vst.add.f32.msk $0xffff, v0  }
0x8ef: {  	v0 =	vld [tilespmem:$0x1F130];
	_ =	sdelay $0x4  }
0x8f0: {  	[tilespmem:s6+$0x113D0] =	vst.add.f32.msk $0xffff, v0  }
0x8f1: {  	v0 =	vld [tilespmem:$0x1F140];
	_ =	sdelay $0x4  }
0x8f2: {  	[tilespmem:s6+$0x12850] =	vst.add.f32.msk $0xffff, v0  }
0x8f3: {  	v0 =	vld [tilespmem:$0x1F150];
	_ =	sdelay $0x4  }
0x8f4: {  	[tilespmem:s6+$0x128D0] =	vst.add.f32.msk $0xffff, v0  }
0x8f5: {  	v0 =	vld [tilespmem:$0x1F160];
	_ =	sdelay $0x4  }
0x8f6: {  	[tilespmem:s6+$0x12950] =	vst.add.f32.msk $0xffff, v0  }
0x8f7: {  	v0 =	vld [tilespmem:$0x1F170];
	_ =	sdelay $0x4  }
0x8f8: {  	[tilespmem:s6+$0x129D0] =	vst.add.f32.msk $0xffff, v0  }
0x8f9: {  	v0 =	vld [tilespmem:$0x1F180];
	_ =	sdelay $0x4  }
0x8fa: {  	[tilespmem:s6+$0x12A50] =	vst.add.f32.msk $0xffff, v0  }
0x8fb: {  	v0 =	vld [tilespmem:$0x1F190];
	_ =	sdelay $0x4  }
0x8fc: {  	[tilespmem:s6+$0x12AD0] =	vst.add.f32.msk $0xffff, v0  }
0x8fd: {  	v0 =	vld [tilespmem:$0x1F1A0];
	_ =	sdelay $0x3  }
0x8fe: {  	v2 =	vld [tilespmem:s6+$0x5300]  }
0x8ff: {  	[tilespmem:s6+$0x12B50] =	vst.add.f32.msk $0xffff, v0  }
0x900: {  	v0 =	vld [tilespmem:$0x1F1B0]  }
0x901: {  	v8 =	vld [tilespmem:s6+$0x5380]  }
0x902: {  	v9 =	vld [tilespmem:s6+$0x6800]  }
0x903: {  	v10 =	vld [tilespmem:s6+$0x6880]  }
0x904: {  	v11 =	vld [tilespmem:s6+$0x6900]  }
0x905: {  	[tilespmem:s6+$0x12BD0] =	vst.add.f32.msk $0xffff, v0  }
0x906: {  	v0 =	vld [tilespmem:$0x1F1C0]  }
0x907: {  	v12 =	vld [tilespmem:s6+$0x6980]  }
0x908: {  	v13 =	vld [tilespmem:s6+$0x6A00]  }
0x909: {  	v14 =	vld [tilespmem:s6+$0x6A80]  }
0x90a: {  	v15 =	vld [tilespmem:s6+$0x6B00]  }
0x90b: {  	[tilespmem:s6+$0x11060] =	vst.add.f32.msk $0xffff, v0  }
0x90c: {  	v0 =	vld [tilespmem:$0x1F1D0]  }
0x90d: {  	v16 =	vld [tilespmem:s6+$0x6B80]  }
0x90e: {  	v17 =	vld [tilespmem:s6+$0x5010]  }
0x90f: {  	v18 =	vld [tilespmem:s6+$0x5090]  }
0x910: {  	v19 =	vld [tilespmem:s6+$0x5110]  }
0x911: {  	[tilespmem:s6+$0x110E0] =	vst.add.f32.msk $0xffff, v0  }
0x912: {  	v0 =	vld [tilespmem:$0x1F1E0]  }
0x913: {  	v20 =	vld [tilespmem:s6+$0x5190]  }
0x914: {  	v21 =	vld [tilespmem:s6+$0x5210]  }
0x915: {  	v22 =	vld [tilespmem:s6+$0x5290]  }
0x916: {  	v23 =	vld [tilespmem:s6+$0x5310]  }
0x917: {  	[tilespmem:s6+$0x11160] =	vst.add.f32.msk $0xffff, v0  }
0x918: {  	v0 =	vld [tilespmem:$0x1F1F0]  }
0x919: {  	v24 =	vld [tilespmem:s6+$0x5390]  }
0x91a: {  	v25 =	vld [tilespmem:s6+$0x6810]  }
0x91b: {  	v26 =	vld [tilespmem:s6+$0x6890]  }
0x91c: {  	v27 =	vld [tilespmem:s6+$0x6910]  }
0x91d: {  	[tilespmem:s6+$0x111E0] =	vst.add.f32.msk $0xffff, v0  }
0x91e: {  	v0 =	vld [tilespmem:$0x1F200]  }
0x91f: {  	v28 =	vld [tilespmem:s6+$0x6990]  }
0x920: {  	v29 =	vld [tilespmem:s6+$0x6A10]  }
0x921: {  	v30 =	vld [tilespmem:s6+$0x6A90]  }
0x922: {  	v31 =	vld [tilespmem:s6+$0x6B10]  }
0x923: {  	[tilespmem:s6+$0x11260] =	vst.add.f32.msk $0xffff, v0  }
0x924: {  	v0 =	vld [tilespmem:$0x1F210]  }
0x925: {  	v32 =	vld [tilespmem:s6+$0x6B90]  }
0x926: {  	v33 =	vld [tilespmem:s6+$0x5020]  }
0x927: {  	v34 =	vld [tilespmem:s6+$0x50A0]  }
0x928: {  	v35 =	vld [tilespmem:s6+$0x5120]  }
0x929: {  	[tilespmem:s6+$0x112E0] =	vst.add.f32.msk $0xffff, v0  }
0x92a: {  	v0 =	vld [tilespmem:$0x1F220]  }
0x92b: {  	v36 =	vld [tilespmem:s6+$0x51A0]  }
0x92c: {  	v37 =	vld [tilespmem:s6+$0x5220]  }
0x92d: {  	v38 =	vld [tilespmem:s6+$0x52A0]  }
0x92e: {  	v39 =	vld [tilespmem:s6+$0x5320]  }
0x92f: {  	[tilespmem:s6+$0x11360] =	vst.add.f32.msk $0xffff, v0  }
0x930: {  	v0 =	vld [tilespmem:$0x1F230]  }
0x931: {  	v40 =	vld [tilespmem:s6+$0x53A0]  }
0x932: {  	v41 =	vld [tilespmem:s6+$0x6820]  }
0x933: {  	v42 =	vld [tilespmem:s6+$0x68A0]  }
0x934: {  	v43 =	vld [tilespmem:s6+$0x6920]  }
0x935: {  	[tilespmem:s6+$0x113E0] =	vst.add.f32.msk $0xffff, v0  }
0x936: {  	v0 =	vld [tilespmem:$0x1F240]  }
0x937: {  	v44 =	vld [tilespmem:s6+$0x69A0]  }
0x938: {  	v45 =	vld [tilespmem:s6+$0x6A20]  }
0x939: {  	v46 =	vld [tilespmem:s6+$0x6AA0]  }
0x93a: {  	v47 =	vld [tilespmem:s6+$0x6B20]  }
0x93b: {  	[tilespmem:s6+$0x12860] =	vst.add.f32.msk $0xffff, v0  }
0x93c: {  	v0 =	vld [tilespmem:$0x1F250]  }
0x93d: {  	v48 =	vld [tilespmem:s6+$0x6BA0]  }
0x93e: {  	v49 =	vld [tilespmem:s6+$0x5030]  }
0x93f: {  	v50 =	vld [tilespmem:s6+$0x50B0]  }
0x940: {  	v51 =	vld [tilespmem:s6+$0x5130]  }
0x941: {  	[tilespmem:s6+$0x128E0] =	vst.add.f32.msk $0xffff, v0  }
0x942: {  	v0 =	vld [tilespmem:$0x1F260]  }
0x943: {  	v52 =	vld [tilespmem:s6+$0x51B0]  }
0x944: {  	v53 =	vld [tilespmem:s6+$0x5230]  }
0x945: {  	v54 =	vld [tilespmem:s6+$0x52B0]  }
0x946: {  	v55 =	vld [tilespmem:s6+$0x5330]  }
0x947: {  	[tilespmem:s6+$0x12960] =	vst.add.f32.msk $0xffff, v0  }
0x948: {  	v0 =	vld [tilespmem:$0x1F270]  }
0x949: {  	v56 =	vld [tilespmem:s6+$0x53B0]  }
0x94a: {  	v57 =	vld [tilespmem:s6+$0x6830]  }
0x94b: {  	v58 =	vld [tilespmem:s6+$0x68B0]  }
0x94c: {  	v59 =	vld [tilespmem:s6+$0x6930]  }
0x94d: {  	[tilespmem:s6+$0x129E0] =	vst.add.f32.msk $0xffff, v0  }
0x94e: {  	v0 =	vld [tilespmem:$0x1F280]  }
0x94f: {  	v60 =	vld [tilespmem:s6+$0x69B0]  }
0x950: {  	v61 =	vld [tilespmem:s6+$0x6A30]  }
0x951: {  	v62 =	vld [tilespmem:s6+$0x6AB0]  }
0x952: {  	v63 =	vld [tilespmem:s6+$0x6B30]  }
0x953: {  	[tilespmem:s6+$0x12A60] =	vst.add.f32.msk $0xffff, v0  }
0x954: {  	v0 =	vld [tilespmem:$0x1F290]  }
0x955: {  	v4 =	vld [tilespmem:s6+$0x6BB0]  }
0x956: {  	v5 =	vld [tilespmem:s6+$0x5040]  }
0x957: {  	v6 =	vld [tilespmem:s6+$0x50C0]  }
0x958: {  	v7 =	vld [tilespmem:s6+$0x5140]  }
0x959: {  	[tilespmem:s6+$0x12AE0] =	vst.add.f32.msk $0xffff, v0  }
0x95a: {  	v0 =	vld [tilespmem:$0x1F2A0]  }
0x95b: {  	v3 =	vld [tilespmem:s6+$0x6B70]  }
0x95c: {  	[tilespmem:s6+$0x11300] =	vst.add.f32.msk $0xffff, v2  }
0x95d: {  	[tilespmem:s6+$0x11380] =	vst.add.f32.msk $0xffff, v8  }
0x95e: {  	[tilespmem:s6+$0x12800] =	vst.add.f32.msk $0xffff, v9  }
0x95f: {  	[tilespmem:s6+$0x12B60] =	vst.add.f32.msk $0xffff, v0  }
0x960: {  	v0 =	vld [tilespmem:$0x1F2B0]  }
0x961: {  	[tilespmem:s6+$0x12880] =	vst.add.f32.msk $0xffff, v10  }
0x962: {  	[tilespmem:s6+$0x12900] =	vst.add.f32.msk $0xffff, v11  }
0x963: {  	[tilespmem:s6+$0x12980] =	vst.add.f32.msk $0xffff, v12  }
0x964: {  	[tilespmem:s6+$0x12A00] =	vst.add.f32.msk $0xffff, v13  }
0x965: {  	[tilespmem:s6+$0x12BE0] =	vst.add.f32.msk $0xffff, v0  }
0x966: {  	v0 =	vld [tilespmem:$0x1F2C0]  }
0x967: {  	[tilespmem:s6+$0x12A80] =	vst.add.f32.msk $0xffff, v14  }
0x968: {  	[tilespmem:s6+$0x12B00] =	vst.add.f32.msk $0xffff, v15  }
0x969: {  	[tilespmem:s6+$0x12B80] =	vst.add.f32.msk $0xffff, v16  }
0x96a: {  	[tilespmem:s6+$0x11010] =	vst.add.f32.msk $0xffff, v17  }
0x96b: {  	[tilespmem:s6+$0x11070] =	vst.add.f32.msk $0xffff, v0  }
0x96c: {  	v0 =	vld [tilespmem:$0x1F2D0]  }
0x96d: {  	[tilespmem:s6+$0x11090] =	vst.add.f32.msk $0xffff, v18  }
0x96e: {  	[tilespmem:s6+$0x11110] =	vst.add.f32.msk $0xffff, v19  }
0x96f: {  	[tilespmem:s6+$0x11190] =	vst.add.f32.msk $0xffff, v20  }
0x970: {  	[tilespmem:s6+$0x11210] =	vst.add.f32.msk $0xffff, v21  }
0x971: {  	[tilespmem:s6+$0x110F0] =	vst.add.f32.msk $0xffff, v0  }
0x972: {  	v0 =	vld [tilespmem:$0x1F2E0]  }
0x973: {  	[tilespmem:s6+$0x11290] =	vst.add.f32.msk $0xffff, v22  }
0x974: {  	[tilespmem:s6+$0x11310] =	vst.add.f32.msk $0xffff, v23  }
0x975: {  	[tilespmem:s6+$0x11390] =	vst.add.f32.msk $0xffff, v24  }
0x976: {  	[tilespmem:s6+$0x12810] =	vst.add.f32.msk $0xffff, v25  }
0x977: {  	[tilespmem:s6+$0x11170] =	vst.add.f32.msk $0xffff, v0  }
0x978: {  	v0 =	vld [tilespmem:$0x1F2F0]  }
0x979: {  	[tilespmem:s6+$0x12890] =	vst.add.f32.msk $0xffff, v26  }
0x97a: {  	[tilespmem:s6+$0x12910] =	vst.add.f32.msk $0xffff, v27  }
0x97b: {  	[tilespmem:s6+$0x12990] =	vst.add.f32.msk $0xffff, v28  }
0x97c: {  	[tilespmem:s6+$0x12A10] =	vst.add.f32.msk $0xffff, v29  }
0x97d: {  	[tilespmem:s6+$0x111F0] =	vst.add.f32.msk $0xffff, v0  }
0x97e: {  	v0 =	vld [tilespmem:$0x1F300]  }
0x97f: {  	[tilespmem:s6+$0x12A90] =	vst.add.f32.msk $0xffff, v30  }
0x980: {  	[tilespmem:s6+$0x12B10] =	vst.add.f32.msk $0xffff, v31  }
0x981: {  	[tilespmem:s6+$0x12B90] =	vst.add.f32.msk $0xffff, v32  }
0x982: {  	[tilespmem:s6+$0x11020] =	vst.add.f32.msk $0xffff, v33  }
0x983: {  	[tilespmem:s6+$0x11270] =	vst.add.f32.msk $0xffff, v0  }
0x984: {  	v0 =	vld [tilespmem:$0x1F310]  }
0x985: {  	[tilespmem:s6+$0x110A0] =	vst.add.f32.msk $0xffff, v34  }
0x986: {  	[tilespmem:s6+$0x11120] =	vst.add.f32.msk $0xffff, v35  }
0x987: {  	[tilespmem:s6+$0x111A0] =	vst.add.f32.msk $0xffff, v36  }
0x988: {  	[tilespmem:s6+$0x11220] =	vst.add.f32.msk $0xffff, v37  }
0x989: {  	[tilespmem:s6+$0x112F0] =	vst.add.f32.msk $0xffff, v0  }
0x98a: {  	v0 =	vld [tilespmem:$0x1F320]  }
0x98b: {  	[tilespmem:s6+$0x112A0] =	vst.add.f32.msk $0xffff, v38  }
0x98c: {  	[tilespmem:s6+$0x11320] =	vst.add.f32.msk $0xffff, v39  }
0x98d: {  	[tilespmem:s6+$0x113A0] =	vst.add.f32.msk $0xffff, v40  }
0x98e: {  	[tilespmem:s6+$0x12820] =	vst.add.f32.msk $0xffff, v41  }
0x98f: {  	[tilespmem:s6+$0x11370] =	vst.add.f32.msk $0xffff, v0  }
0x990: {  	v0 =	vld [tilespmem:$0x1F330]  }
0x991: {  	[tilespmem:s6+$0x128A0] =	vst.add.f32.msk $0xffff, v42  }
0x992: {  	[tilespmem:s6+$0x12920] =	vst.add.f32.msk $0xffff, v43  }
0x993: {  	[tilespmem:s6+$0x129A0] =	vst.add.f32.msk $0xffff, v44  }
0x994: {  	[tilespmem:s6+$0x12A20] =	vst.add.f32.msk $0xffff, v45  }
0x995: {  	[tilespmem:s6+$0x113F0] =	vst.add.f32.msk $0xffff, v0  }
0x996: {  	v0 =	vld [tilespmem:$0x1F340]  }
0x997: {  	[tilespmem:s6+$0x12AA0] =	vst.add.f32.msk $0xffff, v46  }
0x998: {  	[tilespmem:s6+$0x12B20] =	vst.add.f32.msk $0xffff, v47  }
0x999: {  	[tilespmem:s6+$0x12BA0] =	vst.add.f32.msk $0xffff, v48  }
0x99a: {  	[tilespmem:s6+$0x11030] =	vst.add.f32.msk $0xffff, v49  }
0x99b: {  	[tilespmem:s6+$0x12870] =	vst.add.f32.msk $0xffff, v0  }
0x99c: {  	v0 =	vld [tilespmem:$0x1F350]  }
0x99d: {  	[tilespmem:s6+$0x110B0] =	vst.add.f32.msk $0xffff, v50  }
0x99e: {  	[tilespmem:s6+$0x11130] =	vst.add.f32.msk $0xffff, v51  }
0x99f: {  	[tilespmem:s6+$0x111B0] =	vst.add.f32.msk $0xffff, v52  }
0x9a0: {  	[tilespmem:s6+$0x11230] =	vst.add.f32.msk $0xffff, v53  }
0x9a1: {  	[tilespmem:s6+$0x128F0] =	vst.add.f32.msk $0xffff, v0  }
0x9a2: {  	v0 =	vld [tilespmem:$0x1F360]  }
0x9a3: {  	[tilespmem:s6+$0x112B0] =	vst.add.f32.msk $0xffff, v54  }
0x9a4: {  	[tilespmem:s6+$0x11330] =	vst.add.f32.msk $0xffff, v55  }
0x9a5: {  	[tilespmem:s6+$0x113B0] =	vst.add.f32.msk $0xffff, v56  }
0x9a6: {  	[tilespmem:s6+$0x12830] =	vst.add.f32.msk $0xffff, v57  }
0x9a7: {  	[tilespmem:s6+$0x12970] =	vst.add.f32.msk $0xffff, v0  }
0x9a8: {  	v0 =	vld [tilespmem:$0x1F370]  }
0x9a9: {  	[tilespmem:s6+$0x128B0] =	vst.add.f32.msk $0xffff, v58  }
0x9aa: {  	[tilespmem:s6+$0x12930] =	vst.add.f32.msk $0xffff, v59  }
0x9ab: {  	[tilespmem:s6+$0x129B0] =	vst.add.f32.msk $0xffff, v60  }
0x9ac: {  	[tilespmem:s6+$0x12A30] =	vst.add.f32.msk $0xffff, v61  }
0x9ad: {  	[tilespmem:s6+$0x129F0] =	vst.add.f32.msk $0xffff, v0  }
0x9ae: {  	v0 =	vld [tilespmem:$0x1F380]  }
0x9af: {  	[tilespmem:s6+$0x12AB0] =	vst.add.f32.msk $0xffff, v62  }
0x9b0: {  	[tilespmem:s6+$0x12B30] =	vst.add.f32.msk $0xffff, v63  }
0x9b1: {  	[tilespmem:s6+$0x12BB0] =	vst.add.f32.msk $0xffff, v4  }
0x9b2: {  	v1 =	vld [tilespmem:s6+$0x5280]  }
0x9b3: {  	[tilespmem:s6+$0x12A70] =	vst.add.f32.msk $0xffff, v0  }
0x9b4: {  	p0 =	slt.u32 s7, $0x28;
	v0 =	vld [tilespmem:$0x1F390]  }
.Ltmp9:
0x9b5: {  	[tilespmem:s6+$0x11040] =	vst.add.f32.msk $0xffff, v5;
	(pc) =	sbr.rel @p0 .LBB2_16-.Ltmp9, $4  }
0x9b6: {  	[tilespmem:s6+$0x110C0] =	vst.add.f32.msk $0xffff, v6  }
0x9b7: {  	[tilespmem:s6+$0x11140] =	vst.add.f32.msk $0xffff, v7  }
0x9b8: {  	[tilespmem:s6+$0x11280] =	vst.add.f32.msk $0xffff, v1  }
0x9b9: {  	s7 =	sadd.s32 $0x8, s7;
	[tilespmem:s6+$0x12AF0] =	vst.add.f32.msk $0xffff, v0  }
0x9ba: {  	s7 =	sshll.u32 s12, $0x4  }
0x9bb: {  	s7 =	sadd.s32 s5, s7  }
.Ltmp10:
0x9bc: {  	s7 =	sshrl.u32 s7, $0x3;
	(pc) =	sbr.rel .LBB2_2-.Ltmp10, $4  }
0x9bd: {  	s7 =	smul.u32 $0x300, s7  }
0x9be: {  	[tilespmem:s6+$0x12B70] =	vst.add.f32.msk $0xffff, v3  }
0x9bf: {  	s0 =	sadd.s32 $0x1, s0;
	_ =	strace $0x90000053;
	s12 =	sadd.s32 s3, s7  }
0x9c0: {  	[hbm4b:s12+s4] =	stream.linear.scatter [tilespmem:s23], [sflag:$0x2], $0x3000, $0x38;
	[tilespmem:$0x1A000] =	vst v63  }
.LBB2_19:
0x9c1: {  	_ =	sfence.sel $0x180000  }
0x9c2: {  	[bflag:$0x0] =	sbarrier.arrive $0xFFFF  }
0x9c3: {  	_ =	strace $0x90000047  }
0x9c4: {  	s0 =	stileid.u32;
	[bflag:$0x2] =	sbarrier.arrive $0xFFFF  }
0x9c5: {  	p0 =	sne.s32 s0, $0x0;
	s0 =	rddreg [dreg:$0x3]  }
0x9c6: {  	s0 =	sadd.s32 @!p0 $0x100000, s0  }
0x9c7: {  	[sflag:s0] =	ssyncadd.tile.s32 @!p0 $0x1;
	_ =	shalt  }
.Lfunc_end2:
_tile_overlayer_lowered:
.L_overlay_start_2:
0x9c8: {  	(tag) =	ssettag $0x2  }
0x9c9: {  	s0 =	rddreg [dreg:$0x0];
	s2 =	stileid.u32  }
0x9ca: {  	s1 =	rddreg [dreg:$0x1];
	p0 =	sne.s32 s2, $0x0  }
0x9cb: {  	s3 =	rddreg [dreg:$0x2];
	[bflag:$0x3] =	sbarrier.arrive $0xFFFF;
	s2 =	simm.s32 @!p0 $0x1C05  }
0x9cc: {  	[timem:s3], [sflag:s2] =	dma.local @!p0 [hbm:s0], s1  }
0x9cd: {  	s0 =	simm.s32 @!p0 $0x5  }
0x9ce: {  	_ =	swait.ge @!p0 [sflag:s0], s1  }
0x9cf: {  	s1 =	ssub.s32 @!p0 $0x0, s1;
	[sflag:s0] =	ssyncset.done @!p0 $0x0  }
0x9d0: {  	[sflag:s0] =	ssyncadd.s32 @!p0 s1  }
0x9d1: {  	[bflag:$0x3] =	sbarrier.arrive $0xFFFF  }
0x9d2: {  	_ =	shalt  }

</sc_bundles>
